<compile_context>
chip_gen: v7x
topology: tpu7x:2x2x1
jax: 0.10.2.dev20260603
libtpu: 0.0.44.dev20260713+nightly
codegen_flags: <defaults>
</compile_context>

<pallas_src>
import functools

import jax
import jax.numpy as jnp
from jax import lax
from jax.experimental import pallas as pl
from jax.experimental.pallas import tpu as pltpu
from jax.experimental.pallas import tpu_sc as plsc

VOCAB = 100000
D = 1024
B = 4 * 4096
NC, NS = 2, 16
NW = NC * NS
B_PER_W = B // NW
CHUNK = 16
NCHUNK = B_PER_W // CHUNK
NB = 6
GDEPTH = 4

_mesh = plsc.VectorSubcoreMesh(core_axis_name="c", subcore_axis_name="s")


@functools.partial(
    pl.kernel,
    mesh=_mesh,
    out_type=jax.ShapeDtypeStruct((B, D), jnp.float32),
    scratch_types=[
        pltpu.VMEM((NCHUNK, CHUNK), jnp.int32),
    ] + [pltpu.VMEM((CHUNK, D), jnp.float32)] * NB
      + [pltpu.SemaphoreType.DMA] * (2 * NB),
)
def _embed_sc(tokens_hbm, table_hbm, out_hbm, idx_v, *bufs_and_sems):
    rows = bufs_and_sems[:NB]
    gsems = bufs_and_sems[NB:2 * NB]
    wsems = bufs_and_sems[2 * NB:]
    wid = lax.axis_index("s") * NC + lax.axis_index("c")
    base = wid * B_PER_W
    pltpu.sync_copy(tokens_hbm.at[wid], idx_v)
    gathers = [None] * NCHUNK
    writes = [None] * NCHUNK
    for b in range(GDEPTH):
        gathers[b] = pltpu.async_copy(table_hbm.at[idx_v.at[b]],
                                      rows[b % NB], gsems[b % NB])
    for j in range(NCHUNK):
        b = j % NB
        nxt = j + GDEPTH
        if nxt < NCHUNK:
            nb = nxt % NB
            if nxt - NB >= 0:
                writes[nxt - NB].wait()
            gathers[nxt] = pltpu.async_copy(table_hbm.at[idx_v.at[nxt]],
                                            rows[nb], gsems[nb])
        gathers[j].wait()
        writes[j] = pltpu.async_copy(
            rows[b], out_hbm.at[pl.ds(base + j * CHUNK, CHUNK)], wsems[b])
    for j in range(NCHUNK - NB, NCHUNK):
        writes[j].wait()


@jax.jit
def kernel(tokens, table):
    toks = tokens.reshape(NW, NCHUNK, CHUNK)
    out = _embed_sc(toks, table)
    return out.reshape(tokens.shape + (D,))

# --- scband reference (transcript-rebuilt; emitter-appended) ---
"""Pipeline reference for scband-embed-21268678050515 (READ-ONLY COPY).

The authoritative reference and input builder live on the scoring server;
editing this copy changes nothing except your own understanding.
"""

import jax, jax.numpy as jnp
import numpy as np

VOCAB = 100000
D_MODEL = 1024
INIT_STD = 0.02


def setup_inputs(seed: int = 0) -> dict:
    key = jax.random.key(seed)
    k_tok, k_tab = jax.random.split(key)
    tokens = jax.random.randint(k_tok, (4, 4096), 0, VOCAB, dtype=jnp.int64 if jax.config.jax_enable_x64 else jnp.int32).astype(jnp.int32)
    table = jax.random.normal(k_tab, (VOCAB, D_MODEL), dtype=jnp.float32) * INIT_STD
    return {"tokens": tokens, "table": table}


def reference(tokens, table):
    # nn.Embedding lookup: gather rows of the table by token id
    return jnp.take(table, tokens, axis=0)

if __name__ == "__main__":
    import jax
    _d = setup_inputs()
    print(jax.jit(kernel)(*tuple(_d.values())))

</pallas_src>

<mosaic_0001>
#map = affine_map<(d0, d1) -> (0, 0, 0)>
#map1 = affine_map<(d0, d1) -> (0, 0)>
module attributes {stable_mosaic.version = 14 : i64} {
  func.func @_embed_sc(%arg0: i32, %arg1: i32, %arg2: memref<32x32x16xi32, #tpu.memory_space<hbm>>, %arg3: memref<100000x1024xf32, #tpu.memory_space<hbm>>, %arg4: memref<16384x1024xf32, #tpu.memory_space<hbm>>, %arg5: memref<32x16xi32, #tpu.memory_space<vmem>>, %arg6: memref<16x1024xf32, #tpu.memory_space<vmem>>, %arg7: memref<16x1024xf32, #tpu.memory_space<vmem>>, %arg8: memref<16x1024xf32, #tpu.memory_space<vmem>>, %arg9: memref<16x1024xf32, #tpu.memory_space<vmem>>, %arg10: memref<16x1024xf32, #tpu.memory_space<vmem>>, %arg11: memref<16x1024xf32, #tpu.memory_space<vmem>>, %arg12: memref<!tpu.dma_semaphore, #tpu.memory_space<semaphore_mem>>, %arg13: memref<!tpu.dma_semaphore, #tpu.memory_space<semaphore_mem>>, %arg14: memref<!tpu.dma_semaphore, #tpu.memory_space<semaphore_mem>>, %arg15: memref<!tpu.dma_semaphore, #tpu.memory_space<semaphore_mem>>, %arg16: memref<!tpu.dma_semaphore, #tpu.memory_space<semaphore_mem>>, %arg17: memref<!tpu.dma_semaphore, #tpu.memory_space<semaphore_mem>>, %arg18: memref<!tpu.dma_semaphore, #tpu.memory_space<semaphore_mem>>, %arg19: memref<!tpu.dma_semaphore, #tpu.memory_space<semaphore_mem>>, %arg20: memref<!tpu.dma_semaphore, #tpu.memory_space<semaphore_mem>>, %arg21: memref<!tpu.dma_semaphore, #tpu.memory_space<semaphore_mem>>, %arg22: memref<!tpu.dma_semaphore, #tpu.memory_space<semaphore_mem>>, %arg23: memref<!tpu.dma_semaphore, #tpu.memory_space<semaphore_mem>>) attributes {dimension_semantics = [#tpu.dimension_semantics<core_parallel>, #tpu.dimension_semantics<subcore_parallel>], iteration_bounds = array<i64: 2, 16>, scalar_prefetch = 0 : i64, scratch_operands = 19 : i64, tpu.core_type = #tpu.core_type<sc_vector_subcore>, window_params = [{transform_indices = #map}, {transform_indices = #map1}, {transform_indices = #map1}]} {
    %mul3A = arith.constant 2 : i32
    %mul3A_0 = arith.muli %arg1, %mul3A : i32
    %add3A = arith.addi %mul3A_0, %arg0 : i32
    %mul3A_1 = arith.constant 512 : i32
    %mul3A_2 = arith.muli %add3A, %mul3A_1 : i32
    "tpu.region"() ({
      %run_scoped3A = tpu.sem_alloc : memref<!tpu.dma_semaphore, #tpu.memory_space<semaphore_mem>>
      %dma_start3A_769 = arith.constant 0 : i32
      %dma_start3A_770 = arith.constant 0 : i32
      %dma_start3A_771 = tpu.memref_slice %arg2[%add3A, %dma_start3A_769, %dma_start3A_770] : memref<32x32x16xi32, #tpu.memory_space<hbm>> -> memref<1x32x16xi32, #tpu.memory_space<hbm>>
      %dma_start3A_772 = tpu.memref_squeeze %dma_start3A_771 : memref<1x32x16xi32, #tpu.memory_space<hbm>> -> memref<32x16xi32, #tpu.memory_space<hbm>>
      %dma_start3A_773 = arith.constant 0 : i32
      %dma_start3A_774 = arith.constant 0 : i32
      %dma_start3A_775 = tpu.memref_slice %arg2[%add3A, %dma_start3A_773, %dma_start3A_774] : memref<32x32x16xi32, #tpu.memory_space<hbm>> -> memref<1x32x16xi32, #tpu.memory_space<hbm>>
      %dma_start3A_776 = tpu.memref_squeeze %dma_start3A_775 : memref<1x32x16xi32, #tpu.memory_space<hbm>> -> memref<32x16xi32, #tpu.memory_space<hbm>>
      tpu.enqueue_dma source(%dma_start3A_776 : memref<32x16xi32, #tpu.memory_space<hbm>>) target(%arg5 : memref<32x16xi32, #tpu.memory_space<vmem>>) target_semaphore(%run_scoped3A : memref<!tpu.dma_semaphore, #tpu.memory_space<semaphore_mem>>)
      %dma_wait3A_777 = arith.constant 0 : i32
      %dma_wait3A_778 = arith.constant 0 : i32
      %dma_wait3A_779 = tpu.memref_slice %arg2[%add3A, %dma_wait3A_777, %dma_wait3A_778] : memref<32x32x16xi32, #tpu.memory_space<hbm>> -> memref<1x32x16xi32, #tpu.memory_space<hbm>>
      %dma_wait3A_780 = tpu.memref_squeeze %dma_wait3A_779 : memref<1x32x16xi32, #tpu.memory_space<hbm>> -> memref<32x16xi32, #tpu.memory_space<hbm>>
      %dma_wait3A_781 = arith.constant 0 : i32
      %dma_wait3A_782 = arith.constant 0 : i32
      %dma_wait3A_783 = tpu.memref_slice %arg2[%add3A, %dma_wait3A_781, %dma_wait3A_782] : memref<32x32x16xi32, #tpu.memory_space<hbm>> -> memref<1x32x16xi32, #tpu.memory_space<hbm>>
      %dma_wait3A_784 = tpu.memref_squeeze %dma_wait3A_783 : memref<1x32x16xi32, #tpu.memory_space<hbm>> -> memref<32x16xi32, #tpu.memory_space<hbm>>
      tpu.wait_dma2 semaphore(%run_scoped3A : memref<!tpu.dma_semaphore, #tpu.memory_space<semaphore_mem>>) src(%dma_wait3A_784 : memref<32x16xi32, #tpu.memory_space<hbm>>) dst(%arg5 : memref<32x16xi32, #tpu.memory_space<vmem>>)
      tpu.yield
    }) : () -> ()
    %dma_start3A = arith.constant 0 : i32
    %dma_start3A_3 = arith.constant 0 : i32
    %dma_start3A_4 = tpu.memref_slice %arg5[%dma_start3A, %dma_start3A_3] : memref<32x16xi32, #tpu.memory_space<vmem>> -> memref<1x16xi32, #tpu.memory_space<vmem>>
    %dma_start3A_5 = tpu.memref_squeeze %dma_start3A_4 : memref<1x16xi32, #tpu.memory_space<vmem>> -> memref<16xi32, #tpu.memory_space<vmem>>
    %dma_start3A_6 = arith.constant 0 : i32
    %dma_start3A_7 = arith.constant 0 : i32
    %dma_start3A_8 = tpu.memref_slice %arg3[%dma_start3A_6, %dma_start3A_7] : memref<100000x1024xf32, #tpu.memory_space<hbm>> -> memref<100000x1024xf32, #tpu.memory_space<hbm>>
    tpu.enqueue_indirect_dma source(%dma_start3A_8 : memref<100000x1024xf32, #tpu.memory_space<hbm>>) target(%arg6 : memref<16x1024xf32, #tpu.memory_space<vmem>>) offsets(%dma_start3A_5 : memref<16xi32, #tpu.memory_space<vmem>>) semaphore(%arg12 : memref<!tpu.dma_semaphore, #tpu.memory_space<semaphore_mem>>)
    %dma_start3A_9 = arith.constant 1 : i32
    %dma_start3A_10 = arith.constant 0 : i32
    %dma_start3A_11 = tpu.memref_slice %arg5[%dma_start3A_9, %dma_start3A_10] : memref<32x16xi32, #tpu.memory_space<vmem>> -> memref<1x16xi32, #tpu.memory_space<vmem>>
    %dma_start3A_12 = tpu.memref_squeeze %dma_start3A_11 : memref<1x16xi32, #tpu.memory_space<vmem>> -> memref<16xi32, #tpu.memory_space<vmem>>
    %dma_start3A_13 = arith.constant 0 : i32
    %dma_start3A_14 = arith.constant 0 : i32
    %dma_start3A_15 = tpu.memref_slice %arg3[%dma_start3A_13, %dma_start3A_14] : memref<100000x1024xf32, #tpu.memory_space<hbm>> -> memref<100000x1024xf32, #tpu.memory_space<hbm>>
    tpu.enqueue_indirect_dma source(%dma_start3A_15 : memref<100000x1024xf32, #tpu.memory_space<hbm>>) target(%arg7 : memref<16x1024xf32, #tpu.memory_space<vmem>>) offsets(%dma_start3A_12 : memref<16xi32, #tpu.memory_space<vmem>>) semaphore(%arg13 : memref<!tpu.dma_semaphore, #tpu.memory_space<semaphore_mem>>)
    %dma_start3A_16 = arith.constant 2 : i32
    %dma_start3A_17 = arith.constant 0 : i32
    %dma_start3A_18 = tpu.memref_slice %arg5[%dma_start3A_16, %dma_start3A_17] : memref<32x16xi32, #tpu.memory_space<vmem>> -> memref<1x16xi32, #tpu.memory_space<vmem>>
    %dma_start3A_19 = tpu.memref_squeeze %dma_start3A_18 : memref<1x16xi32, #tpu.memory_space<vmem>> -> memref<16xi32, #tpu.memory_space<vmem>>
    %dma_start3A_20 = arith.constant 0 : i32
    %dma_start3A_21 = arith.constant 0 : i32
    %dma_start3A_22 = tpu.memref_slice %arg3[%dma_start3A_20, %dma_start3A_21] : memref<100000x1024xf32, #tpu.memory_space<hbm>> -> memref<100000x1024xf32, #tpu.memory_space<hbm>>
    tpu.enqueue_indirect_dma source(%dma_start3A_22 : memref<100000x1024xf32, #tpu.memory_space<hbm>>) target(%arg8 : memref<16x1024xf32, #tpu.memory_space<vmem>>) offsets(%dma_start3A_19 : memref<16xi32, #tpu.memory_space<vmem>>) semaphore(%arg14 : memref<!tpu.dma_semaphore, #tpu.memory_space<semaphore_mem>>)
    %dma_start3A_23 = arith.constant 3 : i32
    %dma_start3A_24 = arith.constant 0 : i32
    %dma_start3A_25 = tpu.memref_slice %arg5[%dma_start3A_23, %dma_start3A_24] : memref<32x16xi32, #tpu.memory_space<vmem>> -> memref<1x16xi32, #tpu.memory_space<vmem>>
    %dma_start3A_26 = tpu.memref_squeeze %dma_start3A_25 : memref<1x16xi32, #tpu.memory_space<vmem>> -> memref<16xi32, #tpu.memory_space<vmem>>
    %dma_start3A_27 = arith.constant 0 : i32
    %dma_start3A_28 = arith.constant 0 : i32
    %dma_start3A_29 = tpu.memref_slice %arg3[%dma_start3A_27, %dma_start3A_28] : memref<100000x1024xf32, #tpu.memory_space<hbm>> -> memref<100000x1024xf32, #tpu.memory_space<hbm>>
    tpu.enqueue_indirect_dma source(%dma_start3A_29 : memref<100000x1024xf32, #tpu.memory_space<hbm>>) target(%arg9 : memref<16x1024xf32, #tpu.memory_space<vmem>>) offsets(%dma_start3A_26 : memref<16xi32, #tpu.memory_space<vmem>>) semaphore(%arg15 : memref<!tpu.dma_semaphore, #tpu.memory_space<semaphore_mem>>)
    %dma_start3A_30 = arith.constant 4 : i32
    %dma_start3A_31 = arith.constant 0 : i32
    %dma_start3A_32 = tpu.memref_slice %arg5[%dma_start3A_30, %dma_start3A_31] : memref<32x16xi32, #tpu.memory_space<vmem>> -> memref<1x16xi32, #tpu.memory_space<vmem>>
    %dma_start3A_33 = tpu.memref_squeeze %dma_start3A_32 : memref<1x16xi32, #tpu.memory_space<vmem>> -> memref<16xi32, #tpu.memory_space<vmem>>
    %dma_start3A_34 = arith.constant 0 : i32
    %dma_start3A_35 = arith.constant 0 : i32
    %dma_start3A_36 = tpu.memref_slice %arg3[%dma_start3A_34, %dma_start3A_35] : memref<100000x1024xf32, #tpu.memory_space<hbm>> -> memref<100000x1024xf32, #tpu.memory_space<hbm>>
    tpu.enqueue_indirect_dma source(%dma_start3A_36 : memref<100000x1024xf32, #tpu.memory_space<hbm>>) target(%arg10 : memref<16x1024xf32, #tpu.memory_space<vmem>>) offsets(%dma_start3A_33 : memref<16xi32, #tpu.memory_space<vmem>>) semaphore(%arg16 : memref<!tpu.dma_semaphore, #tpu.memory_space<semaphore_mem>>)
    %dma_wait3A = arith.constant 0 : i32
    %dma_wait3A_37 = arith.constant 0 : i32
    %dma_wait3A_38 = tpu.memref_slice %arg5[%dma_wait3A, %dma_wait3A_37] : memref<32x16xi32, #tpu.memory_space<vmem>> -> memref<1x16xi32, #tpu.memory_space<vmem>>
    %dma_wait3A_39 = tpu.memref_squeeze %dma_wait3A_38 : memref<1x16xi32, #tpu.memory_space<vmem>> -> memref<16xi32, #tpu.memory_space<vmem>>
    %dma_wait3A_40 = arith.constant 0 : i32
    %dma_wait3A_41 = arith.constant 0 : i32
    %dma_wait3A_42 = tpu.memref_slice %arg3[%dma_wait3A_40, %dma_wait3A_41] : memref<100000x1024xf32, #tpu.memory_space<hbm>> -> memref<100000x1024xf32, #tpu.memory_space<hbm>>
    tpu.wait_indirect_dma semaphore(%arg12 : memref<!tpu.dma_semaphore, #tpu.memory_space<semaphore_mem>>) src(%dma_wait3A_42 : memref<100000x1024xf32, #tpu.memory_space<hbm>>) dst(%arg6 : memref<16x1024xf32, #tpu.memory_space<vmem>>)
    %add3A_43 = arith.constant 0 : i32
    %add3A_44 = arith.addi %mul3A_2, %add3A_43 : i32
    %dma_start3A_45 = arith.constant 0 : i32
    %dma_start3A_46 = tpu.memref_slice %arg4[%add3A_44, %dma_start3A_45] : memref<16384x1024xf32, #tpu.memory_space<hbm>> -> memref<16x1024xf32, #tpu.memory_space<hbm>>
    %dma_start3A_47 = arith.constant 0 : i32
    %dma_start3A_48 = tpu.memref_slice %arg4[%add3A_44, %dma_start3A_47] : memref<16384x1024xf32, #tpu.memory_space<hbm>> -> memref<16x1024xf32, #tpu.memory_space<hbm>>
    tpu.enqueue_dma source(%arg6 : memref<16x1024xf32, #tpu.memory_space<vmem>>) target(%dma_start3A_48 : memref<16x1024xf32, #tpu.memory_space<hbm>>) target_semaphore(%arg18 : memref<!tpu.dma_semaphore, #tpu.memory_space<semaphore_mem>>)
    %dma_start3A_49 = arith.constant 5 : i32
    %dma_start3A_50 = arith.constant 0 : i32
    %dma_start3A_51 = tpu.memref_slice %arg5[%dma_start3A_49, %dma_start3A_50] : memref<32x16xi32, #tpu.memory_space<vmem>> -> memref<1x16xi32, #tpu.memory_space<vmem>>
    %dma_start3A_52 = tpu.memref_squeeze %dma_start3A_51 : memref<1x16xi32, #tpu.memory_space<vmem>> -> memref<16xi32, #tpu.memory_space<vmem>>
    %dma_start3A_53 = arith.constant 0 : i32
    %dma_start3A_54 = arith.constant 0 : i32
    %dma_start3A_55 = tpu.memref_slice %arg3[%dma_start3A_53, %dma_start3A_54] : memref<100000x1024xf32, #tpu.memory_space<hbm>> -> memref<100000x1024xf32, #tpu.memory_space<hbm>>
    tpu.enqueue_indirect_dma source(%dma_start3A_55 : memref<100000x1024xf32, #tpu.memory_space<hbm>>) target(%arg11 : memref<16x1024xf32, #tpu.memory_space<vmem>>) offsets(%dma_start3A_52 : memref<16xi32, #tpu.memory_space<vmem>>) semaphore(%arg17 : memref<!tpu.dma_semaphore, #tpu.memory_space<semaphore_mem>>)
    %dma_wait3A_56 = arith.constant 1 : i32
    %dma_wait3A_57 = arith.constant 0 : i32
    %dma_wait3A_58 = tpu.memref_slice %arg5[%dma_wait3A_56, %dma_wait3A_57] : memref<32x16xi32, #tpu.memory_space<vmem>> -> memref<1x16xi32, #tpu.memory_space<vmem>>
    %dma_wait3A_59 = tpu.memref_squeeze %dma_wait3A_58 : memref<1x16xi32, #tpu.memory_space<vmem>> -> memref<16xi32, #tpu.memory_space<vmem>>
    %dma_wait3A_60 = arith.constant 0 : i32
    %dma_wait3A_61 = arith.constant 0 : i32
    %dma_wait3A_62 = tpu.memref_slice %arg3[%dma_wait3A_60, %dma_wait3A_61] : memref<100000x1024xf32, #tpu.memory_space<hbm>> -> memref<100000x1024xf32, #tpu.memory_space<hbm>>
    tpu.wait_indirect_dma semaphore(%arg13 : memref<!tpu.dma_semaphore, #tpu.memory_space<semaphore_mem>>) src(%dma_wait3A_62 : memref<100000x1024xf32, #tpu.memory_space<hbm>>) dst(%arg7 : memref<16x1024xf32, #tpu.memory_space<vmem>>)
    %add3A_63 = arith.constant 16 : i32
    %add3A_64 = arith.addi %mul3A_2, %add3A_63 : i32
    %dma_start3A_65 = arith.constant 0 : i32
    %dma_start3A_66 = tpu.memref_slice %arg4[%add3A_64, %dma_start3A_65] : memref<16384x1024xf32, #tpu.memory_space<hbm>> -> memref<16x1024xf32, #tpu.memory_space<hbm>>
    %dma_start3A_67 = arith.constant 0 : i32
    %dma_start3A_68 = tpu.memref_slice %arg4[%add3A_64, %dma_start3A_67] : memref<16384x1024xf32, #tpu.memory_space<hbm>> -> memref<16x1024xf32, #tpu.memory_space<hbm>>
    tpu.enqueue_dma source(%arg7 : memref<16x1024xf32, #tpu.memory_space<vmem>>) target(%dma_start3A_68 : memref<16x1024xf32, #tpu.memory_space<hbm>>) target_semaphore(%arg19 : memref<!tpu.dma_semaphore, #tpu.memory_space<semaphore_mem>>)
    %dma_wait3A_69 = arith.constant 0 : i32
    %dma_wait3A_70 = tpu.memref_slice %arg4[%add3A_44, %dma_wait3A_69] : memref<16384x1024xf32, #tpu.memory_space<hbm>> -> memref<16x1024xf32, #tpu.memory_space<hbm>>
    %dma_wait3A_71 = arith.constant 0 : i32
    %dma_wait3A_72 = tpu.memref_slice %arg4[%add3A_44, %dma_wait3A_71] : memref<16384x1024xf32, #tpu.memory_space<hbm>> -> memref<16x1024xf32, #tpu.memory_space<hbm>>
    tpu.wait_dma2 semaphore(%arg18 : memref<!tpu.dma_semaphore, #tpu.memory_space<semaphore_mem>>) src(%arg6 : memref<16x1024xf32, #tpu.memory_space<vmem>>) dst(%dma_wait3A_72 : memref<16x1024xf32, #tpu.memory_space<hbm>>)
    %dma_start3A_73 = arith.constant 6 : i32
    %dma_start3A_74 = arith.constant 0 : i32
    %dma_start3A_75 = tpu.memref_slice %arg5[%dma_start3A_73, %dma_start3A_74] : memref<32x16xi32, #tpu.memory_space<vmem>> -> memref<1x16xi32, #tpu.memory_space<vmem>>
    %dma_start3A_76 = tpu.memref_squeeze %dma_start3A_75 : memref<1x16xi32, #tpu.memory_space<vmem>> -> memref<16xi32, #tpu.memory_space<vmem>>
    %dma_start3A_77 = arith.constant 0 : i32
    %dma_start3A_78 = arith.constant 0 : i32
    %dma_start3A_79 = tpu.memref_slice %arg3[%dma_start3A_77, %dma_start3A_78] : memref<100000x1024xf32, #tpu.memory_space<hbm>> -> memref<100000x1024xf32, #tpu.memory_space<hbm>>
    tpu.enqueue_indirect_dma source(%dma_start3A_79 : memref<100000x1024xf32, #tpu.memory_space<hbm>>) target(%arg6 : memref<16x1024xf32, #tpu.memory_space<vmem>>) offsets(%dma_start3A_76 : memref<16xi32, #tpu.memory_space<vmem>>) semaphore(%arg12 : memref<!tpu.dma_semaphore, #tpu.memory_space<semaphore_mem>>)
    %dma_wait3A_80 = arith.constant 2 : i32
    %dma_wait3A_81 = arith.constant 0 : i32
    %dma_wait3A_82 = tpu.memref_slice %arg5[%dma_wait3A_80, %dma_wait3A_81] : memref<32x16xi32, #tpu.memory_space<vmem>> -> memref<1x16xi32, #tpu.memory_space<vmem>>
    %dma_wait3A_83 = tpu.memref_squeeze %dma_wait3A_82 : memref<1x16xi32, #tpu.memory_space<vmem>> -> memref<16xi32, #tpu.memory_space<vmem>>
    %dma_wait3A_84 = arith.constant 0 : i32
    %dma_wait3A_85 = arith.constant 0 : i32
    %dma_wait3A_86 = tpu.memref_slice %arg3[%dma_wait3A_84, %dma_wait3A_85] : memref<100000x1024xf32, #tpu.memory_space<hbm>> -> memref<100000x1024xf32, #tpu.memory_space<hbm>>
    tpu.wait_indirect_dma semaphore(%arg14 : memref<!tpu.dma_semaphore, #tpu.memory_space<semaphore_mem>>) src(%dma_wait3A_86 : memref<100000x1024xf32, #tpu.memory_space<hbm>>) dst(%arg8 : memref<16x1024xf32, #tpu.memory_space<vmem>>)
    %add3A_87 = arith.constant 32 : i32
    %add3A_88 = arith.addi %mul3A_2, %add3A_87 : i32
    %dma_start3A_89 = arith.constant 0 : i32
    %dma_start3A_90 = tpu.memref_slice %arg4[%add3A_88, %dma_start3A_89] : memref<16384x1024xf32, #tpu.memory_space<hbm>> -> memref<16x1024xf32, #tpu.memory_space<hbm>>
    %dma_start3A_91 = arith.constant 0 : i32
    %dma_start3A_92 = tpu.memref_slice %arg4[%add3A_88, %dma_start3A_91] : memref<16384x1024xf32, #tpu.memory_space<hbm>> -> memref<16x1024xf32, #tpu.memory_space<hbm>>
    tpu.enqueue_dma source(%arg8 : memref<16x1024xf32, #tpu.memory_space<vmem>>) target(%dma_start3A_92 : memref<16x1024xf32, #tpu.memory_space<hbm>>) target_semaphore(%arg20 : memref<!tpu.dma_semaphore, #tpu.memory_space<semaphore_mem>>)
    %dma_wait3A_93 = arith.constant 0 : i32
    %dma_wait3A_94 = tpu.memref_slice %arg4[%add3A_64, %dma_wait3A_93] : memref<16384x1024xf32, #tpu.memory_space<hbm>> -> memref<16x1024xf32, #tpu.memory_space<hbm>>
    %dma_wait3A_95 = arith.constant 0 : i32
    %dma_wait3A_96 = tpu.memref_slice %arg4[%add3A_64, %dma_wait3A_95] : memref<16384x1024xf32, #tpu.memory_space<hbm>> -> memref<16x1024xf32, #tpu.memory_space<hbm>>
    tpu.wait_dma2 semaphore(%arg19 : memref<!tpu.dma_semaphore, #tpu.memory_space<semaphore_mem>>) src(%arg7 : memref<16x1024xf32, #tpu.memory_space<vmem>>) dst(%dma_wait3A_96 : memref<16x1024xf32, #tpu.memory_space<hbm>>)
    %dma_start3A_97 = arith.constant 7 : i32
    %dma_start3A_98 = arith.constant 0 : i32
    %dma_start3A_99 = tpu.memref_slice %arg5[%dma_start3A_97, %dma_start3A_98] : memref<32x16xi32, #tpu.memory_space<vmem>> -> memref<1x16xi32, #tpu.memory_space<vmem>>
    %dma_start3A_100 = tpu.memref_squeeze %dma_start3A_99 : memref<1x16xi32, #tpu.memory_space<vmem>> -> memref<16xi32, #tpu.memory_space<vmem>>
    %dma_start3A_101 = arith.constant 0 : i32
    %dma_start3A_102 = arith.constant 0 : i32
    %dma_start3A_103 = tpu.memref_slice %arg3[%dma_start3A_101, %dma_start3A_102] : memref<100000x1024xf32, #tpu.memory_space<hbm>> -> memref<100000x1024xf32, #tpu.memory_space<hbm>>
    tpu.enqueue_indirect_dma source(%dma_start3A_103 : memref<100000x1024xf32, #tpu.memory_space<hbm>>) target(%arg7 : memref<16x1024xf32, #tpu.memory_space<vmem>>) offsets(%dma_start3A_100 : memref<16xi32, #tpu.memory_space<vmem>>) semaphore(%arg13 : memref<!tpu.dma_semaphore, #tpu.memory_space<semaphore_mem>>)
    %dma_wait3A_104 = arith.constant 3 : i32
    %dma_wait3A_105 = arith.constant 0 : i32
    %dma_wait3A_106 = tpu.memref_slice %arg5[%dma_wait3A_104, %dma_wait3A_105] : memref<32x16xi32, #tpu.memory_space<vmem>> -> memref<1x16xi32, #tpu.memory_space<vmem>>
    %dma_wait3A_107 = tpu.memref_squeeze %dma_wait3A_106 : memref<1x16xi32, #tpu.memory_space<vmem>> -> memref<16xi32, #tpu.memory_space<vmem>>
    %dma_wait3A_108 = arith.constant 0 : i32
    %dma_wait3A_109 = arith.constant 0 : i32
    %dma_wait3A_110 = tpu.memref_slice %arg3[%dma_wait3A_108, %dma_wait3A_109] : memref<100000x1024xf32, #tpu.memory_space<hbm>> -> memref<100000x1024xf32, #tpu.memory_space<hbm>>
    tpu.wait_indirect_dma semaphore(%arg15 : memref<!tpu.dma_semaphore, #tpu.memory_space<semaphore_mem>>) src(%dma_wait3A_110 : memref<100000x1024xf32, #tpu.memory_space<hbm>>) dst(%arg9 : memref<16x1024xf32, #tpu.memory_space<vmem>>)
    %add3A_111 = arith.constant 48 : i32
    %add3A_112 = arith.addi %mul3A_2, %add3A_111 : i32
    %dma_start3A_113 = arith.constant 0 : i32
    %dma_start3A_114 = tpu.memref_slice %arg4[%add3A_112, %dma_start3A_113] : memref<16384x1024xf32, #tpu.memory_space<hbm>> -> memref<16x1024xf32, #tpu.memory_space<hbm>>
    %dma_start3A_115 = arith.constant 0 : i32
    %dma_start3A_116 = tpu.memref_slice %arg4[%add3A_112, %dma_start3A_115] : memref<16384x1024xf32, #tpu.memory_space<hbm>> -> memref<16x1024xf32, #tpu.memory_space<hbm>>
    tpu.enqueue_dma source(%arg9 : memref<16x1024xf32, #tpu.memory_space<vmem>>) target(%dma_start3A_116 : memref<16x1024xf32, #tpu.memory_space<hbm>>) target_semaphore(%arg21 : memref<!tpu.dma_semaphore, #tpu.memory_space<semaphore_mem>>)
    %dma_wait3A_117 = arith.constant 0 : i32
    %dma_wait3A_118 = tpu.memref_slice %arg4[%add3A_88, %dma_wait3A_117] : memref<16384x1024xf32, #tpu.memory_space<hbm>> -> memref<16x1024xf32, #tpu.memory_space<hbm>>
    %dma_wait3A_119 = arith.constant 0 : i32
    %dma_wait3A_120 = tpu.memref_slice %arg4[%add3A_88, %dma_wait3A_119] : memref<16384x1024xf32, #tpu.memory_space<hbm>> -> memref<16x1024xf32, #tpu.memory_space<hbm>>
    tpu.wait_dma2 semaphore(%arg20 : memref<!tpu.dma_semaphore, #tpu.memory_space<semaphore_mem>>) src(%arg8 : memref<16x1024xf32, #tpu.memory_space<vmem>>) dst(%dma_wait3A_120 : memref<16x1024xf32, #tpu.memory_space<hbm>>)
    %dma_start3A_121 = arith.constant 8 : i32
    %dma_start3A_122 = arith.constant 0 : i32
    %dma_start3A_123 = tpu.memref_slice %arg5[%dma_start3A_121, %dma_start3A_122] : memref<32x16xi32, #tpu.memory_space<vmem>> -> memref<1x16xi32, #tpu.memory_space<vmem>>
    %dma_start3A_124 = tpu.memref_squeeze %dma_start3A_123 : memref<1x16xi32, #tpu.memory_space<vmem>> -> memref<16xi32, #tpu.memory_space<vmem>>
    %dma_start3A_125 = arith.constant 0 : i32
    %dma_start3A_126 = arith.constant 0 : i32
    %dma_start3A_127 = tpu.memref_slice %arg3[%dma_start3A_125, %dma_start3A_126] : memref<100000x1024xf32, #tpu.memory_space<hbm>> -> memref<100000x1024xf32, #tpu.memory_space<hbm>>
    tpu.enqueue_indirect_dma source(%dma_start3A_127 : memref<100000x1024xf32, #tpu.memory_space<hbm>>) target(%arg8 : memref<16x1024xf32, #tpu.memory_space<vmem>>) offsets(%dma_start3A_124 : memref<16xi32, #tpu.memory_space<vmem>>) semaphore(%arg14 : memref<!tpu.dma_semaphore, #tpu.memory_space<semaphore_mem>>)
    %dma_wait3A_128 = arith.constant 4 : i32
    %dma_wait3A_129 = arith.constant 0 : i32
    %dma_wait3A_130 = tpu.memref_slice %arg5[%dma_wait3A_128, %dma_wait3A_129] : memref<32x16xi32, #tpu.memory_space<vmem>> -> memref<1x16xi32, #tpu.memory_space<vmem>>
    %dma_wait3A_131 = tpu.memref_squeeze %dma_wait3A_130 : memref<1x16xi32, #tpu.memory_space<vmem>> -> memref<16xi32, #tpu.memory_space<vmem>>
    %dma_wait3A_132 = arith.constant 0 : i32
    %dma_wait3A_133 = arith.constant 0 : i32
    %dma_wait3A_134 = tpu.memref_slice %arg3[%dma_wait3A_132, %dma_wait3A_133] : memref<100000x1024xf32, #tpu.memory_space<hbm>> -> memref<100000x1024xf32, #tpu.memory_space<hbm>>
    tpu.wait_indirect_dma semaphore(%arg16 : memref<!tpu.dma_semaphore, #tpu.memory_space<semaphore_mem>>) src(%dma_wait3A_134 : memref<100000x1024xf32, #tpu.memory_space<hbm>>) dst(%arg10 : memref<16x1024xf32, #tpu.memory_space<vmem>>)
    %add3A_135 = arith.constant 64 : i32
    %add3A_136 = arith.addi %mul3A_2, %add3A_135 : i32
    %dma_start3A_137 = arith.constant 0 : i32
    %dma_start3A_138 = tpu.memref_slice %arg4[%add3A_136, %dma_start3A_137] : memref<16384x1024xf32, #tpu.memory_space<hbm>> -> memref<16x1024xf32, #tpu.memory_space<hbm>>
    %dma_start3A_139 = arith.constant 0 : i32
    %dma_start3A_140 = tpu.memref_slice %arg4[%add3A_136, %dma_start3A_139] : memref<16384x1024xf32, #tpu.memory_space<hbm>> -> memref<16x1024xf32, #tpu.memory_space<hbm>>
    tpu.enqueue_dma source(%arg10 : memref<16x1024xf32, #tpu.memory_space<vmem>>) target(%dma_start3A_140 : memref<16x1024xf32, #tpu.memory_space<hbm>>) target_semaphore(%arg22 : memref<!tpu.dma_semaphore, #tpu.memory_space<semaphore_mem>>)
    %dma_wait3A_141 = arith.constant 0 : i32
    %dma_wait3A_142 = tpu.memref_slice %arg4[%add3A_112, %dma_wait3A_141] : memref<16384x1024xf32, #tpu.memory_space<hbm>> -> memref<16x1024xf32, #tpu.memory_space<hbm>>
    %dma_wait3A_143 = arith.constant 0 : i32
    %dma_wait3A_144 = tpu.memref_slice %arg4[%add3A_112, %dma_wait3A_143] : memref<16384x1024xf32, #tpu.memory_space<hbm>> -> memref<16x1024xf32, #tpu.memory_space<hbm>>
    tpu.wait_dma2 semaphore(%arg21 : memref<!tpu.dma_semaphore, #tpu.memory_space<semaphore_mem>>) src(%arg9 : memref<16x1024xf32, #tpu.memory_space<vmem>>) dst(%dma_wait3A_144 : memref<16x1024xf32, #tpu.memory_space<hbm>>)
    %dma_start3A_145 = arith.constant 9 : i32
    %dma_start3A_146 = arith.constant 0 : i32
    %dma_start3A_147 = tpu.memref_slice %arg5[%dma_start3A_145, %dma_start3A_146] : memref<32x16xi32, #tpu.memory_space<vmem>> -> memref<1x16xi32, #tpu.memory_space<vmem>>
    %dma_start3A_148 = tpu.memref_squeeze %dma_start3A_147 : memref<1x16xi32, #tpu.memory_space<vmem>> -> memref<16xi32, #tpu.memory_space<vmem>>
    %dma_start3A_149 = arith.constant 0 : i32
    %dma_start3A_150 = arith.constant 0 : i32
    %dma_start3A_151 = tpu.memref_slice %arg3[%dma_start3A_149, %dma_start3A_150] : memref<100000x1024xf32, #tpu.memory_space<hbm>> -> memref<100000x1024xf32, #tpu.memory_space<hbm>>
    tpu.enqueue_indirect_dma source(%dma_start3A_151 : memref<100000x1024xf32, #tpu.memory_space<hbm>>) target(%arg9 : memref<16x1024xf32, #tpu.memory_space<vmem>>) offsets(%dma_start3A_148 : memref<16xi32, #tpu.memory_space<vmem>>) semaphore(%arg15 : memref<!tpu.dma_semaphore, #tpu.memory_space<semaphore_mem>>)
    %dma_wait3A_152 = arith.constant 5 : i32
    %dma_wait3A_153 = arith.constant 0 : i32
    %dma_wait3A_154 = tpu.memref_slice %arg5[%dma_wait3A_152, %dma_wait3A_153] : memref<32x16xi32, #tpu.memory_space<vmem>> -> memref<1x16xi32, #tpu.memory_space<vmem>>
    %dma_wait3A_155 = tpu.memref_squeeze %dma_wait3A_154 : memref<1x16xi32, #tpu.memory_space<vmem>> -> memref<16xi32, #tpu.memory_space<vmem>>
    %dma_wait3A_156 = arith.constant 0 : i32
    %dma_wait3A_157 = arith.constant 0 : i32
    %dma_wait3A_158 = tpu.memref_slice %arg3[%dma_wait3A_156, %dma_wait3A_157] : memref<100000x1024xf32, #tpu.memory_space<hbm>> -> memref<100000x1024xf32, #tpu.memory_space<hbm>>
    tpu.wait_indirect_dma semaphore(%arg17 : memref<!tpu.dma_semaphore, #tpu.memory_space<semaphore_mem>>) src(%dma_wait3A_158 : memref<100000x1024xf32, #tpu.memory_space<hbm>>) dst(%arg11 : memref<16x1024xf32, #tpu.memory_space<vmem>>)
    %add3A_159 = arith.constant 80 : i32
    %add3A_160 = arith.addi %mul3A_2, %add3A_159 : i32
    %dma_start3A_161 = arith.constant 0 : i32
    %dma_start3A_162 = tpu.memref_slice %arg4[%add3A_160, %dma_start3A_161] : memref<16384x1024xf32, #tpu.memory_space<hbm>> -> memref<16x1024xf32, #tpu.memory_space<hbm>>
    %dma_start3A_163 = arith.constant 0 : i32
    %dma_start3A_164 = tpu.memref_slice %arg4[%add3A_160, %dma_start3A_163] : memref<16384x1024xf32, #tpu.memory_space<hbm>> -> memref<16x1024xf32, #tpu.memory_space<hbm>>
    tpu.enqueue_dma source(%arg11 : memref<16x1024xf32, #tpu.memory_space<vmem>>) target(%dma_start3A_164 : memref<16x1024xf32, #tpu.memory_space<hbm>>) target_semaphore(%arg23 : memref<!tpu.dma_semaphore, #tpu.memory_space<semaphore_mem>>)
    %dma_wait3A_165 = arith.constant 0 : i32
    %dma_wait3A_166 = tpu.memref_slice %arg4[%add3A_136, %dma_wait3A_165] : memref<16384x1024xf32, #tpu.memory_space<hbm>> -> memref<16x1024xf32, #tpu.memory_space<hbm>>
    %dma_wait3A_167 = arith.constant 0 : i32
    %dma_wait3A_168 = tpu.memref_slice %arg4[%add3A_136, %dma_wait3A_167] : memref<16384x1024xf32, #tpu.memory_space<hbm>> -> memref<16x1024xf32, #tpu.memory_space<hbm>>
    tpu.wait_dma2 semaphore(%arg22 : memref<!tpu.dma_semaphore, #tpu.memory_space<semaphore_mem>>) src(%arg10 : memref<16x1024xf32, #tpu.memory_space<vmem>>) dst(%dma_wait3A_168 : memref<16x1024xf32, #tpu.memory_space<hbm>>)
    %dma_start3A_169 = arith.constant 10 : i32
    %dma_start3A_170 = arith.constant 0 : i32
    %dma_start3A_171 = tpu.memref_slice %arg5[%dma_start3A_169, %dma_start3A_170] : memref<32x16xi32, #tpu.memory_space<vmem>> -> memref<1x16xi32, #tpu.memory_space<vmem>>
    %dma_start3A_172 = tpu.memref_squeeze %dma_start3A_171 : memref<1x16xi32, #tpu.memory_space<vmem>> -> memref<16xi32, #tpu.memory_space<vmem>>
    %dma_start3A_173 = arith.constant 0 : i32
    %dma_start3A_174 = arith.constant 0 : i32
    %dma_start3A_175 = tpu.memref_slice %arg3[%dma_start3A_173, %dma_start3A_174] : memref<100000x1024xf32, #tpu.memory_space<hbm>> -> memref<100000x1024xf32, #tpu.memory_space<hbm>>
    tpu.enqueue_indirect_dma source(%dma_start3A_175 : memref<100000x1024xf32, #tpu.memory_space<hbm>>) target(%arg10 : memref<16x1024xf32, #tpu.memory_space<vmem>>) offsets(%dma_start3A_172 : memref<16xi32, #tpu.memory_space<vmem>>) semaphore(%arg16 : memref<!tpu.dma_semaphore, #tpu.memory_space<semaphore_mem>>)
    %dma_wait3A_176 = arith.constant 6 : i32
    %dma_wait3A_177 = arith.constant 0 : i32
    %dma_wait3A_178 = tpu.memref_slice %arg5[%dma_wait3A_176, %dma_wait3A_177] : memref<32x16xi32, #tpu.memory_space<vmem>> -> memref<1x16xi32, #tpu.memory_space<vmem>>
    %dma_wait3A_179 = tpu.memref_squeeze %dma_wait3A_178 : memref<1x16xi32, #tpu.memory_space<vmem>> -> memref<16xi32, #tpu.memory_space<vmem>>
    %dma_wait3A_180 = arith.constant 0 : i32
    %dma_wait3A_181 = arith.constant 0 : i32
    %dma_wait3A_182 = tpu.memref_slice %arg3[%dma_wait3A_180, %dma_wait3A_181] : memref<100000x1024xf32, #tpu.memory_space<hbm>> -> memref<100000x1024xf32, #tpu.memory_space<hbm>>
    tpu.wait_indirect_dma semaphore(%arg12 : memref<!tpu.dma_semaphore, #tpu.memory_space<semaphore_mem>>) src(%dma_wait3A_182 : memref<100000x1024xf32, #tpu.memory_space<hbm>>) dst(%arg6 : memref<16x1024xf32, #tpu.memory_space<vmem>>)
    %add3A_183 = arith.constant 96 : i32
    %add3A_184 = arith.addi %mul3A_2, %add3A_183 : i32
    %dma_start3A_185 = arith.constant 0 : i32
    %dma_start3A_186 = tpu.memref_slice %arg4[%add3A_184, %dma_start3A_185] : memref<16384x1024xf32, #tpu.memory_space<hbm>> -> memref<16x1024xf32, #tpu.memory_space<hbm>>
    %dma_start3A_187 = arith.constant 0 : i32
    %dma_start3A_188 = tpu.memref_slice %arg4[%add3A_184, %dma_start3A_187] : memref<16384x1024xf32, #tpu.memory_space<hbm>> -> memref<16x1024xf32, #tpu.memory_space<hbm>>
    tpu.enqueue_dma source(%arg6 : memref<16x1024xf32, #tpu.memory_space<vmem>>) target(%dma_start3A_188 : memref<16x1024xf32, #tpu.memory_space<hbm>>) target_semaphore(%arg18 : memref<!tpu.dma_semaphore, #tpu.memory_space<semaphore_mem>>)
    %dma_wait3A_189 = arith.constant 0 : i32
    %dma_wait3A_190 = tpu.memref_slice %arg4[%add3A_160, %dma_wait3A_189] : memref<16384x1024xf32, #tpu.memory_space<hbm>> -> memref<16x1024xf32, #tpu.memory_space<hbm>>
    %dma_wait3A_191 = arith.constant 0 : i32
    %dma_wait3A_192 = tpu.memref_slice %arg4[%add3A_160, %dma_wait3A_191] : memref<16384x1024xf32, #tpu.memory_space<hbm>> -> memref<16x1024xf32, #tpu.memory_space<hbm>>
    tpu.wait_dma2 semaphore(%arg23 : memref<!tpu.dma_semaphore, #tpu.memory_space<semaphore_mem>>) src(%arg11 : memref<16x1024xf32, #tpu.memory_space<vmem>>) dst(%dma_wait3A_192 : memref<16x1024xf32, #tpu.memory_space<hbm>>)
    %dma_start3A_193 = arith.constant 11 : i32
    %dma_start3A_194 = arith.constant 0 : i32
    %dma_start3A_195 = tpu.memref_slice %arg5[%dma_start3A_193, %dma_start3A_194] : memref<32x16xi32, #tpu.memory_space<vmem>> -> memref<1x16xi32, #tpu.memory_space<vmem>>
    %dma_start3A_196 = tpu.memref_squeeze %dma_start3A_195 : memref<1x16xi32, #tpu.memory_space<vmem>> -> memref<16xi32, #tpu.memory_space<vmem>>
    %dma_start3A_197 = arith.constant 0 : i32
    %dma_start3A_198 = arith.constant 0 : i32
    %dma_start3A_199 = tpu.memref_slice %arg3[%dma_start3A_197, %dma_start3A_198] : memref<100000x1024xf32, #tpu.memory_space<hbm>> -> memref<100000x1024xf32, #tpu.memory_space<hbm>>
    tpu.enqueue_indirect_dma source(%dma_start3A_199 : memref<100000x1024xf32, #tpu.memory_space<hbm>>) target(%arg11 : memref<16x1024xf32, #tpu.memory_space<vmem>>) offsets(%dma_start3A_196 : memref<16xi32, #tpu.memory_space<vmem>>) semaphore(%arg17 : memref<!tpu.dma_semaphore, #tpu.memory_space<semaphore_mem>>)
    %dma_wait3A_200 = arith.constant 7 : i32
    %dma_wait3A_201 = arith.constant 0 : i32
    %dma_wait3A_202 = tpu.memref_slice %arg5[%dma_wait3A_200, %dma_wait3A_201] : memref<32x16xi32, #tpu.memory_space<vmem>> -> memref<1x16xi32, #tpu.memory_space<vmem>>
    %dma_wait3A_203 = tpu.memref_squeeze %dma_wait3A_202 : memref<1x16xi32, #tpu.memory_space<vmem>> -> memref<16xi32, #tpu.memory_space<vmem>>
    %dma_wait3A_204 = arith.constant 0 : i32
    %dma_wait3A_205 = arith.constant 0 : i32
    %dma_wait3A_206 = tpu.memref_slice %arg3[%dma_wait3A_204, %dma_wait3A_205] : memref<100000x1024xf32, #tpu.memory_space<hbm>> -> memref<100000x1024xf32, #tpu.memory_space<hbm>>
    tpu.wait_indirect_dma semaphore(%arg13 : memref<!tpu.dma_semaphore, #tpu.memory_space<semaphore_mem>>) src(%dma_wait3A_206 : memref<100000x1024xf32, #tpu.memory_space<hbm>>) dst(%arg7 : memref<16x1024xf32, #tpu.memory_space<vmem>>)
    %add3A_207 = arith.constant 112 : i32
    %add3A_208 = arith.addi %mul3A_2, %add3A_207 : i32
    %dma_start3A_209 = arith.constant 0 : i32
    %dma_start3A_210 = tpu.memref_slice %arg4[%add3A_208, %dma_start3A_209] : memref<16384x1024xf32, #tpu.memory_space<hbm>> -> memref<16x1024xf32, #tpu.memory_space<hbm>>
    %dma_start3A_211 = arith.constant 0 : i32
    %dma_start3A_212 = tpu.memref_slice %arg4[%add3A_208, %dma_start3A_211] : memref<16384x1024xf32, #tpu.memory_space<hbm>> -> memref<16x1024xf32, #tpu.memory_space<hbm>>
    tpu.enqueue_dma source(%arg7 : memref<16x1024xf32, #tpu.memory_space<vmem>>) target(%dma_start3A_212 : memref<16x1024xf32, #tpu.memory_space<hbm>>) target_semaphore(%arg19 : memref<!tpu.dma_semaphore, #tpu.memory_space<semaphore_mem>>)
    %dma_wait3A_213 = arith.constant 0 : i32
    %dma_wait3A_214 = tpu.memref_slice %arg4[%add3A_184, %dma_wait3A_213] : memref<16384x1024xf32, #tpu.memory_space<hbm>> -> memref<16x1024xf32, #tpu.memory_space<hbm>>
    %dma_wait3A_215 = arith.constant 0 : i32
    %dma_wait3A_216 = tpu.memref_slice %arg4[%add3A_184, %dma_wait3A_215] : memref<16384x1024xf32, #tpu.memory_space<hbm>> -> memref<16x1024xf32, #tpu.memory_space<hbm>>
    tpu.wait_dma2 semaphore(%arg18 : memref<!tpu.dma_semaphore, #tpu.memory_space<semaphore_mem>>) src(%arg6 : memref<16x1024xf32, #tpu.memory_space<vmem>>) dst(%dma_wait3A_216 : memref<16x1024xf32, #tpu.memory_space<hbm>>)
    %dma_start3A_217 = arith.constant 12 : i32
    %dma_start3A_218 = arith.constant 0 : i32
    %dma_start3A_219 = tpu.memref_slice %arg5[%dma_start3A_217, %dma_start3A_218] : memref<32x16xi32, #tpu.memory_space<vmem>> -> memref<1x16xi32, #tpu.memory_space<vmem>>
    %dma_start3A_220 = tpu.memref_squeeze %dma_start3A_219 : memref<1x16xi32, #tpu.memory_space<vmem>> -> memref<16xi32, #tpu.memory_space<vmem>>
    %dma_start3A_221 = arith.constant 0 : i32
    %dma_start3A_222 = arith.constant 0 : i32
    %dma_start3A_223 = tpu.memref_slice %arg3[%dma_start3A_221, %dma_start3A_222] : memref<100000x1024xf32, #tpu.memory_space<hbm>> -> memref<100000x1024xf32, #tpu.memory_space<hbm>>
    tpu.enqueue_indirect_dma source(%dma_start3A_223 : memref<100000x1024xf32, #tpu.memory_space<hbm>>) target(%arg6 : memref<16x1024xf32, #tpu.memory_space<vmem>>) offsets(%dma_start3A_220 : memref<16xi32, #tpu.memory_space<vmem>>) semaphore(%arg12 : memref<!tpu.dma_semaphore, #tpu.memory_space<semaphore_mem>>)
    %dma_wait3A_224 = arith.constant 8 : i32
    %dma_wait3A_225 = arith.constant 0 : i32
    %dma_wait3A_226 = tpu.memref_slice %arg5[%dma_wait3A_224, %dma_wait3A_225] : memref<32x16xi32, #tpu.memory_space<vmem>> -> memref<1x16xi32, #tpu.memory_space<vmem>>
    %dma_wait3A_227 = tpu.memref_squeeze %dma_wait3A_226 : memref<1x16xi32, #tpu.memory_space<vmem>> -> memref<16xi32, #tpu.memory_space<vmem>>
    %dma_wait3A_228 = arith.constant 0 : i32
    %dma_wait3A_229 = arith.constant 0 : i32
    %dma_wait3A_230 = tpu.memref_slice %arg3[%dma_wait3A_228, %dma_wait3A_229] : memref<100000x1024xf32, #tpu.memory_space<hbm>> -> memref<100000x1024xf32, #tpu.memory_space<hbm>>
    tpu.wait_indirect_dma semaphore(%arg14 : memref<!tpu.dma_semaphore, #tpu.memory_space<semaphore_mem>>) src(%dma_wait3A_230 : memref<100000x1024xf32, #tpu.memory_space<hbm>>) dst(%arg8 : memref<16x1024xf32, #tpu.memory_space<vmem>>)
    %add3A_231 = arith.constant 128 : i32
    %add3A_232 = arith.addi %mul3A_2, %add3A_231 : i32
    %dma_start3A_233 = arith.constant 0 : i32
    %dma_start3A_234 = tpu.memref_slice %arg4[%add3A_232, %dma_start3A_233] : memref<16384x1024xf32, #tpu.memory_space<hbm>> -> memref<16x1024xf32, #tpu.memory_space<hbm>>
    %dma_start3A_235 = arith.constant 0 : i32
    %dma_start3A_236 = tpu.memref_slice %arg4[%add3A_232, %dma_start3A_235] : memref<16384x1024xf32, #tpu.memory_space<hbm>> -> memref<16x1024xf32, #tpu.memory_space<hbm>>
    tpu.enqueue_dma source(%arg8 : memref<16x1024xf32, #tpu.memory_space<vmem>>) target(%dma_start3A_236 : memref<16x1024xf32, #tpu.memory_space<hbm>>) target_semaphore(%arg20 : memref<!tpu.dma_semaphore, #tpu.memory_space<semaphore_mem>>)
    %dma_wait3A_237 = arith.constant 0 : i32
    %dma_wait3A_238 = tpu.memref_slice %arg4[%add3A_208, %dma_wait3A_237] : memref<16384x1024xf32, #tpu.memory_space<hbm>> -> memref<16x1024xf32, #tpu.memory_space<hbm>>
    %dma_wait3A_239 = arith.constant 0 : i32
    %dma_wait3A_240 = tpu.memref_slice %arg4[%add3A_208, %dma_wait3A_239] : memref<16384x1024xf32, #tpu.memory_space<hbm>> -> memref<16x1024xf32, #tpu.memory_space<hbm>>
    tpu.wait_dma2 semaphore(%arg19 : memref<!tpu.dma_semaphore, #tpu.memory_space<semaphore_mem>>) src(%arg7 : memref<16x1024xf32, #tpu.memory_space<vmem>>) dst(%dma_wait3A_240 : memref<16x1024xf32, #tpu.memory_space<hbm>>)
    %dma_start3A_241 = arith.constant 13 : i32
    %dma_start3A_242 = arith.constant 0 : i32
    %dma_start3A_243 = tpu.memref_slice %arg5[%dma_start3A_241, %dma_start3A_242] : memref<32x16xi32, #tpu.memory_space<vmem>> -> memref<1x16xi32, #tpu.memory_space<vmem>>
    %dma_start3A_244 = tpu.memref_squeeze %dma_start3A_243 : memref<1x16xi32, #tpu.memory_space<vmem>> -> memref<16xi32, #tpu.memory_space<vmem>>
    %dma_start3A_245 = arith.constant 0 : i32
    %dma_start3A_246 = arith.constant 0 : i32
    %dma_start3A_247 = tpu.memref_slice %arg3[%dma_start3A_245, %dma_start3A_246] : memref<100000x1024xf32, #tpu.memory_space<hbm>> -> memref<100000x1024xf32, #tpu.memory_space<hbm>>
    tpu.enqueue_indirect_dma source(%dma_start3A_247 : memref<100000x1024xf32, #tpu.memory_space<hbm>>) target(%arg7 : memref<16x1024xf32, #tpu.memory_space<vmem>>) offsets(%dma_start3A_244 : memref<16xi32, #tpu.memory_space<vmem>>) semaphore(%arg13 : memref<!tpu.dma_semaphore, #tpu.memory_space<semaphore_mem>>)
    %dma_wait3A_248 = arith.constant 9 : i32
    %dma_wait3A_249 = arith.constant 0 : i32
    %dma_wait3A_250 = tpu.memref_slice %arg5[%dma_wait3A_248, %dma_wait3A_249] : memref<32x16xi32, #tpu.memory_space<vmem>> -> memref<1x16xi32, #tpu.memory_space<vmem>>
    %dma_wait3A_251 = tpu.memref_squeeze %dma_wait3A_250 : memref<1x16xi32, #tpu.memory_space<vmem>> -> memref<16xi32, #tpu.memory_space<vmem>>
    %dma_wait3A_252 = arith.constant 0 : i32
    %dma_wait3A_253 = arith.constant 0 : i32
    %dma_wait3A_254 = tpu.memref_slice %arg3[%dma_wait3A_252, %dma_wait3A_253] : memref<100000x1024xf32, #tpu.memory_space<hbm>> -> memref<100000x1024xf32, #tpu.memory_space<hbm>>
    tpu.wait_indirect_dma semaphore(%arg15 : memref<!tpu.dma_semaphore, #tpu.memory_space<semaphore_mem>>) src(%dma_wait3A_254 : memref<100000x1024xf32, #tpu.memory_space<hbm>>) dst(%arg9 : memref<16x1024xf32, #tpu.memory_space<vmem>>)
    %add3A_255 = arith.constant 144 : i32
    %add3A_256 = arith.addi %mul3A_2, %add3A_255 : i32
    %dma_start3A_257 = arith.constant 0 : i32
    %dma_start3A_258 = tpu.memref_slice %arg4[%add3A_256, %dma_start3A_257] : memref<16384x1024xf32, #tpu.memory_space<hbm>> -> memref<16x1024xf32, #tpu.memory_space<hbm>>
    %dma_start3A_259 = arith.constant 0 : i32
    %dma_start3A_260 = tpu.memref_slice %arg4[%add3A_256, %dma_start3A_259] : memref<16384x1024xf32, #tpu.memory_space<hbm>> -> memref<16x1024xf32, #tpu.memory_space<hbm>>
    tpu.enqueue_dma source(%arg9 : memref<16x1024xf32, #tpu.memory_space<vmem>>) target(%dma_start3A_260 : memref<16x1024xf32, #tpu.memory_space<hbm>>) target_semaphore(%arg21 : memref<!tpu.dma_semaphore, #tpu.memory_space<semaphore_mem>>)
    %dma_wait3A_261 = arith.constant 0 : i32
    %dma_wait3A_262 = tpu.memref_slice %arg4[%add3A_232, %dma_wait3A_261] : memref<16384x1024xf32, #tpu.memory_space<hbm>> -> memref<16x1024xf32, #tpu.memory_space<hbm>>
    %dma_wait3A_263 = arith.constant 0 : i32
    %dma_wait3A_264 = tpu.memref_slice %arg4[%add3A_232, %dma_wait3A_263] : memref<16384x1024xf32, #tpu.memory_space<hbm>> -> memref<16x1024xf32, #tpu.memory_space<hbm>>
    tpu.wait_dma2 semaphore(%arg20 : memref<!tpu.dma_semaphore, #tpu.memory_space<semaphore_mem>>) src(%arg8 : memref<16x1024xf32, #tpu.memory_space<vmem>>) dst(%dma_wait3A_264 : memref<16x1024xf32, #tpu.memory_space<hbm>>)
    %dma_start3A_265 = arith.constant 14 : i32
    %dma_start3A_266 = arith.constant 0 : i32
    %dma_start3A_267 = tpu.memref_slice %arg5[%dma_start3A_265, %dma_start3A_266] : memref<32x16xi32, #tpu.memory_space<vmem>> -> memref<1x16xi32, #tpu.memory_space<vmem>>
    %dma_start3A_268 = tpu.memref_squeeze %dma_start3A_267 : memref<1x16xi32, #tpu.memory_space<vmem>> -> memref<16xi32, #tpu.memory_space<vmem>>
    %dma_start3A_269 = arith.constant 0 : i32
    %dma_start3A_270 = arith.constant 0 : i32
    %dma_start3A_271 = tpu.memref_slice %arg3[%dma_start3A_269, %dma_start3A_270] : memref<100000x1024xf32, #tpu.memory_space<hbm>> -> memref<100000x1024xf32, #tpu.memory_space<hbm>>
    tpu.enqueue_indirect_dma source(%dma_start3A_271 : memref<100000x1024xf32, #tpu.memory_space<hbm>>) target(%arg8 : memref<16x1024xf32, #tpu.memory_space<vmem>>) offsets(%dma_start3A_268 : memref<16xi32, #tpu.memory_space<vmem>>) semaphore(%arg14 : memref<!tpu.dma_semaphore, #tpu.memory_space<semaphore_mem>>)
    %dma_wait3A_272 = arith.constant 10 : i32
    %dma_wait3A_273 = arith.constant 0 : i32
    %dma_wait3A_274 = tpu.memref_slice %arg5[%dma_wait3A_272, %dma_wait3A_273] : memref<32x16xi32, #tpu.memory_space<vmem>> -> memref<1x16xi32, #tpu.memory_space<vmem>>
    %dma_wait3A_275 = tpu.memref_squeeze %dma_wait3A_274 : memref<1x16xi32, #tpu.memory_space<vmem>> -> memref<16xi32, #tpu.memory_space<vmem>>
    %dma_wait3A_276 = arith.constant 0 : i32
    %dma_wait3A_277 = arith.constant 0 : i32
    %dma_wait3A_278 = tpu.memref_slice %arg3[%dma_wait3A_276, %dma_wait3A_277] : memref<100000x1024xf32, #tpu.memory_space<hbm>> -> memref<100000x1024xf32, #tpu.memory_space<hbm>>
    tpu.wait_indirect_dma semaphore(%arg16 : memref<!tpu.dma_semaphore, #tpu.memory_space<semaphore_mem>>) src(%dma_wait3A_278 : memref<100000x1024xf32, #tpu.memory_space<hbm>>) dst(%arg10 : memref<16x1024xf32, #tpu.memory_space<vmem>>)
    %add3A_279 = arith.constant 160 : i32
    %add3A_280 = arith.addi %mul3A_2, %add3A_279 : i32
    %dma_start3A_281 = arith.constant 0 : i32
    %dma_start3A_282 = tpu.memref_slice %arg4[%add3A_280, %dma_start3A_281] : memref<16384x1024xf32, #tpu.memory_space<hbm>> -> memref<16x1024xf32, #tpu.memory_space<hbm>>
    %dma_start3A_283 = arith.constant 0 : i32
    %dma_start3A_284 = tpu.memref_slice %arg4[%add3A_280, %dma_start3A_283] : memref<16384x1024xf32, #tpu.memory_space<hbm>> -> memref<16x1024xf32, #tpu.memory_space<hbm>>
    tpu.enqueue_dma source(%arg10 : memref<16x1024xf32, #tpu.memory_space<vmem>>) target(%dma_start3A_284 : memref<16x1024xf32, #tpu.memory_space<hbm>>) target_semaphore(%arg22 : memref<!tpu.dma_semaphore, #tpu.memory_space<semaphore_mem>>)
    %dma_wait3A_285 = arith.constant 0 : i32
    %dma_wait3A_286 = tpu.memref_slice %arg4[%add3A_256, %dma_wait3A_285] : memref<16384x1024xf32, #tpu.memory_space<hbm>> -> memref<16x1024xf32, #tpu.memory_space<hbm>>
    %dma_wait3A_287 = arith.constant 0 : i32
    %dma_wait3A_288 = tpu.memref_slice %arg4[%add3A_256, %dma_wait3A_287] : memref<16384x1024xf32, #tpu.memory_space<hbm>> -> memref<16x1024xf32, #tpu.memory_space<hbm>>
    tpu.wait_dma2 semaphore(%arg21 : memref<!tpu.dma_semaphore, #tpu.memory_space<semaphore_mem>>) src(%arg9 : memref<16x1024xf32, #tpu.memory_space<vmem>>) dst(%dma_wait3A_288 : memref<16x1024xf32, #tpu.memory_space<hbm>>)
    %dma_start3A_289 = arith.constant 15 : i32
    %dma_start3A_290 = arith.constant 0 : i32
    %dma_start3A_291 = tpu.memref_slice %arg5[%dma_start3A_289, %dma_start3A_290] : memref<32x16xi32, #tpu.memory_space<vmem>> -> memref<1x16xi32, #tpu.memory_space<vmem>>
    %dma_start3A_292 = tpu.memref_squeeze %dma_start3A_291 : memref<1x16xi32, #tpu.memory_space<vmem>> -> memref<16xi32, #tpu.memory_space<vmem>>
    %dma_start3A_293 = arith.constant 0 : i32
    %dma_start3A_294 = arith.constant 0 : i32
    %dma_start3A_295 = tpu.memref_slice %arg3[%dma_start3A_293, %dma_start3A_294] : memref<100000x1024xf32, #tpu.memory_space<hbm>> -> memref<100000x1024xf32, #tpu.memory_space<hbm>>
    tpu.enqueue_indirect_dma source(%dma_start3A_295 : memref<100000x1024xf32, #tpu.memory_space<hbm>>) target(%arg9 : memref<16x1024xf32, #tpu.memory_space<vmem>>) offsets(%dma_start3A_292 : memref<16xi32, #tpu.memory_space<vmem>>) semaphore(%arg15 : memref<!tpu.dma_semaphore, #tpu.memory_space<semaphore_mem>>)
    %dma_wait3A_296 = arith.constant 11 : i32
    %dma_wait3A_297 = arith.constant 0 : i32
    %dma_wait3A_298 = tpu.memref_slice %arg5[%dma_wait3A_296, %dma_wait3A_297] : memref<32x16xi32, #tpu.memory_space<vmem>> -> memref<1x16xi32, #tpu.memory_space<vmem>>
    %dma_wait3A_299 = tpu.memref_squeeze %dma_wait3A_298 : memref<1x16xi32, #tpu.memory_space<vmem>> -> memref<16xi32, #tpu.memory_space<vmem>>
    %dma_wait3A_300 = arith.constant 0 : i32
    %dma_wait3A_301 = arith.constant 0 : i32
    %dma_wait3A_302 = tpu.memref_slice %arg3[%dma_wait3A_300, %dma_wait3A_301] : memref<100000x1024xf32, #tpu.memory_space<hbm>> -> memref<100000x1024xf32, #tpu.memory_space<hbm>>
    tpu.wait_indirect_dma semaphore(%arg17 : memref<!tpu.dma_semaphore, #tpu.memory_space<semaphore_mem>>) src(%dma_wait3A_302 : memref<100000x1024xf32, #tpu.memory_space<hbm>>) dst(%arg11 : memref<16x1024xf32, #tpu.memory_space<vmem>>)
    %add3A_303 = arith.constant 176 : i32
    %add3A_304 = arith.addi %mul3A_2, %add3A_303 : i32
    %dma_start3A_305 = arith.constant 0 : i32
    %dma_start3A_306 = tpu.memref_slice %arg4[%add3A_304, %dma_start3A_305] : memref<16384x1024xf32, #tpu.memory_space<hbm>> -> memref<16x1024xf32, #tpu.memory_space<hbm>>
    %dma_start3A_307 = arith.constant 0 : i32
    %dma_start3A_308 = tpu.memref_slice %arg4[%add3A_304, %dma_start3A_307] : memref<16384x1024xf32, #tpu.memory_space<hbm>> -> memref<16x1024xf32, #tpu.memory_space<hbm>>
    tpu.enqueue_dma source(%arg11 : memref<16x1024xf32, #tpu.memory_space<vmem>>) target(%dma_start3A_308 : memref<16x1024xf32, #tpu.memory_space<hbm>>) target_semaphore(%arg23 : memref<!tpu.dma_semaphore, #tpu.memory_space<semaphore_mem>>)
    %dma_wait3A_309 = arith.constant 0 : i32
    %dma_wait3A_310 = tpu.memref_slice %arg4[%add3A_280, %dma_wait3A_309] : memref<16384x1024xf32, #tpu.memory_space<hbm>> -> memref<16x1024xf32, #tpu.memory_space<hbm>>
    %dma_wait3A_311 = arith.constant 0 : i32
    %dma_wait3A_312 = tpu.memref_slice %arg4[%add3A_280, %dma_wait3A_311] : memref<16384x1024xf32, #tpu.memory_space<hbm>> -> memref<16x1024xf32, #tpu.memory_space<hbm>>
    tpu.wait_dma2 semaphore(%arg22 : memref<!tpu.dma_semaphore, #tpu.memory_space<semaphore_mem>>) src(%arg10 : memref<16x1024xf32, #tpu.memory_space<vmem>>) dst(%dma_wait3A_312 : memref<16x1024xf32, #tpu.memory_space<hbm>>)
    %dma_start3A_313 = arith.constant 16 : i32
    %dma_start3A_314 = arith.constant 0 : i32
    %dma_start3A_315 = tpu.memref_slice %arg5[%dma_start3A_313, %dma_start3A_314] : memref<32x16xi32, #tpu.memory_space<vmem>> -> memref<1x16xi32, #tpu.memory_space<vmem>>
    %dma_start3A_316 = tpu.memref_squeeze %dma_start3A_315 : memref<1x16xi32, #tpu.memory_space<vmem>> -> memref<16xi32, #tpu.memory_space<vmem>>
    %dma_start3A_317 = arith.constant 0 : i32
    %dma_start3A_318 = arith.constant 0 : i32
    %dma_start3A_319 = tpu.memref_slice %arg3[%dma_start3A_317, %dma_start3A_318] : memref<100000x1024xf32, #tpu.memory_space<hbm>> -> memref<100000x1024xf32, #tpu.memory_space<hbm>>
    tpu.enqueue_indirect_dma source(%dma_start3A_319 : memref<100000x1024xf32, #tpu.memory_space<hbm>>) target(%arg10 : memref<16x1024xf32, #tpu.memory_space<vmem>>) offsets(%dma_start3A_316 : memref<16xi32, #tpu.memory_space<vmem>>) semaphore(%arg16 : memref<!tpu.dma_semaphore, #tpu.memory_space<semaphore_mem>>)
    %dma_wait3A_320 = arith.constant 12 : i32
    %dma_wait3A_321 = arith.constant 0 : i32
    %dma_wait3A_322 = tpu.memref_slice %arg5[%dma_wait3A_320, %dma_wait3A_321] : memref<32x16xi32, #tpu.memory_space<vmem>> -> memref<1x16xi32, #tpu.memory_space<vmem>>
    %dma_wait3A_323 = tpu.memref_squeeze %dma_wait3A_322 : memref<1x16xi32, #tpu.memory_space<vmem>> -> memref<16xi32, #tpu.memory_space<vmem>>
    %dma_wait3A_324 = arith.constant 0 : i32
    %dma_wait3A_325 = arith.constant 0 : i32
    %dma_wait3A_326 = tpu.memref_slice %arg3[%dma_wait3A_324, %dma_wait3A_325] : memref<100000x1024xf32, #tpu.memory_space<hbm>> -> memref<100000x1024xf32, #tpu.memory_space<hbm>>
    tpu.wait_indirect_dma semaphore(%arg12 : memref<!tpu.dma_semaphore, #tpu.memory_space<semaphore_mem>>) src(%dma_wait3A_326 : memref<100000x1024xf32, #tpu.memory_space<hbm>>) dst(%arg6 : memref<16x1024xf32, #tpu.memory_space<vmem>>)
    %add3A_327 = arith.constant 192 : i32
    %add3A_328 = arith.addi %mul3A_2, %add3A_327 : i32
    %dma_start3A_329 = arith.constant 0 : i32
    %dma_start3A_330 = tpu.memref_slice %arg4[%add3A_328, %dma_start3A_329] : memref<16384x1024xf32, #tpu.memory_space<hbm>> -> memref<16x1024xf32, #tpu.memory_space<hbm>>
    %dma_start3A_331 = arith.constant 0 : i32
    %dma_start3A_332 = tpu.memref_slice %arg4[%add3A_328, %dma_start3A_331] : memref<16384x1024xf32, #tpu.memory_space<hbm>> -> memref<16x1024xf32, #tpu.memory_space<hbm>>
    tpu.enqueue_dma source(%arg6 : memref<16x1024xf32, #tpu.memory_space<vmem>>) target(%dma_start3A_332 : memref<16x1024xf32, #tpu.memory_space<hbm>>) target_semaphore(%arg18 : memref<!tpu.dma_semaphore, #tpu.memory_space<semaphore_mem>>)
    %dma_wait3A_333 = arith.constant 0 : i32
    %dma_wait3A_334 = tpu.memref_slice %arg4[%add3A_304, %dma_wait3A_333] : memref<16384x1024xf32, #tpu.memory_space<hbm>> -> memref<16x1024xf32, #tpu.memory_space<hbm>>
    %dma_wait3A_335 = arith.constant 0 : i32
    %dma_wait3A_336 = tpu.memref_slice %arg4[%add3A_304, %dma_wait3A_335] : memref<16384x1024xf32, #tpu.memory_space<hbm>> -> memref<16x1024xf32, #tpu.memory_space<hbm>>
    tpu.wait_dma2 semaphore(%arg23 : memref<!tpu.dma_semaphore, #tpu.memory_space<semaphore_mem>>) src(%arg11 : memref<16x1024xf32, #tpu.memory_space<vmem>>) dst(%dma_wait3A_336 : memref<16x1024xf32, #tpu.memory_space<hbm>>)
    %dma_start3A_337 = arith.constant 17 : i32
    %dma_start3A_338 = arith.constant 0 : i32
    %dma_start3A_339 = tpu.memref_slice %arg5[%dma_start3A_337, %dma_start3A_338] : memref<32x16xi32, #tpu.memory_space<vmem>> -> memref<1x16xi32, #tpu.memory_space<vmem>>
    %dma_start3A_340 = tpu.memref_squeeze %dma_start3A_339 : memref<1x16xi32, #tpu.memory_space<vmem>> -> memref<16xi32, #tpu.memory_space<vmem>>
    %dma_start3A_341 = arith.constant 0 : i32
    %dma_start3A_342 = arith.constant 0 : i32
    %dma_start3A_343 = tpu.memref_slice %arg3[%dma_start3A_341, %dma_start3A_342] : memref<100000x1024xf32, #tpu.memory_space<hbm>> -> memref<100000x1024xf32, #tpu.memory_space<hbm>>
    tpu.enqueue_indirect_dma source(%dma_start3A_343 : memref<100000x1024xf32, #tpu.memory_space<hbm>>) target(%arg11 : memref<16x1024xf32, #tpu.memory_space<vmem>>) offsets(%dma_start3A_340 : memref<16xi32, #tpu.memory_space<vmem>>) semaphore(%arg17 : memref<!tpu.dma_semaphore, #tpu.memory_space<semaphore_mem>>)
    %dma_wait3A_344 = arith.constant 13 : i32
    %dma_wait3A_345 = arith.constant 0 : i32
    %dma_wait3A_346 = tpu.memref_slice %arg5[%dma_wait3A_344, %dma_wait3A_345] : memref<32x16xi32, #tpu.memory_space<vmem>> -> memref<1x16xi32, #tpu.memory_space<vmem>>
    %dma_wait3A_347 = tpu.memref_squeeze %dma_wait3A_346 : memref<1x16xi32, #tpu.memory_space<vmem>> -> memref<16xi32, #tpu.memory_space<vmem>>
    %dma_wait3A_348 = arith.constant 0 : i32
    %dma_wait3A_349 = arith.constant 0 : i32
    %dma_wait3A_350 = tpu.memref_slice %arg3[%dma_wait3A_348, %dma_wait3A_349] : memref<100000x1024xf32, #tpu.memory_space<hbm>> -> memref<100000x1024xf32, #tpu.memory_space<hbm>>
    tpu.wait_indirect_dma semaphore(%arg13 : memref<!tpu.dma_semaphore, #tpu.memory_space<semaphore_mem>>) src(%dma_wait3A_350 : memref<100000x1024xf32, #tpu.memory_space<hbm>>) dst(%arg7 : memref<16x1024xf32, #tpu.memory_space<vmem>>)
    %add3A_351 = arith.constant 208 : i32
    %add3A_352 = arith.addi %mul3A_2, %add3A_351 : i32
    %dma_start3A_353 = arith.constant 0 : i32
    %dma_start3A_354 = tpu.memref_slice %arg4[%add3A_352, %dma_start3A_353] : memref<16384x1024xf32, #tpu.memory_space<hbm>> -> memref<16x1024xf32, #tpu.memory_space<hbm>>
    %dma_start3A_355 = arith.constant 0 : i32
    %dma_start3A_356 = tpu.memref_slice %arg4[%add3A_352, %dma_start3A_355] : memref<16384x1024xf32, #tpu.memory_space<hbm>> -> memref<16x1024xf32, #tpu.memory_space<hbm>>
    tpu.enqueue_dma source(%arg7 : memref<16x1024xf32, #tpu.memory_space<vmem>>) target(%dma_start3A_356 : memref<16x1024xf32, #tpu.memory_space<hbm>>) target_semaphore(%arg19 : memref<!tpu.dma_semaphore, #tpu.memory_space<semaphore_mem>>)
    %dma_wait3A_357 = arith.constant 0 : i32
    %dma_wait3A_358 = tpu.memref_slice %arg4[%add3A_328, %dma_wait3A_357] : memref<16384x1024xf32, #tpu.memory_space<hbm>> -> memref<16x1024xf32, #tpu.memory_space<hbm>>
    %dma_wait3A_359 = arith.constant 0 : i32
    %dma_wait3A_360 = tpu.memref_slice %arg4[%add3A_328, %dma_wait3A_359] : memref<16384x1024xf32, #tpu.memory_space<hbm>> -> memref<16x1024xf32, #tpu.memory_space<hbm>>
    tpu.wait_dma2 semaphore(%arg18 : memref<!tpu.dma_semaphore, #tpu.memory_space<semaphore_mem>>) src(%arg6 : memref<16x1024xf32, #tpu.memory_space<vmem>>) dst(%dma_wait3A_360 : memref<16x1024xf32, #tpu.memory_space<hbm>>)
    %dma_start3A_361 = arith.constant 18 : i32
    %dma_start3A_362 = arith.constant 0 : i32
    %dma_start3A_363 = tpu.memref_slice %arg5[%dma_start3A_361, %dma_start3A_362] : memref<32x16xi32, #tpu.memory_space<vmem>> -> memref<1x16xi32, #tpu.memory_space<vmem>>
    %dma_start3A_364 = tpu.memref_squeeze %dma_start3A_363 : memref<1x16xi32, #tpu.memory_space<vmem>> -> memref<16xi32, #tpu.memory_space<vmem>>
    %dma_start3A_365 = arith.constant 0 : i32
    %dma_start3A_366 = arith.constant 0 : i32
    %dma_start3A_367 = tpu.memref_slice %arg3[%dma_start3A_365, %dma_start3A_366] : memref<100000x1024xf32, #tpu.memory_space<hbm>> -> memref<100000x1024xf32, #tpu.memory_space<hbm>>
    tpu.enqueue_indirect_dma source(%dma_start3A_367 : memref<100000x1024xf32, #tpu.memory_space<hbm>>) target(%arg6 : memref<16x1024xf32, #tpu.memory_space<vmem>>) offsets(%dma_start3A_364 : memref<16xi32, #tpu.memory_space<vmem>>) semaphore(%arg12 : memref<!tpu.dma_semaphore, #tpu.memory_space<semaphore_mem>>)
    %dma_wait3A_368 = arith.constant 14 : i32
    %dma_wait3A_369 = arith.constant 0 : i32
    %dma_wait3A_370 = tpu.memref_slice %arg5[%dma_wait3A_368, %dma_wait3A_369] : memref<32x16xi32, #tpu.memory_space<vmem>> -> memref<1x16xi32, #tpu.memory_space<vmem>>
    %dma_wait3A_371 = tpu.memref_squeeze %dma_wait3A_370 : memref<1x16xi32, #tpu.memory_space<vmem>> -> memref<16xi32, #tpu.memory_space<vmem>>
    %dma_wait3A_372 = arith.constant 0 : i32
    %dma_wait3A_373 = arith.constant 0 : i32
    %dma_wait3A_374 = tpu.memref_slice %arg3[%dma_wait3A_372, %dma_wait3A_373] : memref<100000x1024xf32, #tpu.memory_space<hbm>> -> memref<100000x1024xf32, #tpu.memory_space<hbm>>
    tpu.wait_indirect_dma semaphore(%arg14 : memref<!tpu.dma_semaphore, #tpu.memory_space<semaphore_mem>>) src(%dma_wait3A_374 : memref<100000x1024xf32, #tpu.memory_space<hbm>>) dst(%arg8 : memref<16x1024xf32, #tpu.memory_space<vmem>>)
    %add3A_375 = arith.constant 224 : i32
    %add3A_376 = arith.addi %mul3A_2, %add3A_375 : i32
    %dma_start3A_377 = arith.constant 0 : i32
    %dma_start3A_378 = tpu.memref_slice %arg4[%add3A_376, %dma_start3A_377] : memref<16384x1024xf32, #tpu.memory_space<hbm>> -> memref<16x1024xf32, #tpu.memory_space<hbm>>
    %dma_start3A_379 = arith.constant 0 : i32
    %dma_start3A_380 = tpu.memref_slice %arg4[%add3A_376, %dma_start3A_379] : memref<16384x1024xf32, #tpu.memory_space<hbm>> -> memref<16x1024xf32, #tpu.memory_space<hbm>>
    tpu.enqueue_dma source(%arg8 : memref<16x1024xf32, #tpu.memory_space<vmem>>) target(%dma_start3A_380 : memref<16x1024xf32, #tpu.memory_space<hbm>>) target_semaphore(%arg20 : memref<!tpu.dma_semaphore, #tpu.memory_space<semaphore_mem>>)
    %dma_wait3A_381 = arith.constant 0 : i32
    %dma_wait3A_382 = tpu.memref_slice %arg4[%add3A_352, %dma_wait3A_381] : memref<16384x1024xf32, #tpu.memory_space<hbm>> -> memref<16x1024xf32, #tpu.memory_space<hbm>>
    %dma_wait3A_383 = arith.constant 0 : i32
    %dma_wait3A_384 = tpu.memref_slice %arg4[%add3A_352, %dma_wait3A_383] : memref<16384x1024xf32, #tpu.memory_space<hbm>> -> memref<16x1024xf32, #tpu.memory_space<hbm>>
    tpu.wait_dma2 semaphore(%arg19 : memref<!tpu.dma_semaphore, #tpu.memory_space<semaphore_mem>>) src(%arg7 : memref<16x1024xf32, #tpu.memory_space<vmem>>) dst(%dma_wait3A_384 : memref<16x1024xf32, #tpu.memory_space<hbm>>)
    %dma_start3A_385 = arith.constant 19 : i32
    %dma_start3A_386 = arith.constant 0 : i32
    %dma_start3A_387 = tpu.memref_slice %arg5[%dma_start3A_385, %dma_start3A_386] : memref<32x16xi32, #tpu.memory_space<vmem>> -> memref<1x16xi32, #tpu.memory_space<vmem>>
    %dma_start3A_388 = tpu.memref_squeeze %dma_start3A_387 : memref<1x16xi32, #tpu.memory_space<vmem>> -> memref<16xi32, #tpu.memory_space<vmem>>
    %dma_start3A_389 = arith.constant 0 : i32
    %dma_start3A_390 = arith.constant 0 : i32
    %dma_start3A_391 = tpu.memref_slice %arg3[%dma_start3A_389, %dma_start3A_390] : memref<100000x1024xf32, #tpu.memory_space<hbm>> -> memref<100000x1024xf32, #tpu.memory_space<hbm>>
    tpu.enqueue_indirect_dma source(%dma_start3A_391 : memref<100000x1024xf32, #tpu.memory_space<hbm>>) target(%arg7 : memref<16x1024xf32, #tpu.memory_space<vmem>>) offsets(%dma_start3A_388 : memref<16xi32, #tpu.memory_space<vmem>>) semaphore(%arg13 : memref<!tpu.dma_semaphore, #tpu.memory_space<semaphore_mem>>)
    %dma_wait3A_392 = arith.constant 15 : i32
    %dma_wait3A_393 = arith.constant 0 : i32
    %dma_wait3A_394 = tpu.memref_slice %arg5[%dma_wait3A_392, %dma_wait3A_393] : memref<32x16xi32, #tpu.memory_space<vmem>> -> memref<1x16xi32, #tpu.memory_space<vmem>>
    %dma_wait3A_395 = tpu.memref_squeeze %dma_wait3A_394 : memref<1x16xi32, #tpu.memory_space<vmem>> -> memref<16xi32, #tpu.memory_space<vmem>>
    %dma_wait3A_396 = arith.constant 0 : i32
    %dma_wait3A_397 = arith.constant 0 : i32
    %dma_wait3A_398 = tpu.memref_slice %arg3[%dma_wait3A_396, %dma_wait3A_397] : memref<100000x1024xf32, #tpu.memory_space<hbm>> -> memref<100000x1024xf32, #tpu.memory_space<hbm>>
    tpu.wait_indirect_dma semaphore(%arg15 : memref<!tpu.dma_semaphore, #tpu.memory_space<semaphore_mem>>) src(%dma_wait3A_398 : memref<100000x1024xf32, #tpu.memory_space<hbm>>) dst(%arg9 : memref<16x1024xf32, #tpu.memory_space<vmem>>)
    %add3A_399 = arith.constant 240 : i32
    %add3A_400 = arith.addi %mul3A_2, %add3A_399 : i32
    %dma_start3A_401 = arith.constant 0 : i32
    %dma_start3A_402 = tpu.memref_slice %arg4[%add3A_400, %dma_start3A_401] : memref<16384x1024xf32, #tpu.memory_space<hbm>> -> memref<16x1024xf32, #tpu.memory_space<hbm>>
    %dma_start3A_403 = arith.constant 0 : i32
    %dma_start3A_404 = tpu.memref_slice %arg4[%add3A_400, %dma_start3A_403] : memref<16384x1024xf32, #tpu.memory_space<hbm>> -> memref<16x1024xf32, #tpu.memory_space<hbm>>
    tpu.enqueue_dma source(%arg9 : memref<16x1024xf32, #tpu.memory_space<vmem>>) target(%dma_start3A_404 : memref<16x1024xf32, #tpu.memory_space<hbm>>) target_semaphore(%arg21 : memref<!tpu.dma_semaphore, #tpu.memory_space<semaphore_mem>>)
    %dma_wait3A_405 = arith.constant 0 : i32
    %dma_wait3A_406 = tpu.memref_slice %arg4[%add3A_376, %dma_wait3A_405] : memref<16384x1024xf32, #tpu.memory_space<hbm>> -> memref<16x1024xf32, #tpu.memory_space<hbm>>
    %dma_wait3A_407 = arith.constant 0 : i32
    %dma_wait3A_408 = tpu.memref_slice %arg4[%add3A_376, %dma_wait3A_407] : memref<16384x1024xf32, #tpu.memory_space<hbm>> -> memref<16x1024xf32, #tpu.memory_space<hbm>>
    tpu.wait_dma2 semaphore(%arg20 : memref<!tpu.dma_semaphore, #tpu.memory_space<semaphore_mem>>) src(%arg8 : memref<16x1024xf32, #tpu.memory_space<vmem>>) dst(%dma_wait3A_408 : memref<16x1024xf32, #tpu.memory_space<hbm>>)
    %dma_start3A_409 = arith.constant 20 : i32
    %dma_start3A_410 = arith.constant 0 : i32
    %dma_start3A_411 = tpu.memref_slice %arg5[%dma_start3A_409, %dma_start3A_410] : memref<32x16xi32, #tpu.memory_space<vmem>> -> memref<1x16xi32, #tpu.memory_space<vmem>>
    %dma_start3A_412 = tpu.memref_squeeze %dma_start3A_411 : memref<1x16xi32, #tpu.memory_space<vmem>> -> memref<16xi32, #tpu.memory_space<vmem>>
    %dma_start3A_413 = arith.constant 0 : i32
    %dma_start3A_414 = arith.constant 0 : i32
    %dma_start3A_415 = tpu.memref_slice %arg3[%dma_start3A_413, %dma_start3A_414] : memref<100000x1024xf32, #tpu.memory_space<hbm>> -> memref<100000x1024xf32, #tpu.memory_space<hbm>>
    tpu.enqueue_indirect_dma source(%dma_start3A_415 : memref<100000x1024xf32, #tpu.memory_space<hbm>>) target(%arg8 : memref<16x1024xf32, #tpu.memory_space<vmem>>) offsets(%dma_start3A_412 : memref<16xi32, #tpu.memory_space<vmem>>) semaphore(%arg14 : memref<!tpu.dma_semaphore, #tpu.memory_space<semaphore_mem>>)
    %dma_wait3A_416 = arith.constant 16 : i32
    %dma_wait3A_417 = arith.constant 0 : i32
    %dma_wait3A_418 = tpu.memref_slice %arg5[%dma_wait3A_416, %dma_wait3A_417] : memref<32x16xi32, #tpu.memory_space<vmem>> -> memref<1x16xi32, #tpu.memory_space<vmem>>
    %dma_wait3A_419 = tpu.memref_squeeze %dma_wait3A_418 : memref<1x16xi32, #tpu.memory_space<vmem>> -> memref<16xi32, #tpu.memory_space<vmem>>
    %dma_wait3A_420 = arith.constant 0 : i32
    %dma_wait3A_421 = arith.constant 0 : i32
    %dma_wait3A_422 = tpu.memref_slice %arg3[%dma_wait3A_420, %dma_wait3A_421] : memref<100000x1024xf32, #tpu.memory_space<hbm>> -> memref<100000x1024xf32, #tpu.memory_space<hbm>>
    tpu.wait_indirect_dma semaphore(%arg16 : memref<!tpu.dma_semaphore, #tpu.memory_space<semaphore_mem>>) src(%dma_wait3A_422 : memref<100000x1024xf32, #tpu.memory_space<hbm>>) dst(%arg10 : memref<16x1024xf32, #tpu.memory_space<vmem>>)
    %add3A_423 = arith.constant 256 : i32
    %add3A_424 = arith.addi %mul3A_2, %add3A_423 : i32
    %dma_start3A_425 = arith.constant 0 : i32
    %dma_start3A_426 = tpu.memref_slice %arg4[%add3A_424, %dma_start3A_425] : memref<16384x1024xf32, #tpu.memory_space<hbm>> -> memref<16x1024xf32, #tpu.memory_space<hbm>>
    %dma_start3A_427 = arith.constant 0 : i32
    %dma_start3A_428 = tpu.memref_slice %arg4[%add3A_424, %dma_start3A_427] : memref<16384x1024xf32, #tpu.memory_space<hbm>> -> memref<16x1024xf32, #tpu.memory_space<hbm>>
    tpu.enqueue_dma source(%arg10 : memref<16x1024xf32, #tpu.memory_space<vmem>>) target(%dma_start3A_428 : memref<16x1024xf32, #tpu.memory_space<hbm>>) target_semaphore(%arg22 : memref<!tpu.dma_semaphore, #tpu.memory_space<semaphore_mem>>)
    %dma_wait3A_429 = arith.constant 0 : i32
    %dma_wait3A_430 = tpu.memref_slice %arg4[%add3A_400, %dma_wait3A_429] : memref<16384x1024xf32, #tpu.memory_space<hbm>> -> memref<16x1024xf32, #tpu.memory_space<hbm>>
    %dma_wait3A_431 = arith.constant 0 : i32
    %dma_wait3A_432 = tpu.memref_slice %arg4[%add3A_400, %dma_wait3A_431] : memref<16384x1024xf32, #tpu.memory_space<hbm>> -> memref<16x1024xf32, #tpu.memory_space<hbm>>
    tpu.wait_dma2 semaphore(%arg21 : memref<!tpu.dma_semaphore, #tpu.memory_space<semaphore_mem>>) src(%arg9 : memref<16x1024xf32, #tpu.memory_space<vmem>>) dst(%dma_wait3A_432 : memref<16x1024xf32, #tpu.memory_space<hbm>>)
    %dma_start3A_433 = arith.constant 21 : i32
    %dma_start3A_434 = arith.constant 0 : i32
    %dma_start3A_435 = tpu.memref_slice %arg5[%dma_start3A_433, %dma_start3A_434] : memref<32x16xi32, #tpu.memory_space<vmem>> -> memref<1x16xi32, #tpu.memory_space<vmem>>
    %dma_start3A_436 = tpu.memref_squeeze %dma_start3A_435 : memref<1x16xi32, #tpu.memory_space<vmem>> -> memref<16xi32, #tpu.memory_space<vmem>>
    %dma_start3A_437 = arith.constant 0 : i32
    %dma_start3A_438 = arith.constant 0 : i32
    %dma_start3A_439 = tpu.memref_slice %arg3[%dma_start3A_437, %dma_start3A_438] : memref<100000x1024xf32, #tpu.memory_space<hbm>> -> memref<100000x1024xf32, #tpu.memory_space<hbm>>
    tpu.enqueue_indirect_dma source(%dma_start3A_439 : memref<100000x1024xf32, #tpu.memory_space<hbm>>) target(%arg9 : memref<16x1024xf32, #tpu.memory_space<vmem>>) offsets(%dma_start3A_436 : memref<16xi32, #tpu.memory_space<vmem>>) semaphore(%arg15 : memref<!tpu.dma_semaphore, #tpu.memory_space<semaphore_mem>>)
    %dma_wait3A_440 = arith.constant 17 : i32
    %dma_wait3A_441 = arith.constant 0 : i32
    %dma_wait3A_442 = tpu.memref_slice %arg5[%dma_wait3A_440, %dma_wait3A_441] : memref<32x16xi32, #tpu.memory_space<vmem>> -> memref<1x16xi32, #tpu.memory_space<vmem>>
    %dma_wait3A_443 = tpu.memref_squeeze %dma_wait3A_442 : memref<1x16xi32, #tpu.memory_space<vmem>> -> memref<16xi32, #tpu.memory_space<vmem>>
    %dma_wait3A_444 = arith.constant 0 : i32
    %dma_wait3A_445 = arith.constant 0 : i32
    %dma_wait3A_446 = tpu.memref_slice %arg3[%dma_wait3A_444, %dma_wait3A_445] : memref<100000x1024xf32, #tpu.memory_space<hbm>> -> memref<100000x1024xf32, #tpu.memory_space<hbm>>
    tpu.wait_indirect_dma semaphore(%arg17 : memref<!tpu.dma_semaphore, #tpu.memory_space<semaphore_mem>>) src(%dma_wait3A_446 : memref<100000x1024xf32, #tpu.memory_space<hbm>>) dst(%arg11 : memref<16x1024xf32, #tpu.memory_space<vmem>>)
    %add3A_447 = arith.constant 272 : i32
    %add3A_448 = arith.addi %mul3A_2, %add3A_447 : i32
    %dma_start3A_449 = arith.constant 0 : i32
    %dma_start3A_450 = tpu.memref_slice %arg4[%add3A_448, %dma_start3A_449] : memref<16384x1024xf32, #tpu.memory_space<hbm>> -> memref<16x1024xf32, #tpu.memory_space<hbm>>
    %dma_start3A_451 = arith.constant 0 : i32
    %dma_start3A_452 = tpu.memref_slice %arg4[%add3A_448, %dma_start3A_451] : memref<16384x1024xf32, #tpu.memory_space<hbm>> -> memref<16x1024xf32, #tpu.memory_space<hbm>>
    tpu.enqueue_dma source(%arg11 : memref<16x1024xf32, #tpu.memory_space<vmem>>) target(%dma_start3A_452 : memref<16x1024xf32, #tpu.memory_space<hbm>>) target_semaphore(%arg23 : memref<!tpu.dma_semaphore, #tpu.memory_space<semaphore_mem>>)
    %dma_wait3A_453 = arith.constant 0 : i32
    %dma_wait3A_454 = tpu.memref_slice %arg4[%add3A_424, %dma_wait3A_453] : memref<16384x1024xf32, #tpu.memory_space<hbm>> -> memref<16x1024xf32, #tpu.memory_space<hbm>>
    %dma_wait3A_455 = arith.constant 0 : i32
    %dma_wait3A_456 = tpu.memref_slice %arg4[%add3A_424, %dma_wait3A_455] : memref<16384x1024xf32, #tpu.memory_space<hbm>> -> memref<16x1024xf32, #tpu.memory_space<hbm>>
    tpu.wait_dma2 semaphore(%arg22 : memref<!tpu.dma_semaphore, #tpu.memory_space<semaphore_mem>>) src(%arg10 : memref<16x1024xf32, #tpu.memory_space<vmem>>) dst(%dma_wait3A_456 : memref<16x1024xf32, #tpu.memory_space<hbm>>)
    %dma_start3A_457 = arith.constant 22 : i32
    %dma_start3A_458 = arith.constant 0 : i32
    %dma_start3A_459 = tpu.memref_slice %arg5[%dma_start3A_457, %dma_start3A_458] : memref<32x16xi32, #tpu.memory_space<vmem>> -> memref<1x16xi32, #tpu.memory_space<vmem>>
    %dma_start3A_460 = tpu.memref_squeeze %dma_start3A_459 : memref<1x16xi32, #tpu.memory_space<vmem>> -> memref<16xi32, #tpu.memory_space<vmem>>
    %dma_start3A_461 = arith.constant 0 : i32
    %dma_start3A_462 = arith.constant 0 : i32
    %dma_start3A_463 = tpu.memref_slice %arg3[%dma_start3A_461, %dma_start3A_462] : memref<100000x1024xf32, #tpu.memory_space<hbm>> -> memref<100000x1024xf32, #tpu.memory_space<hbm>>
    tpu.enqueue_indirect_dma source(%dma_start3A_463 : memref<100000x1024xf32, #tpu.memory_space<hbm>>) target(%arg10 : memref<16x1024xf32, #tpu.memory_space<vmem>>) offsets(%dma_start3A_460 : memref<16xi32, #tpu.memory_space<vmem>>) semaphore(%arg16 : memref<!tpu.dma_semaphore, #tpu.memory_space<semaphore_mem>>)
    %dma_wait3A_464 = arith.constant 18 : i32
    %dma_wait3A_465 = arith.constant 0 : i32
    %dma_wait3A_466 = tpu.memref_slice %arg5[%dma_wait3A_464, %dma_wait3A_465] : memref<32x16xi32, #tpu.memory_space<vmem>> -> memref<1x16xi32, #tpu.memory_space<vmem>>
    %dma_wait3A_467 = tpu.memref_squeeze %dma_wait3A_466 : memref<1x16xi32, #tpu.memory_space<vmem>> -> memref<16xi32, #tpu.memory_space<vmem>>
    %dma_wait3A_468 = arith.constant 0 : i32
    %dma_wait3A_469 = arith.constant 0 : i32
    %dma_wait3A_470 = tpu.memref_slice %arg3[%dma_wait3A_468, %dma_wait3A_469] : memref<100000x1024xf32, #tpu.memory_space<hbm>> -> memref<100000x1024xf32, #tpu.memory_space<hbm>>
    tpu.wait_indirect_dma semaphore(%arg12 : memref<!tpu.dma_semaphore, #tpu.memory_space<semaphore_mem>>) src(%dma_wait3A_470 : memref<100000x1024xf32, #tpu.memory_space<hbm>>) dst(%arg6 : memref<16x1024xf32, #tpu.memory_space<vmem>>)
    %add3A_471 = arith.constant 288 : i32
    %add3A_472 = arith.addi %mul3A_2, %add3A_471 : i32
    %dma_start3A_473 = arith.constant 0 : i32
    %dma_start3A_474 = tpu.memref_slice %arg4[%add3A_472, %dma_start3A_473] : memref<16384x1024xf32, #tpu.memory_space<hbm>> -> memref<16x1024xf32, #tpu.memory_space<hbm>>
    %dma_start3A_475 = arith.constant 0 : i32
    %dma_start3A_476 = tpu.memref_slice %arg4[%add3A_472, %dma_start3A_475] : memref<16384x1024xf32, #tpu.memory_space<hbm>> -> memref<16x1024xf32, #tpu.memory_space<hbm>>
    tpu.enqueue_dma source(%arg6 : memref<16x1024xf32, #tpu.memory_space<vmem>>) target(%dma_start3A_476 : memref<16x1024xf32, #tpu.memory_space<hbm>>) target_semaphore(%arg18 : memref<!tpu.dma_semaphore, #tpu.memory_space<semaphore_mem>>)
    %dma_wait3A_477 = arith.constant 0 : i32
    %dma_wait3A_478 = tpu.memref_slice %arg4[%add3A_448, %dma_wait3A_477] : memref<16384x1024xf32, #tpu.memory_space<hbm>> -> memref<16x1024xf32, #tpu.memory_space<hbm>>
    %dma_wait3A_479 = arith.constant 0 : i32
    %dma_wait3A_480 = tpu.memref_slice %arg4[%add3A_448, %dma_wait3A_479] : memref<16384x1024xf32, #tpu.memory_space<hbm>> -> memref<16x1024xf32, #tpu.memory_space<hbm>>
    tpu.wait_dma2 semaphore(%arg23 : memref<!tpu.dma_semaphore, #tpu.memory_space<semaphore_mem>>) src(%arg11 : memref<16x1024xf32, #tpu.memory_space<vmem>>) dst(%dma_wait3A_480 : memref<16x1024xf32, #tpu.memory_space<hbm>>)
    %dma_start3A_481 = arith.constant 23 : i32
    %dma_start3A_482 = arith.constant 0 : i32
    %dma_start3A_483 = tpu.memref_slice %arg5[%dma_start3A_481, %dma_start3A_482] : memref<32x16xi32, #tpu.memory_space<vmem>> -> memref<1x16xi32, #tpu.memory_space<vmem>>
    %dma_start3A_484 = tpu.memref_squeeze %dma_start3A_483 : memref<1x16xi32, #tpu.memory_space<vmem>> -> memref<16xi32, #tpu.memory_space<vmem>>
    %dma_start3A_485 = arith.constant 0 : i32
    %dma_start3A_486 = arith.constant 0 : i32
    %dma_start3A_487 = tpu.memref_slice %arg3[%dma_start3A_485, %dma_start3A_486] : memref<100000x1024xf32, #tpu.memory_space<hbm>> -> memref<100000x1024xf32, #tpu.memory_space<hbm>>
    tpu.enqueue_indirect_dma source(%dma_start3A_487 : memref<100000x1024xf32, #tpu.memory_space<hbm>>) target(%arg11 : memref<16x1024xf32, #tpu.memory_space<vmem>>) offsets(%dma_start3A_484 : memref<16xi32, #tpu.memory_space<vmem>>) semaphore(%arg17 : memref<!tpu.dma_semaphore, #tpu.memory_space<semaphore_mem>>)
    %dma_wait3A_488 = arith.constant 19 : i32
    %dma_wait3A_489 = arith.constant 0 : i32
    %dma_wait3A_490 = tpu.memref_slice %arg5[%dma_wait3A_488, %dma_wait3A_489] : memref<32x16xi32, #tpu.memory_space<vmem>> -> memref<1x16xi32, #tpu.memory_space<vmem>>
    %dma_wait3A_491 = tpu.memref_squeeze %dma_wait3A_490 : memref<1x16xi32, #tpu.memory_space<vmem>> -> memref<16xi32, #tpu.memory_space<vmem>>
    %dma_wait3A_492 = arith.constant 0 : i32
    %dma_wait3A_493 = arith.constant 0 : i32
    %dma_wait3A_494 = tpu.memref_slice %arg3[%dma_wait3A_492, %dma_wait3A_493] : memref<100000x1024xf32, #tpu.memory_space<hbm>> -> memref<100000x1024xf32, #tpu.memory_space<hbm>>
    tpu.wait_indirect_dma semaphore(%arg13 : memref<!tpu.dma_semaphore, #tpu.memory_space<semaphore_mem>>) src(%dma_wait3A_494 : memref<100000x1024xf32, #tpu.memory_space<hbm>>) dst(%arg7 : memref<16x1024xf32, #tpu.memory_space<vmem>>)
    %add3A_495 = arith.constant 304 : i32
    %add3A_496 = arith.addi %mul3A_2, %add3A_495 : i32
    %dma_start3A_497 = arith.constant 0 : i32
    %dma_start3A_498 = tpu.memref_slice %arg4[%add3A_496, %dma_start3A_497] : memref<16384x1024xf32, #tpu.memory_space<hbm>> -> memref<16x1024xf32, #tpu.memory_space<hbm>>
    %dma_start3A_499 = arith.constant 0 : i32
    %dma_start3A_500 = tpu.memref_slice %arg4[%add3A_496, %dma_start3A_499] : memref<16384x1024xf32, #tpu.memory_space<hbm>> -> memref<16x1024xf32, #tpu.memory_space<hbm>>
    tpu.enqueue_dma source(%arg7 : memref<16x1024xf32, #tpu.memory_space<vmem>>) target(%dma_start3A_500 : memref<16x1024xf32, #tpu.memory_space<hbm>>) target_semaphore(%arg19 : memref<!tpu.dma_semaphore, #tpu.memory_space<semaphore_mem>>)
    %dma_wait3A_501 = arith.constant 0 : i32
    %dma_wait3A_502 = tpu.memref_slice %arg4[%add3A_472, %dma_wait3A_501] : memref<16384x1024xf32, #tpu.memory_space<hbm>> -> memref<16x1024xf32, #tpu.memory_space<hbm>>
    %dma_wait3A_503 = arith.constant 0 : i32
    %dma_wait3A_504 = tpu.memref_slice %arg4[%add3A_472, %dma_wait3A_503] : memref<16384x1024xf32, #tpu.memory_space<hbm>> -> memref<16x1024xf32, #tpu.memory_space<hbm>>
    tpu.wait_dma2 semaphore(%arg18 : memref<!tpu.dma_semaphore, #tpu.memory_space<semaphore_mem>>) src(%arg6 : memref<16x1024xf32, #tpu.memory_space<vmem>>) dst(%dma_wait3A_504 : memref<16x1024xf32, #tpu.memory_space<hbm>>)
    %dma_start3A_505 = arith.constant 24 : i32
    %dma_start3A_506 = arith.constant 0 : i32
    %dma_start3A_507 = tpu.memref_slice %arg5[%dma_start3A_505, %dma_start3A_506] : memref<32x16xi32, #tpu.memory_space<vmem>> -> memref<1x16xi32, #tpu.memory_space<vmem>>
    %dma_start3A_508 = tpu.memref_squeeze %dma_start3A_507 : memref<1x16xi32, #tpu.memory_space<vmem>> -> memref<16xi32, #tpu.memory_space<vmem>>
    %dma_start3A_509 = arith.constant 0 : i32
    %dma_start3A_510 = arith.constant 0 : i32
    %dma_start3A_511 = tpu.memref_slice %arg3[%dma_start3A_509, %dma_start3A_510] : memref<100000x1024xf32, #tpu.memory_space<hbm>> -> memref<100000x1024xf32, #tpu.memory_space<hbm>>
    tpu.enqueue_indirect_dma source(%dma_start3A_511 : memref<100000x1024xf32, #tpu.memory_space<hbm>>) target(%arg6 : memref<16x1024xf32, #tpu.memory_space<vmem>>) offsets(%dma_start3A_508 : memref<16xi32, #tpu.memory_space<vmem>>) semaphore(%arg12 : memref<!tpu.dma_semaphore, #tpu.memory_space<semaphore_mem>>)
    %dma_wait3A_512 = arith.constant 20 : i32
    %dma_wait3A_513 = arith.constant 0 : i32
    %dma_wait3A_514 = tpu.memref_slice %arg5[%dma_wait3A_512, %dma_wait3A_513] : memref<32x16xi32, #tpu.memory_space<vmem>> -> memref<1x16xi32, #tpu.memory_space<vmem>>
    %dma_wait3A_515 = tpu.memref_squeeze %dma_wait3A_514 : memref<1x16xi32, #tpu.memory_space<vmem>> -> memref<16xi32, #tpu.memory_space<vmem>>
    %dma_wait3A_516 = arith.constant 0 : i32
    %dma_wait3A_517 = arith.constant 0 : i32
    %dma_wait3A_518 = tpu.memref_slice %arg3[%dma_wait3A_516, %dma_wait3A_517] : memref<100000x1024xf32, #tpu.memory_space<hbm>> -> memref<100000x1024xf32, #tpu.memory_space<hbm>>
    tpu.wait_indirect_dma semaphore(%arg14 : memref<!tpu.dma_semaphore, #tpu.memory_space<semaphore_mem>>) src(%dma_wait3A_518 : memref<100000x1024xf32, #tpu.memory_space<hbm>>) dst(%arg8 : memref<16x1024xf32, #tpu.memory_space<vmem>>)
    %add3A_519 = arith.constant 320 : i32
    %add3A_520 = arith.addi %mul3A_2, %add3A_519 : i32
    %dma_start3A_521 = arith.constant 0 : i32
    %dma_start3A_522 = tpu.memref_slice %arg4[%add3A_520, %dma_start3A_521] : memref<16384x1024xf32, #tpu.memory_space<hbm>> -> memref<16x1024xf32, #tpu.memory_space<hbm>>
    %dma_start3A_523 = arith.constant 0 : i32
    %dma_start3A_524 = tpu.memref_slice %arg4[%add3A_520, %dma_start3A_523] : memref<16384x1024xf32, #tpu.memory_space<hbm>> -> memref<16x1024xf32, #tpu.memory_space<hbm>>
    tpu.enqueue_dma source(%arg8 : memref<16x1024xf32, #tpu.memory_space<vmem>>) target(%dma_start3A_524 : memref<16x1024xf32, #tpu.memory_space<hbm>>) target_semaphore(%arg20 : memref<!tpu.dma_semaphore, #tpu.memory_space<semaphore_mem>>)
    %dma_wait3A_525 = arith.constant 0 : i32
    %dma_wait3A_526 = tpu.memref_slice %arg4[%add3A_496, %dma_wait3A_525] : memref<16384x1024xf32, #tpu.memory_space<hbm>> -> memref<16x1024xf32, #tpu.memory_space<hbm>>
    %dma_wait3A_527 = arith.constant 0 : i32
    %dma_wait3A_528 = tpu.memref_slice %arg4[%add3A_496, %dma_wait3A_527] : memref<16384x1024xf32, #tpu.memory_space<hbm>> -> memref<16x1024xf32, #tpu.memory_space<hbm>>
    tpu.wait_dma2 semaphore(%arg19 : memref<!tpu.dma_semaphore, #tpu.memory_space<semaphore_mem>>) src(%arg7 : memref<16x1024xf32, #tpu.memory_space<vmem>>) dst(%dma_wait3A_528 : memref<16x1024xf32, #tpu.memory_space<hbm>>)
    %dma_start3A_529 = arith.constant 25 : i32
    %dma_start3A_530 = arith.constant 0 : i32
    %dma_start3A_531 = tpu.memref_slice %arg5[%dma_start3A_529, %dma_start3A_530] : memref<32x16xi32, #tpu.memory_space<vmem>> -> memref<1x16xi32, #tpu.memory_space<vmem>>
    %dma_start3A_532 = tpu.memref_squeeze %dma_start3A_531 : memref<1x16xi32, #tpu.memory_space<vmem>> -> memref<16xi32, #tpu.memory_space<vmem>>
    %dma_start3A_533 = arith.constant 0 : i32
    %dma_start3A_534 = arith.constant 0 : i32
    %dma_start3A_535 = tpu.memref_slice %arg3[%dma_start3A_533, %dma_start3A_534] : memref<100000x1024xf32, #tpu.memory_space<hbm>> -> memref<100000x1024xf32, #tpu.memory_space<hbm>>
    tpu.enqueue_indirect_dma source(%dma_start3A_535 : memref<100000x1024xf32, #tpu.memory_space<hbm>>) target(%arg7 : memref<16x1024xf32, #tpu.memory_space<vmem>>) offsets(%dma_start3A_532 : memref<16xi32, #tpu.memory_space<vmem>>) semaphore(%arg13 : memref<!tpu.dma_semaphore, #tpu.memory_space<semaphore_mem>>)
    %dma_wait3A_536 = arith.constant 21 : i32
    %dma_wait3A_537 = arith.constant 0 : i32
    %dma_wait3A_538 = tpu.memref_slice %arg5[%dma_wait3A_536, %dma_wait3A_537] : memref<32x16xi32, #tpu.memory_space<vmem>> -> memref<1x16xi32, #tpu.memory_space<vmem>>
    %dma_wait3A_539 = tpu.memref_squeeze %dma_wait3A_538 : memref<1x16xi32, #tpu.memory_space<vmem>> -> memref<16xi32, #tpu.memory_space<vmem>>
    %dma_wait3A_540 = arith.constant 0 : i32
    %dma_wait3A_541 = arith.constant 0 : i32
    %dma_wait3A_542 = tpu.memref_slice %arg3[%dma_wait3A_540, %dma_wait3A_541] : memref<100000x1024xf32, #tpu.memory_space<hbm>> -> memref<100000x1024xf32, #tpu.memory_space<hbm>>
    tpu.wait_indirect_dma semaphore(%arg15 : memref<!tpu.dma_semaphore, #tpu.memory_space<semaphore_mem>>) src(%dma_wait3A_542 : memref<100000x1024xf32, #tpu.memory_space<hbm>>) dst(%arg9 : memref<16x1024xf32, #tpu.memory_space<vmem>>)
    %add3A_543 = arith.constant 336 : i32
    %add3A_544 = arith.addi %mul3A_2, %add3A_543 : i32
    %dma_start3A_545 = arith.constant 0 : i32
    %dma_start3A_546 = tpu.memref_slice %arg4[%add3A_544, %dma_start3A_545] : memref<16384x1024xf32, #tpu.memory_space<hbm>> -> memref<16x1024xf32, #tpu.memory_space<hbm>>
    %dma_start3A_547 = arith.constant 0 : i32
    %dma_start3A_548 = tpu.memref_slice %arg4[%add3A_544, %dma_start3A_547] : memref<16384x1024xf32, #tpu.memory_space<hbm>> -> memref<16x1024xf32, #tpu.memory_space<hbm>>
    tpu.enqueue_dma source(%arg9 : memref<16x1024xf32, #tpu.memory_space<vmem>>) target(%dma_start3A_548 : memref<16x1024xf32, #tpu.memory_space<hbm>>) target_semaphore(%arg21 : memref<!tpu.dma_semaphore, #tpu.memory_space<semaphore_mem>>)
    %dma_wait3A_549 = arith.constant 0 : i32
    %dma_wait3A_550 = tpu.memref_slice %arg4[%add3A_520, %dma_wait3A_549] : memref<16384x1024xf32, #tpu.memory_space<hbm>> -> memref<16x1024xf32, #tpu.memory_space<hbm>>
    %dma_wait3A_551 = arith.constant 0 : i32
    %dma_wait3A_552 = tpu.memref_slice %arg4[%add3A_520, %dma_wait3A_551] : memref<16384x1024xf32, #tpu.memory_space<hbm>> -> memref<16x1024xf32, #tpu.memory_space<hbm>>
    tpu.wait_dma2 semaphore(%arg20 : memref<!tpu.dma_semaphore, #tpu.memory_space<semaphore_mem>>) src(%arg8 : memref<16x1024xf32, #tpu.memory_space<vmem>>) dst(%dma_wait3A_552 : memref<16x1024xf32, #tpu.memory_space<hbm>>)
    %dma_start3A_553 = arith.constant 26 : i32
    %dma_start3A_554 = arith.constant 0 : i32
    %dma_start3A_555 = tpu.memref_slice %arg5[%dma_start3A_553, %dma_start3A_554] : memref<32x16xi32, #tpu.memory_space<vmem>> -> memref<1x16xi32, #tpu.memory_space<vmem>>
    %dma_start3A_556 = tpu.memref_squeeze %dma_start3A_555 : memref<1x16xi32, #tpu.memory_space<vmem>> -> memref<16xi32, #tpu.memory_space<vmem>>
    %dma_start3A_557 = arith.constant 0 : i32
    %dma_start3A_558 = arith.constant 0 : i32
    %dma_start3A_559 = tpu.memref_slice %arg3[%dma_start3A_557, %dma_start3A_558] : memref<100000x1024xf32, #tpu.memory_space<hbm>> -> memref<100000x1024xf32, #tpu.memory_space<hbm>>
    tpu.enqueue_indirect_dma source(%dma_start3A_559 : memref<100000x1024xf32, #tpu.memory_space<hbm>>) target(%arg8 : memref<16x1024xf32, #tpu.memory_space<vmem>>) offsets(%dma_start3A_556 : memref<16xi32, #tpu.memory_space<vmem>>) semaphore(%arg14 : memref<!tpu.dma_semaphore, #tpu.memory_space<semaphore_mem>>)
    %dma_wait3A_560 = arith.constant 22 : i32
    %dma_wait3A_561 = arith.constant 0 : i32
    %dma_wait3A_562 = tpu.memref_slice %arg5[%dma_wait3A_560, %dma_wait3A_561] : memref<32x16xi32, #tpu.memory_space<vmem>> -> memref<1x16xi32, #tpu.memory_space<vmem>>
    %dma_wait3A_563 = tpu.memref_squeeze %dma_wait3A_562 : memref<1x16xi32, #tpu.memory_space<vmem>> -> memref<16xi32, #tpu.memory_space<vmem>>
    %dma_wait3A_564 = arith.constant 0 : i32
    %dma_wait3A_565 = arith.constant 0 : i32
    %dma_wait3A_566 = tpu.memref_slice %arg3[%dma_wait3A_564, %dma_wait3A_565] : memref<100000x1024xf32, #tpu.memory_space<hbm>> -> memref<100000x1024xf32, #tpu.memory_space<hbm>>
    tpu.wait_indirect_dma semaphore(%arg16 : memref<!tpu.dma_semaphore, #tpu.memory_space<semaphore_mem>>) src(%dma_wait3A_566 : memref<100000x1024xf32, #tpu.memory_space<hbm>>) dst(%arg10 : memref<16x1024xf32, #tpu.memory_space<vmem>>)
    %add3A_567 = arith.constant 352 : i32
    %add3A_568 = arith.addi %mul3A_2, %add3A_567 : i32
    %dma_start3A_569 = arith.constant 0 : i32
    %dma_start3A_570 = tpu.memref_slice %arg4[%add3A_568, %dma_start3A_569] : memref<16384x1024xf32, #tpu.memory_space<hbm>> -> memref<16x1024xf32, #tpu.memory_space<hbm>>
    %dma_start3A_571 = arith.constant 0 : i32
    %dma_start3A_572 = tpu.memref_slice %arg4[%add3A_568, %dma_start3A_571] : memref<16384x1024xf32, #tpu.memory_space<hbm>> -> memref<16x1024xf32, #tpu.memory_space<hbm>>
    tpu.enqueue_dma source(%arg10 : memref<16x1024xf32, #tpu.memory_space<vmem>>) target(%dma_start3A_572 : memref<16x1024xf32, #tpu.memory_space<hbm>>) target_semaphore(%arg22 : memref<!tpu.dma_semaphore, #tpu.memory_space<semaphore_mem>>)
    %dma_wait3A_573 = arith.constant 0 : i32
    %dma_wait3A_574 = tpu.memref_slice %arg4[%add3A_544, %dma_wait3A_573] : memref<16384x1024xf32, #tpu.memory_space<hbm>> -> memref<16x1024xf32, #tpu.memory_space<hbm>>
    %dma_wait3A_575 = arith.constant 0 : i32
    %dma_wait3A_576 = tpu.memref_slice %arg4[%add3A_544, %dma_wait3A_575] : memref<16384x1024xf32, #tpu.memory_space<hbm>> -> memref<16x1024xf32, #tpu.memory_space<hbm>>
    tpu.wait_dma2 semaphore(%arg21 : memref<!tpu.dma_semaphore, #tpu.memory_space<semaphore_mem>>) src(%arg9 : memref<16x1024xf32, #tpu.memory_space<vmem>>) dst(%dma_wait3A_576 : memref<16x1024xf32, #tpu.memory_space<hbm>>)
    %dma_start3A_577 = arith.constant 27 : i32
    %dma_start3A_578 = arith.constant 0 : i32
    %dma_start3A_579 = tpu.memref_slice %arg5[%dma_start3A_577, %dma_start3A_578] : memref<32x16xi32, #tpu.memory_space<vmem>> -> memref<1x16xi32, #tpu.memory_space<vmem>>
    %dma_start3A_580 = tpu.memref_squeeze %dma_start3A_579 : memref<1x16xi32, #tpu.memory_space<vmem>> -> memref<16xi32, #tpu.memory_space<vmem>>
    %dma_start3A_581 = arith.constant 0 : i32
    %dma_start3A_582 = arith.constant 0 : i32
    %dma_start3A_583 = tpu.memref_slice %arg3[%dma_start3A_581, %dma_start3A_582] : memref<100000x1024xf32, #tpu.memory_space<hbm>> -> memref<100000x1024xf32, #tpu.memory_space<hbm>>
    tpu.enqueue_indirect_dma source(%dma_start3A_583 : memref<100000x1024xf32, #tpu.memory_space<hbm>>) target(%arg9 : memref<16x1024xf32, #tpu.memory_space<vmem>>) offsets(%dma_start3A_580 : memref<16xi32, #tpu.memory_space<vmem>>) semaphore(%arg15 : memref<!tpu.dma_semaphore, #tpu.memory_space<semaphore_mem>>)
    %dma_wait3A_584 = arith.constant 23 : i32
    %dma_wait3A_585 = arith.constant 0 : i32
    %dma_wait3A_586 = tpu.memref_slice %arg5[%dma_wait3A_584, %dma_wait3A_585] : memref<32x16xi32, #tpu.memory_space<vmem>> -> memref<1x16xi32, #tpu.memory_space<vmem>>
    %dma_wait3A_587 = tpu.memref_squeeze %dma_wait3A_586 : memref<1x16xi32, #tpu.memory_space<vmem>> -> memref<16xi32, #tpu.memory_space<vmem>>
    %dma_wait3A_588 = arith.constant 0 : i32
    %dma_wait3A_589 = arith.constant 0 : i32
    %dma_wait3A_590 = tpu.memref_slice %arg3[%dma_wait3A_588, %dma_wait3A_589] : memref<100000x1024xf32, #tpu.memory_space<hbm>> -> memref<100000x1024xf32, #tpu.memory_space<hbm>>
    tpu.wait_indirect_dma semaphore(%arg17 : memref<!tpu.dma_semaphore, #tpu.memory_space<semaphore_mem>>) src(%dma_wait3A_590 : memref<100000x1024xf32, #tpu.memory_space<hbm>>) dst(%arg11 : memref<16x1024xf32, #tpu.memory_space<vmem>>)
    %add3A_591 = arith.constant 368 : i32
    %add3A_592 = arith.addi %mul3A_2, %add3A_591 : i32
    %dma_start3A_593 = arith.constant 0 : i32
    %dma_start3A_594 = tpu.memref_slice %arg4[%add3A_592, %dma_start3A_593] : memref<16384x1024xf32, #tpu.memory_space<hbm>> -> memref<16x1024xf32, #tpu.memory_space<hbm>>
    %dma_start3A_595 = arith.constant 0 : i32
    %dma_start3A_596 = tpu.memref_slice %arg4[%add3A_592, %dma_start3A_595] : memref<16384x1024xf32, #tpu.memory_space<hbm>> -> memref<16x1024xf32, #tpu.memory_space<hbm>>
    tpu.enqueue_dma source(%arg11 : memref<16x1024xf32, #tpu.memory_space<vmem>>) target(%dma_start3A_596 : memref<16x1024xf32, #tpu.memory_space<hbm>>) target_semaphore(%arg23 : memref<!tpu.dma_semaphore, #tpu.memory_space<semaphore_mem>>)
    %dma_wait3A_597 = arith.constant 0 : i32
    %dma_wait3A_598 = tpu.memref_slice %arg4[%add3A_568, %dma_wait3A_597] : memref<16384x1024xf32, #tpu.memory_space<hbm>> -> memref<16x1024xf32, #tpu.memory_space<hbm>>
    %dma_wait3A_599 = arith.constant 0 : i32
    %dma_wait3A_600 = tpu.memref_slice %arg4[%add3A_568, %dma_wait3A_599] : memref<16384x1024xf32, #tpu.memory_space<hbm>> -> memref<16x1024xf32, #tpu.memory_space<hbm>>
    tpu.wait_dma2 semaphore(%arg22 : memref<!tpu.dma_semaphore, #tpu.memory_space<semaphore_mem>>) src(%arg10 : memref<16x1024xf32, #tpu.memory_space<vmem>>) dst(%dma_wait3A_600 : memref<16x1024xf32, #tpu.memory_space<hbm>>)
    %dma_start3A_601 = arith.constant 28 : i32
    %dma_start3A_602 = arith.constant 0 : i32
    %dma_start3A_603 = tpu.memref_slice %arg5[%dma_start3A_601, %dma_start3A_602] : memref<32x16xi32, #tpu.memory_space<vmem>> -> memref<1x16xi32, #tpu.memory_space<vmem>>
    %dma_start3A_604 = tpu.memref_squeeze %dma_start3A_603 : memref<1x16xi32, #tpu.memory_space<vmem>> -> memref<16xi32, #tpu.memory_space<vmem>>
    %dma_start3A_605 = arith.constant 0 : i32
    %dma_start3A_606 = arith.constant 0 : i32
    %dma_start3A_607 = tpu.memref_slice %arg3[%dma_start3A_605, %dma_start3A_606] : memref<100000x1024xf32, #tpu.memory_space<hbm>> -> memref<100000x1024xf32, #tpu.memory_space<hbm>>
    tpu.enqueue_indirect_dma source(%dma_start3A_607 : memref<100000x1024xf32, #tpu.memory_space<hbm>>) target(%arg10 : memref<16x1024xf32, #tpu.memory_space<vmem>>) offsets(%dma_start3A_604 : memref<16xi32, #tpu.memory_space<vmem>>) semaphore(%arg16 : memref<!tpu.dma_semaphore, #tpu.memory_space<semaphore_mem>>)
    %dma_wait3A_608 = arith.constant 24 : i32
    %dma_wait3A_609 = arith.constant 0 : i32
    %dma_wait3A_610 = tpu.memref_slice %arg5[%dma_wait3A_608, %dma_wait3A_609] : memref<32x16xi32, #tpu.memory_space<vmem>> -> memref<1x16xi32, #tpu.memory_space<vmem>>
    %dma_wait3A_611 = tpu.memref_squeeze %dma_wait3A_610 : memref<1x16xi32, #tpu.memory_space<vmem>> -> memref<16xi32, #tpu.memory_space<vmem>>
    %dma_wait3A_612 = arith.constant 0 : i32
    %dma_wait3A_613 = arith.constant 0 : i32
    %dma_wait3A_614 = tpu.memref_slice %arg3[%dma_wait3A_612, %dma_wait3A_613] : memref<100000x1024xf32, #tpu.memory_space<hbm>> -> memref<100000x1024xf32, #tpu.memory_space<hbm>>
    tpu.wait_indirect_dma semaphore(%arg12 : memref<!tpu.dma_semaphore, #tpu.memory_space<semaphore_mem>>) src(%dma_wait3A_614 : memref<100000x1024xf32, #tpu.memory_space<hbm>>) dst(%arg6 : memref<16x1024xf32, #tpu.memory_space<vmem>>)
    %add3A_615 = arith.constant 384 : i32
    %add3A_616 = arith.addi %mul3A_2, %add3A_615 : i32
    %dma_start3A_617 = arith.constant 0 : i32
    %dma_start3A_618 = tpu.memref_slice %arg4[%add3A_616, %dma_start3A_617] : memref<16384x1024xf32, #tpu.memory_space<hbm>> -> memref<16x1024xf32, #tpu.memory_space<hbm>>
    %dma_start3A_619 = arith.constant 0 : i32
    %dma_start3A_620 = tpu.memref_slice %arg4[%add3A_616, %dma_start3A_619] : memref<16384x1024xf32, #tpu.memory_space<hbm>> -> memref<16x1024xf32, #tpu.memory_space<hbm>>
    tpu.enqueue_dma source(%arg6 : memref<16x1024xf32, #tpu.memory_space<vmem>>) target(%dma_start3A_620 : memref<16x1024xf32, #tpu.memory_space<hbm>>) target_semaphore(%arg18 : memref<!tpu.dma_semaphore, #tpu.memory_space<semaphore_mem>>)
    %dma_wait3A_621 = arith.constant 0 : i32
    %dma_wait3A_622 = tpu.memref_slice %arg4[%add3A_592, %dma_wait3A_621] : memref<16384x1024xf32, #tpu.memory_space<hbm>> -> memref<16x1024xf32, #tpu.memory_space<hbm>>
    %dma_wait3A_623 = arith.constant 0 : i32
    %dma_wait3A_624 = tpu.memref_slice %arg4[%add3A_592, %dma_wait3A_623] : memref<16384x1024xf32, #tpu.memory_space<hbm>> -> memref<16x1024xf32, #tpu.memory_space<hbm>>
    tpu.wait_dma2 semaphore(%arg23 : memref<!tpu.dma_semaphore, #tpu.memory_space<semaphore_mem>>) src(%arg11 : memref<16x1024xf32, #tpu.memory_space<vmem>>) dst(%dma_wait3A_624 : memref<16x1024xf32, #tpu.memory_space<hbm>>)
    %dma_start3A_625 = arith.constant 29 : i32
    %dma_start3A_626 = arith.constant 0 : i32
    %dma_start3A_627 = tpu.memref_slice %arg5[%dma_start3A_625, %dma_start3A_626] : memref<32x16xi32, #tpu.memory_space<vmem>> -> memref<1x16xi32, #tpu.memory_space<vmem>>
    %dma_start3A_628 = tpu.memref_squeeze %dma_start3A_627 : memref<1x16xi32, #tpu.memory_space<vmem>> -> memref<16xi32, #tpu.memory_space<vmem>>
    %dma_start3A_629 = arith.constant 0 : i32
    %dma_start3A_630 = arith.constant 0 : i32
    %dma_start3A_631 = tpu.memref_slice %arg3[%dma_start3A_629, %dma_start3A_630] : memref<100000x1024xf32, #tpu.memory_space<hbm>> -> memref<100000x1024xf32, #tpu.memory_space<hbm>>
    tpu.enqueue_indirect_dma source(%dma_start3A_631 : memref<100000x1024xf32, #tpu.memory_space<hbm>>) target(%arg11 : memref<16x1024xf32, #tpu.memory_space<vmem>>) offsets(%dma_start3A_628 : memref<16xi32, #tpu.memory_space<vmem>>) semaphore(%arg17 : memref<!tpu.dma_semaphore, #tpu.memory_space<semaphore_mem>>)
    %dma_wait3A_632 = arith.constant 25 : i32
    %dma_wait3A_633 = arith.constant 0 : i32
    %dma_wait3A_634 = tpu.memref_slice %arg5[%dma_wait3A_632, %dma_wait3A_633] : memref<32x16xi32, #tpu.memory_space<vmem>> -> memref<1x16xi32, #tpu.memory_space<vmem>>
    %dma_wait3A_635 = tpu.memref_squeeze %dma_wait3A_634 : memref<1x16xi32, #tpu.memory_space<vmem>> -> memref<16xi32, #tpu.memory_space<vmem>>
    %dma_wait3A_636 = arith.constant 0 : i32
    %dma_wait3A_637 = arith.constant 0 : i32
    %dma_wait3A_638 = tpu.memref_slice %arg3[%dma_wait3A_636, %dma_wait3A_637] : memref<100000x1024xf32, #tpu.memory_space<hbm>> -> memref<100000x1024xf32, #tpu.memory_space<hbm>>
    tpu.wait_indirect_dma semaphore(%arg13 : memref<!tpu.dma_semaphore, #tpu.memory_space<semaphore_mem>>) src(%dma_wait3A_638 : memref<100000x1024xf32, #tpu.memory_space<hbm>>) dst(%arg7 : memref<16x1024xf32, #tpu.memory_space<vmem>>)
    %add3A_639 = arith.constant 400 : i32
    %add3A_640 = arith.addi %mul3A_2, %add3A_639 : i32
    %dma_start3A_641 = arith.constant 0 : i32
    %dma_start3A_642 = tpu.memref_slice %arg4[%add3A_640, %dma_start3A_641] : memref<16384x1024xf32, #tpu.memory_space<hbm>> -> memref<16x1024xf32, #tpu.memory_space<hbm>>
    %dma_start3A_643 = arith.constant 0 : i32
    %dma_start3A_644 = tpu.memref_slice %arg4[%add3A_640, %dma_start3A_643] : memref<16384x1024xf32, #tpu.memory_space<hbm>> -> memref<16x1024xf32, #tpu.memory_space<hbm>>
    tpu.enqueue_dma source(%arg7 : memref<16x1024xf32, #tpu.memory_space<vmem>>) target(%dma_start3A_644 : memref<16x1024xf32, #tpu.memory_space<hbm>>) target_semaphore(%arg19 : memref<!tpu.dma_semaphore, #tpu.memory_space<semaphore_mem>>)
    %dma_wait3A_645 = arith.constant 0 : i32
    %dma_wait3A_646 = tpu.memref_slice %arg4[%add3A_616, %dma_wait3A_645] : memref<16384x1024xf32, #tpu.memory_space<hbm>> -> memref<16x1024xf32, #tpu.memory_space<hbm>>
    %dma_wait3A_647 = arith.constant 0 : i32
    %dma_wait3A_648 = tpu.memref_slice %arg4[%add3A_616, %dma_wait3A_647] : memref<16384x1024xf32, #tpu.memory_space<hbm>> -> memref<16x1024xf32, #tpu.memory_space<hbm>>
    tpu.wait_dma2 semaphore(%arg18 : memref<!tpu.dma_semaphore, #tpu.memory_space<semaphore_mem>>) src(%arg6 : memref<16x1024xf32, #tpu.memory_space<vmem>>) dst(%dma_wait3A_648 : memref<16x1024xf32, #tpu.memory_space<hbm>>)
    %dma_start3A_649 = arith.constant 30 : i32
    %dma_start3A_650 = arith.constant 0 : i32
    %dma_start3A_651 = tpu.memref_slice %arg5[%dma_start3A_649, %dma_start3A_650] : memref<32x16xi32, #tpu.memory_space<vmem>> -> memref<1x16xi32, #tpu.memory_space<vmem>>
    %dma_start3A_652 = tpu.memref_squeeze %dma_start3A_651 : memref<1x16xi32, #tpu.memory_space<vmem>> -> memref<16xi32, #tpu.memory_space<vmem>>
    %dma_start3A_653 = arith.constant 0 : i32
    %dma_start3A_654 = arith.constant 0 : i32
    %dma_start3A_655 = tpu.memref_slice %arg3[%dma_start3A_653, %dma_start3A_654] : memref<100000x1024xf32, #tpu.memory_space<hbm>> -> memref<100000x1024xf32, #tpu.memory_space<hbm>>
    tpu.enqueue_indirect_dma source(%dma_start3A_655 : memref<100000x1024xf32, #tpu.memory_space<hbm>>) target(%arg6 : memref<16x1024xf32, #tpu.memory_space<vmem>>) offsets(%dma_start3A_652 : memref<16xi32, #tpu.memory_space<vmem>>) semaphore(%arg12 : memref<!tpu.dma_semaphore, #tpu.memory_space<semaphore_mem>>)
    %dma_wait3A_656 = arith.constant 26 : i32
    %dma_wait3A_657 = arith.constant 0 : i32
    %dma_wait3A_658 = tpu.memref_slice %arg5[%dma_wait3A_656, %dma_wait3A_657] : memref<32x16xi32, #tpu.memory_space<vmem>> -> memref<1x16xi32, #tpu.memory_space<vmem>>
    %dma_wait3A_659 = tpu.memref_squeeze %dma_wait3A_658 : memref<1x16xi32, #tpu.memory_space<vmem>> -> memref<16xi32, #tpu.memory_space<vmem>>
    %dma_wait3A_660 = arith.constant 0 : i32
    %dma_wait3A_661 = arith.constant 0 : i32
    %dma_wait3A_662 = tpu.memref_slice %arg3[%dma_wait3A_660, %dma_wait3A_661] : memref<100000x1024xf32, #tpu.memory_space<hbm>> -> memref<100000x1024xf32, #tpu.memory_space<hbm>>
    tpu.wait_indirect_dma semaphore(%arg14 : memref<!tpu.dma_semaphore, #tpu.memory_space<semaphore_mem>>) src(%dma_wait3A_662 : memref<100000x1024xf32, #tpu.memory_space<hbm>>) dst(%arg8 : memref<16x1024xf32, #tpu.memory_space<vmem>>)
    %add3A_663 = arith.constant 416 : i32
    %add3A_664 = arith.addi %mul3A_2, %add3A_663 : i32
    %dma_start3A_665 = arith.constant 0 : i32
    %dma_start3A_666 = tpu.memref_slice %arg4[%add3A_664, %dma_start3A_665] : memref<16384x1024xf32, #tpu.memory_space<hbm>> -> memref<16x1024xf32, #tpu.memory_space<hbm>>
    %dma_start3A_667 = arith.constant 0 : i32
    %dma_start3A_668 = tpu.memref_slice %arg4[%add3A_664, %dma_start3A_667] : memref<16384x1024xf32, #tpu.memory_space<hbm>> -> memref<16x1024xf32, #tpu.memory_space<hbm>>
    tpu.enqueue_dma source(%arg8 : memref<16x1024xf32, #tpu.memory_space<vmem>>) target(%dma_start3A_668 : memref<16x1024xf32, #tpu.memory_space<hbm>>) target_semaphore(%arg20 : memref<!tpu.dma_semaphore, #tpu.memory_space<semaphore_mem>>)
    %dma_wait3A_669 = arith.constant 0 : i32
    %dma_wait3A_670 = tpu.memref_slice %arg4[%add3A_640, %dma_wait3A_669] : memref<16384x1024xf32, #tpu.memory_space<hbm>> -> memref<16x1024xf32, #tpu.memory_space<hbm>>
    %dma_wait3A_671 = arith.constant 0 : i32
    %dma_wait3A_672 = tpu.memref_slice %arg4[%add3A_640, %dma_wait3A_671] : memref<16384x1024xf32, #tpu.memory_space<hbm>> -> memref<16x1024xf32, #tpu.memory_space<hbm>>
    tpu.wait_dma2 semaphore(%arg19 : memref<!tpu.dma_semaphore, #tpu.memory_space<semaphore_mem>>) src(%arg7 : memref<16x1024xf32, #tpu.memory_space<vmem>>) dst(%dma_wait3A_672 : memref<16x1024xf32, #tpu.memory_space<hbm>>)
    %dma_start3A_673 = arith.constant 31 : i32
    %dma_start3A_674 = arith.constant 0 : i32
    %dma_start3A_675 = tpu.memref_slice %arg5[%dma_start3A_673, %dma_start3A_674] : memref<32x16xi32, #tpu.memory_space<vmem>> -> memref<1x16xi32, #tpu.memory_space<vmem>>
    %dma_start3A_676 = tpu.memref_squeeze %dma_start3A_675 : memref<1x16xi32, #tpu.memory_space<vmem>> -> memref<16xi32, #tpu.memory_space<vmem>>
    %dma_start3A_677 = arith.constant 0 : i32
    %dma_start3A_678 = arith.constant 0 : i32
    %dma_start3A_679 = tpu.memref_slice %arg3[%dma_start3A_677, %dma_start3A_678] : memref<100000x1024xf32, #tpu.memory_space<hbm>> -> memref<100000x1024xf32, #tpu.memory_space<hbm>>
    tpu.enqueue_indirect_dma source(%dma_start3A_679 : memref<100000x1024xf32, #tpu.memory_space<hbm>>) target(%arg7 : memref<16x1024xf32, #tpu.memory_space<vmem>>) offsets(%dma_start3A_676 : memref<16xi32, #tpu.memory_space<vmem>>) semaphore(%arg13 : memref<!tpu.dma_semaphore, #tpu.memory_space<semaphore_mem>>)
    %dma_wait3A_680 = arith.constant 27 : i32
    %dma_wait3A_681 = arith.constant 0 : i32
    %dma_wait3A_682 = tpu.memref_slice %arg5[%dma_wait3A_680, %dma_wait3A_681] : memref<32x16xi32, #tpu.memory_space<vmem>> -> memref<1x16xi32, #tpu.memory_space<vmem>>
    %dma_wait3A_683 = tpu.memref_squeeze %dma_wait3A_682 : memref<1x16xi32, #tpu.memory_space<vmem>> -> memref<16xi32, #tpu.memory_space<vmem>>
    %dma_wait3A_684 = arith.constant 0 : i32
    %dma_wait3A_685 = arith.constant 0 : i32
    %dma_wait3A_686 = tpu.memref_slice %arg3[%dma_wait3A_684, %dma_wait3A_685] : memref<100000x1024xf32, #tpu.memory_space<hbm>> -> memref<100000x1024xf32, #tpu.memory_space<hbm>>
    tpu.wait_indirect_dma semaphore(%arg15 : memref<!tpu.dma_semaphore, #tpu.memory_space<semaphore_mem>>) src(%dma_wait3A_686 : memref<100000x1024xf32, #tpu.memory_space<hbm>>) dst(%arg9 : memref<16x1024xf32, #tpu.memory_space<vmem>>)
    %add3A_687 = arith.constant 432 : i32
    %add3A_688 = arith.addi %mul3A_2, %add3A_687 : i32
    %dma_start3A_689 = arith.constant 0 : i32
    %dma_start3A_690 = tpu.memref_slice %arg4[%add3A_688, %dma_start3A_689] : memref<16384x1024xf32, #tpu.memory_space<hbm>> -> memref<16x1024xf32, #tpu.memory_space<hbm>>
    %dma_start3A_691 = arith.constant 0 : i32
    %dma_start3A_692 = tpu.memref_slice %arg4[%add3A_688, %dma_start3A_691] : memref<16384x1024xf32, #tpu.memory_space<hbm>> -> memref<16x1024xf32, #tpu.memory_space<hbm>>
    tpu.enqueue_dma source(%arg9 : memref<16x1024xf32, #tpu.memory_space<vmem>>) target(%dma_start3A_692 : memref<16x1024xf32, #tpu.memory_space<hbm>>) target_semaphore(%arg21 : memref<!tpu.dma_semaphore, #tpu.memory_space<semaphore_mem>>)
    %dma_wait3A_693 = arith.constant 28 : i32
    %dma_wait3A_694 = arith.constant 0 : i32
    %dma_wait3A_695 = tpu.memref_slice %arg5[%dma_wait3A_693, %dma_wait3A_694] : memref<32x16xi32, #tpu.memory_space<vmem>> -> memref<1x16xi32, #tpu.memory_space<vmem>>
    %dma_wait3A_696 = tpu.memref_squeeze %dma_wait3A_695 : memref<1x16xi32, #tpu.memory_space<vmem>> -> memref<16xi32, #tpu.memory_space<vmem>>
    %dma_wait3A_697 = arith.constant 0 : i32
    %dma_wait3A_698 = arith.constant 0 : i32
    %dma_wait3A_699 = tpu.memref_slice %arg3[%dma_wait3A_697, %dma_wait3A_698] : memref<100000x1024xf32, #tpu.memory_space<hbm>> -> memref<100000x1024xf32, #tpu.memory_space<hbm>>
    tpu.wait_indirect_dma semaphore(%arg16 : memref<!tpu.dma_semaphore, #tpu.memory_space<semaphore_mem>>) src(%dma_wait3A_699 : memref<100000x1024xf32, #tpu.memory_space<hbm>>) dst(%arg10 : memref<16x1024xf32, #tpu.memory_space<vmem>>)
    %add3A_700 = arith.constant 448 : i32
    %add3A_701 = arith.addi %mul3A_2, %add3A_700 : i32
    %dma_start3A_702 = arith.constant 0 : i32
    %dma_start3A_703 = tpu.memref_slice %arg4[%add3A_701, %dma_start3A_702] : memref<16384x1024xf32, #tpu.memory_space<hbm>> -> memref<16x1024xf32, #tpu.memory_space<hbm>>
    %dma_start3A_704 = arith.constant 0 : i32
    %dma_start3A_705 = tpu.memref_slice %arg4[%add3A_701, %dma_start3A_704] : memref<16384x1024xf32, #tpu.memory_space<hbm>> -> memref<16x1024xf32, #tpu.memory_space<hbm>>
    tpu.enqueue_dma source(%arg10 : memref<16x1024xf32, #tpu.memory_space<vmem>>) target(%dma_start3A_705 : memref<16x1024xf32, #tpu.memory_space<hbm>>) target_semaphore(%arg22 : memref<!tpu.dma_semaphore, #tpu.memory_space<semaphore_mem>>)
    %dma_wait3A_706 = arith.constant 29 : i32
    %dma_wait3A_707 = arith.constant 0 : i32
    %dma_wait3A_708 = tpu.memref_slice %arg5[%dma_wait3A_706, %dma_wait3A_707] : memref<32x16xi32, #tpu.memory_space<vmem>> -> memref<1x16xi32, #tpu.memory_space<vmem>>
    %dma_wait3A_709 = tpu.memref_squeeze %dma_wait3A_708 : memref<1x16xi32, #tpu.memory_space<vmem>> -> memref<16xi32, #tpu.memory_space<vmem>>
    %dma_wait3A_710 = arith.constant 0 : i32
    %dma_wait3A_711 = arith.constant 0 : i32
    %dma_wait3A_712 = tpu.memref_slice %arg3[%dma_wait3A_710, %dma_wait3A_711] : memref<100000x1024xf32, #tpu.memory_space<hbm>> -> memref<100000x1024xf32, #tpu.memory_space<hbm>>
    tpu.wait_indirect_dma semaphore(%arg17 : memref<!tpu.dma_semaphore, #tpu.memory_space<semaphore_mem>>) src(%dma_wait3A_712 : memref<100000x1024xf32, #tpu.memory_space<hbm>>) dst(%arg11 : memref<16x1024xf32, #tpu.memory_space<vmem>>)
    %add3A_713 = arith.constant 464 : i32
    %add3A_714 = arith.addi %mul3A_2, %add3A_713 : i32
    %dma_start3A_715 = arith.constant 0 : i32
    %dma_start3A_716 = tpu.memref_slice %arg4[%add3A_714, %dma_start3A_715] : memref<16384x1024xf32, #tpu.memory_space<hbm>> -> memref<16x1024xf32, #tpu.memory_space<hbm>>
    %dma_start3A_717 = arith.constant 0 : i32
    %dma_start3A_718 = tpu.memref_slice %arg4[%add3A_714, %dma_start3A_717] : memref<16384x1024xf32, #tpu.memory_space<hbm>> -> memref<16x1024xf32, #tpu.memory_space<hbm>>
    tpu.enqueue_dma source(%arg11 : memref<16x1024xf32, #tpu.memory_space<vmem>>) target(%dma_start3A_718 : memref<16x1024xf32, #tpu.memory_space<hbm>>) target_semaphore(%arg23 : memref<!tpu.dma_semaphore, #tpu.memory_space<semaphore_mem>>)
    %dma_wait3A_719 = arith.constant 30 : i32
    %dma_wait3A_720 = arith.constant 0 : i32
    %dma_wait3A_721 = tpu.memref_slice %arg5[%dma_wait3A_719, %dma_wait3A_720] : memref<32x16xi32, #tpu.memory_space<vmem>> -> memref<1x16xi32, #tpu.memory_space<vmem>>
    %dma_wait3A_722 = tpu.memref_squeeze %dma_wait3A_721 : memref<1x16xi32, #tpu.memory_space<vmem>> -> memref<16xi32, #tpu.memory_space<vmem>>
    %dma_wait3A_723 = arith.constant 0 : i32
    %dma_wait3A_724 = arith.constant 0 : i32
    %dma_wait3A_725 = tpu.memref_slice %arg3[%dma_wait3A_723, %dma_wait3A_724] : memref<100000x1024xf32, #tpu.memory_space<hbm>> -> memref<100000x1024xf32, #tpu.memory_space<hbm>>
    tpu.wait_indirect_dma semaphore(%arg12 : memref<!tpu.dma_semaphore, #tpu.memory_space<semaphore_mem>>) src(%dma_wait3A_725 : memref<100000x1024xf32, #tpu.memory_space<hbm>>) dst(%arg6 : memref<16x1024xf32, #tpu.memory_space<vmem>>)
    %add3A_726 = arith.constant 480 : i32
    %add3A_727 = arith.addi %mul3A_2, %add3A_726 : i32
    %dma_start3A_728 = arith.constant 0 : i32
    %dma_start3A_729 = tpu.memref_slice %arg4[%add3A_727, %dma_start3A_728] : memref<16384x1024xf32, #tpu.memory_space<hbm>> -> memref<16x1024xf32, #tpu.memory_space<hbm>>
    %dma_start3A_730 = arith.constant 0 : i32
    %dma_start3A_731 = tpu.memref_slice %arg4[%add3A_727, %dma_start3A_730] : memref<16384x1024xf32, #tpu.memory_space<hbm>> -> memref<16x1024xf32, #tpu.memory_space<hbm>>
    tpu.enqueue_dma source(%arg6 : memref<16x1024xf32, #tpu.memory_space<vmem>>) target(%dma_start3A_731 : memref<16x1024xf32, #tpu.memory_space<hbm>>) target_semaphore(%arg18 : memref<!tpu.dma_semaphore, #tpu.memory_space<semaphore_mem>>)
    %dma_wait3A_732 = arith.constant 31 : i32
    %dma_wait3A_733 = arith.constant 0 : i32
    %dma_wait3A_734 = tpu.memref_slice %arg5[%dma_wait3A_732, %dma_wait3A_733] : memref<32x16xi32, #tpu.memory_space<vmem>> -> memref<1x16xi32, #tpu.memory_space<vmem>>
    %dma_wait3A_735 = tpu.memref_squeeze %dma_wait3A_734 : memref<1x16xi32, #tpu.memory_space<vmem>> -> memref<16xi32, #tpu.memory_space<vmem>>
    %dma_wait3A_736 = arith.constant 0 : i32
    %dma_wait3A_737 = arith.constant 0 : i32
    %dma_wait3A_738 = tpu.memref_slice %arg3[%dma_wait3A_736, %dma_wait3A_737] : memref<100000x1024xf32, #tpu.memory_space<hbm>> -> memref<100000x1024xf32, #tpu.memory_space<hbm>>
    tpu.wait_indirect_dma semaphore(%arg13 : memref<!tpu.dma_semaphore, #tpu.memory_space<semaphore_mem>>) src(%dma_wait3A_738 : memref<100000x1024xf32, #tpu.memory_space<hbm>>) dst(%arg7 : memref<16x1024xf32, #tpu.memory_space<vmem>>)
    %add3A_739 = arith.constant 496 : i32
    %add3A_740 = arith.addi %mul3A_2, %add3A_739 : i32
    %dma_start3A_741 = arith.constant 0 : i32
    %dma_start3A_742 = tpu.memref_slice %arg4[%add3A_740, %dma_start3A_741] : memref<16384x1024xf32, #tpu.memory_space<hbm>> -> memref<16x1024xf32, #tpu.memory_space<hbm>>
    %dma_start3A_743 = arith.constant 0 : i32
    %dma_start3A_744 = tpu.memref_slice %arg4[%add3A_740, %dma_start3A_743] : memref<16384x1024xf32, #tpu.memory_space<hbm>> -> memref<16x1024xf32, #tpu.memory_space<hbm>>
    tpu.enqueue_dma source(%arg7 : memref<16x1024xf32, #tpu.memory_space<vmem>>) target(%dma_start3A_744 : memref<16x1024xf32, #tpu.memory_space<hbm>>) target_semaphore(%arg19 : memref<!tpu.dma_semaphore, #tpu.memory_space<semaphore_mem>>)
    %dma_wait3A_745 = arith.constant 0 : i32
    %dma_wait3A_746 = tpu.memref_slice %arg4[%add3A_664, %dma_wait3A_745] : memref<16384x1024xf32, #tpu.memory_space<hbm>> -> memref<16x1024xf32, #tpu.memory_space<hbm>>
    %dma_wait3A_747 = arith.constant 0 : i32
    %dma_wait3A_748 = tpu.memref_slice %arg4[%add3A_664, %dma_wait3A_747] : memref<16384x1024xf32, #tpu.memory_space<hbm>> -> memref<16x1024xf32, #tpu.memory_space<hbm>>
    tpu.wait_dma2 semaphore(%arg20 : memref<!tpu.dma_semaphore, #tpu.memory_space<semaphore_mem>>) src(%arg8 : memref<16x1024xf32, #tpu.memory_space<vmem>>) dst(%dma_wait3A_748 : memref<16x1024xf32, #tpu.memory_space<hbm>>)
    %dma_wait3A_749 = arith.constant 0 : i32
    %dma_wait3A_750 = tpu.memref_slice %arg4[%add3A_688, %dma_wait3A_749] : memref<16384x1024xf32, #tpu.memory_space<hbm>> -> memref<16x1024xf32, #tpu.memory_space<hbm>>
    %dma_wait3A_751 = arith.constant 0 : i32
    %dma_wait3A_752 = tpu.memref_slice %arg4[%add3A_688, %dma_wait3A_751] : memref<16384x1024xf32, #tpu.memory_space<hbm>> -> memref<16x1024xf32, #tpu.memory_space<hbm>>
    tpu.wait_dma2 semaphore(%arg21 : memref<!tpu.dma_semaphore, #tpu.memory_space<semaphore_mem>>) src(%arg9 : memref<16x1024xf32, #tpu.memory_space<vmem>>) dst(%dma_wait3A_752 : memref<16x1024xf32, #tpu.memory_space<hbm>>)
    %dma_wait3A_753 = arith.constant 0 : i32
    %dma_wait3A_754 = tpu.memref_slice %arg4[%add3A_701, %dma_wait3A_753] : memref<16384x1024xf32, #tpu.memory_space<hbm>> -> memref<16x1024xf32, #tpu.memory_space<hbm>>
    %dma_wait3A_755 = arith.constant 0 : i32
    %dma_wait3A_756 = tpu.memref_slice %arg4[%add3A_701, %dma_wait3A_755] : memref<16384x1024xf32, #tpu.memory_space<hbm>> -> memref<16x1024xf32, #tpu.memory_space<hbm>>
    tpu.wait_dma2 semaphore(%arg22 : memref<!tpu.dma_semaphore, #tpu.memory_space<semaphore_mem>>) src(%arg10 : memref<16x1024xf32, #tpu.memory_space<vmem>>) dst(%dma_wait3A_756 : memref<16x1024xf32, #tpu.memory_space<hbm>>)
    %dma_wait3A_757 = arith.constant 0 : i32
    %dma_wait3A_758 = tpu.memref_slice %arg4[%add3A_714, %dma_wait3A_757] : memref<16384x1024xf32, #tpu.memory_space<hbm>> -> memref<16x1024xf32, #tpu.memory_space<hbm>>
    %dma_wait3A_759 = arith.constant 0 : i32
    %dma_wait3A_760 = tpu.memref_slice %arg4[%add3A_714, %dma_wait3A_759] : memref<16384x1024xf32, #tpu.memory_space<hbm>> -> memref<16x1024xf32, #tpu.memory_space<hbm>>
    tpu.wait_dma2 semaphore(%arg23 : memref<!tpu.dma_semaphore, #tpu.memory_space<semaphore_mem>>) src(%arg11 : memref<16x1024xf32, #tpu.memory_space<vmem>>) dst(%dma_wait3A_760 : memref<16x1024xf32, #tpu.memory_space<hbm>>)
    %dma_wait3A_761 = arith.constant 0 : i32
    %dma_wait3A_762 = tpu.memref_slice %arg4[%add3A_727, %dma_wait3A_761] : memref<16384x1024xf32, #tpu.memory_space<hbm>> -> memref<16x1024xf32, #tpu.memory_space<hbm>>
    %dma_wait3A_763 = arith.constant 0 : i32
    %dma_wait3A_764 = tpu.memref_slice %arg4[%add3A_727, %dma_wait3A_763] : memref<16384x1024xf32, #tpu.memory_space<hbm>> -> memref<16x1024xf32, #tpu.memory_space<hbm>>
    tpu.wait_dma2 semaphore(%arg18 : memref<!tpu.dma_semaphore, #tpu.memory_space<semaphore_mem>>) src(%arg6 : memref<16x1024xf32, #tpu.memory_space<vmem>>) dst(%dma_wait3A_764 : memref<16x1024xf32, #tpu.memory_space<hbm>>)
    %dma_wait3A_765 = arith.constant 0 : i32
    %dma_wait3A_766 = tpu.memref_slice %arg4[%add3A_740, %dma_wait3A_765] : memref<16384x1024xf32, #tpu.memory_space<hbm>> -> memref<16x1024xf32, #tpu.memory_space<hbm>>
    %dma_wait3A_767 = arith.constant 0 : i32
    %dma_wait3A_768 = tpu.memref_slice %arg4[%add3A_740, %dma_wait3A_767] : memref<16384x1024xf32, #tpu.memory_space<hbm>> -> memref<16x1024xf32, #tpu.memory_space<hbm>>
    tpu.wait_dma2 semaphore(%arg19 : memref<!tpu.dma_semaphore, #tpu.memory_space<semaphore_mem>>) src(%arg7 : memref<16x1024xf32, #tpu.memory_space<vmem>>) dst(%dma_wait3A_768 : memref<16x1024xf32, #tpu.memory_space<hbm>>)
    return
  }
}

</mosaic_0001>

<sc_bundles>
// kernel: kernel.3.cloned.1.call-start
scs
__scs_entry_jumppad:
0x0: {  	(pc) =	sbr.rel $0x88, $3  }
0x1: {  	(tag) =	ssettag $0x0;
	lr =	simm.s32 $0x1  }
0x2: {  	[smem:$0x3F9F] =	sst lr;
	_ =	strace $0xD0000000  }
0x3: {  	_ = 	snop  }
0x4: {  	_ = 	snop  }
0x5: {  	_ = 	snop  }
0x6: {  	_ = 	snop  }
0x7: {  	_ = 	snop  }
__scs_overlays_trampoline_lowered:
0x8: {  	[smem:$0x3FAE] =	sst s0  }
0x9: {  	[smem:$0x3FAF] =	sst s1  }
0xa: {  	[smem:$0x3FB0] =	sst s2  }
0xb: {  	[smem:$0x3FB1] =	sst s3  }
0xc: {  	[smem:$0x3FB2] =	sst s4  }
0xd: {  	[smem:$0x3FB3] =	sst s5  }
0xe: {  	[smem:$0x3FB4] =	sst s6  }
0xf: {  	[smem:$0x3FB5] =	sst s7  }
0x10: {  	[smem:$0x3FB6] =	sst s8  }
0x11: {  	[smem:$0x3FB7] =	sst s9;
	s0 =	simm.s32 @!p0 $0x0  }
0x12: {  	s1 =	sld [smem:$0x3F9D];
	s0 =	simm.s32 @p0 $0x1  }
0x13: {  	[smem:$0x3FB8] =	sst s0;
	s0 =	simm.s32 @!p1 $0x0  }
0x14: {  	s2 =	sld [smem:$0x3F9C];
	s0 =	simm.s32 @p1 $0x1  }
0x15: {  	[smem:$0x3FB9] =	sst s0;
	s0 =	simm.s32 @!p2 $0x0  }
0x16: {  	s3 =	sld [smem:$0x3FDB];
	s0 =	simm.s32 @p2 $0x1  }
0x17: {  	s4 =	simm.s32 $0x1BF5;
	[smem:$0x3FBB] =	sst s0  }
0x18: {  	s0 =	sld [smem:$0x3F9E];
	_ =	swait.ge [sflag:s4], $0x0  }
0x19: {  	s7 =	sld [smem:$0x3F9F]  }
0x1a: {  	s8 =	sadd.s32 $0xFFFFE003, lr  }
0x1b: {  	s9 =	sadd.s32 $0xFFFFFEF7, lr;
	s5 =	simm.s32 $0xFFFFFFFF;
	p2 =	slt.u32 s8, $0xFFFFF086  }
0x1c: {  	p1 =	slt.u32 s9, $0xF7A;
	s5 =	simm.s32 @!p2 $0x0  }
0x1d: {  	s5 =	simm.s32 @p1 $0x1;
	p0 =	seq.s32 s7, s2  }
0x1e: {  	s7 =	smul.u32 @!p0 $0xF7A, s2;
	p2 =	seq.s32 @!p0 s5, $0x0  }
0x1f: {  	s9 =	smul.u32 $0xF7A, s1;
	s8 =	simm.s32 @!p0 $0x1BF5;
	p2 =	por !p2, p0  }
0x20: {  	[sflag:s8] =	ssyncset.s32 @!p0 $0xFFFFF086;
	s6 =	sadd.s32 @!p0 s3, s7;
	s7 =	simm.s32 @!p0 $0x108  }
0x21: {  	s3 =	sadd.s32 s3, s9;
	s6 =	sadd.s32 @!p0 $0x88, s6;
	s7 =	simm.s32 @p2 $0x1082  }
0x22: {  	[simem:s7], [sflag:s8] =	dma.local @!p0 [hbm:s6], $0xF7A  }
0x23: {  	s9 =	sor.u32 $0xD0000000, s2;
	s6 =	simm.s32 $0x108;
	_ =	swait.ge @!p0 [sflag:s8], $0x0  }
0x24: {  	s3 =	sadd.s32 $0x88, s3;
	s6 =	simm.s32 @!p1 $0x1082;
	[sflag:s4] =	ssyncset.s32 $0xFFFFF086  }
0x25: {  	[simem:s6], [sflag:s4] =	dma.local [hbm:s3], $0xF7A  }
0x26: {  	[smem:$0x3F9F] =	sst s1;
	(tag) =	ssettag s2;
	_ =	strace s9  }
0x27: {  	s1 =	sld [smem:$0x3FAF]  }
0x28: {  	s2 =	sld [smem:$0x3FB0]  }
0x29: {  	s4 =	sld [smem:$0x3FB2]  }
0x2a: {  	p0 =	seq.s32 s5, $0x0;
	s5 =	sld [smem:$0x3FB3]  }
0x2b: {  	s6 =	sld [smem:$0x3FB4]  }
0x2c: {  	s7 =	sld [smem:$0x3FB5]  }
0x2d: {  	s3 =	simm.s32 $0x108;
	s8 =	sld [smem:$0x3FB6]  }
0x2e: {  	s3 =	simm.s32 @!p0 $0x1082;
	s9 =	sld [smem:$0x3FB7]  }
0x2f: {  	lr =	sadd.s32 s0, s3;
	s0 =	sld [smem:$0x3FAE]  }
0x30: {  	s3 =	sld [smem:$0x3FB1]  }
0x31: {  	[smem:$0x3FBA] =	sst s10  }
0x32: {  	s10 =	sld [smem:$0x3FB8];
	_ =	sdelay $0x3  }
0x33: {  	p0 =	seq.s32 s10, $0x1;
	s10 =	sld [smem:$0x3FBA];
	_ =	sdelay $0x3  }
0x34: {  	[smem:$0x3FBA] =	sst s10  }
0x35: {  	s10 =	sld [smem:$0x3FB9];
	_ =	sdelay $0x3  }
0x36: {  	p1 =	seq.s32 s10, $0x1;
	s10 =	sld [smem:$0x3FBA];
	_ =	sdelay $0x3  }
0x37: {  	[smem:$0x3FBA] =	sst s10  }
0x38: {  	s10 =	sld [smem:$0x3FBB]  }
0x39: {  	_ = 	snop;
	(pc) =	sbr.ind lr, $3  }
0x3a: {  	_ = 	snop  }
0x3b: {  	_ = 	snop  }
0x3c: {  	p2 =	seq.s32 s10, $0x1;
	s10 =	sld [smem:$0x3FBA]  }
0x3d: {  	_ =	shalt  }
0x3e: {  	_ =	shalt  }
0x3f: {  	_ =	shalt  }
0x40: {  	_ =	shalt  }
0x41: {  	_ =	shalt  }
0x42: {  	_ =	shalt  }
0x43: {  	_ =	shalt  }
0x44: {  	_ =	shalt  }
0x45: {  	_ =	shalt  }
0x46: {  	_ =	shalt  }
0x47: {  	_ =	shalt  }
0x48: {  	_ =	shalt  }
0x49: {  	_ =	shalt  }
0x4a: {  	_ =	shalt  }
0x4b: {  	_ =	shalt  }
0x4c: {  	_ =	shalt  }
0x4d: {  	_ =	shalt  }
0x4e: {  	_ =	shalt  }
0x4f: {  	_ =	shalt  }
0x50: {  	_ =	shalt  }
0x51: {  	_ =	shalt  }
0x52: {  	_ =	shalt  }
0x53: {  	_ =	shalt  }
0x54: {  	_ =	shalt  }
0x55: {  	_ =	shalt  }
0x56: {  	_ =	shalt  }
0x57: {  	_ =	shalt  }
0x58: {  	_ =	shalt  }
0x59: {  	_ =	shalt  }
0x5a: {  	_ =	shalt  }
0x5b: {  	_ =	shalt  }
0x5c: {  	_ =	shalt  }
0x5d: {  	_ =	shalt  }
0x5e: {  	_ =	shalt  }
0x5f: {  	_ =	shalt  }
0x60: {  	_ =	shalt  }
0x61: {  	_ =	shalt  }
0x62: {  	_ =	shalt  }
0x63: {  	_ =	shalt  }
0x64: {  	_ =	shalt  }
0x65: {  	_ =	shalt  }
0x66: {  	_ =	shalt  }
0x67: {  	_ =	shalt  }
0x68: {  	_ =	shalt  }
0x69: {  	_ =	shalt  }
0x6a: {  	_ =	shalt  }
0x6b: {  	_ =	shalt  }
0x6c: {  	_ =	shalt  }
0x6d: {  	_ =	shalt  }
0x6e: {  	_ =	shalt  }
0x6f: {  	_ =	shalt  }
0x70: {  	_ =	shalt  }
0x71: {  	_ =	shalt  }
0x72: {  	_ =	shalt  }
0x73: {  	_ =	shalt  }
0x74: {  	_ =	shalt  }
0x75: {  	_ =	shalt  }
0x76: {  	_ =	shalt  }
0x77: {  	_ =	shalt  }
0x78: {  	_ =	shalt  }
0x79: {  	_ =	shalt  }
0x7a: {  	_ =	shalt  }
0x7b: {  	_ =	shalt  }
0x7c: {  	_ =	shalt  }
0x7d: {  	_ =	shalt  }
0x7e: {  	_ =	shalt  }
0x7f: {  	_ =	shalt  }
0x80: {  	_ =	shalt  }
0x81: {  	_ =	shalt  }
0x82: {  	_ =	shalt  }
0x83: {  	_ =	shalt  }
0x84: {  	_ =	shalt  }
0x85: {  	_ =	shalt  }
0x86: {  	_ =	shalt  }
0x87: {  	_ =	shalt  }
.Lfunc_end0:
.L_simem_size_0:
called_computation_lowered:
.L_overlay_start_0:
0x88: {  	s2 =	sld [smem:$0x3FD9]  }
0x89: {  	s3 =	sld [smem:$0x3FFE];
	_ =	sdelay $0x1  }
0x8a: {  	s1 =	srdreg.scid  }
0x8b: {  	s0 =	sand.u32 $0x1, s1  }
0x8c: {  	s17 =	sshll.u32 s0, $0xA;
	s2 =	sadd.s32 s3, s2  }
0x8d: {  	s2 =	sadd.s32 s2, s17  }
0x8e: {  	[smem:$0x3FC6] =	sst s2  }
0x8f: {  	_ = 	snop  }
0x90: {  	s2 =	sld [smem:$0x3FC8]  }
0x91: {  	s18 =	sld [smem:$0x3FD0];
	(tm) =	ssettm $0x1  }
0x92: {  	s4 =	sld [smem:$0x3FFB];
	_ =	sdelay $0x3  }
0x93: {  	_ =	strace s4  }
0x94: {  	s4 =	sld [smem:$0x3FFC];
	_ =	sdelay $0x3  }
0x95: {  	_ =	strace s4  }
0x96: {  	s4 =	sld [smem:$0x3FFD];
	_ =	sdelay $0x3  }
0x97: {  	_ =	strace s4  }
0x98: {  	_ =	strace $0x8FFFFFFF  }
0x99: {  	s19 =	sld [smem:$0x3FDB];
	_ =	sdelay $0x1  }
0x9a: {  	s5 =	simm.s32 $_scs_section_size  }
0x9b: {  	s6 =	simm.s32 $_size__tile_overlayer_lowered;
	s7 =	simm.s32 $_tile_overlayer_lowered  }
0x9c: {  	s22 =	simm.s32 $0x1BFF;
	s21 =	sshll.u32 s7, $0x1;
	s4 =	sadd.s32 s5, s19  }
0x9d: {  	s8 =	simm.s32 $0x0;
	s20 =	sshll.u32 s6, $0x1;
	s6 =	sadd.s32 s21, s4  }
0x9e: {  	[timem:s8], [sflag:s22] =	dma.local [hbm:s6], s20  }
0x9f: {  	_ =	swait.ge [sflag:s22], s20  }
0xa0: {  	s5 =	ssub.s32 $0x0, s20;
	[sflag:s22] =	ssyncset.done $0x0  }
0xa1: {  	[sflag:s22] =	ssyncadd.s32 s5;
	_ =	sdelay $0x1  }
0xa2: {  	s23 =	simm.s32 $0x1B8B  }
0xa3: {  	_ =	swait.ge [sflag:s23], $0x1  }
0xa4: {  	[sflag:s23] =	ssyncset.done $0x0  }
0xa5: {  	s25 =	simm.s32 $0x1B8E;
	s24 =	sld [smem:$0x3FFE];
	[sflag:s23] =	ssyncadd.s32 $0xFFFFFFFF  }
0xa6: {  	s26 =	simm.s32 $execute0_lowered;
	[smem:$0x3FD2] =	sst s25  }
0xa7: {  	s6 =	sshll.u32 s26, $0x1;
	_ =	strace $0x80000046;
	[dreg:$0x1] =	wrdreg $0xFFFFFFFF  }
0xa8: {  	s28 =	simm.s32 $_size_execute0_lowered;
	s4 =	sadd.s32 s4, s6;
	[dreg:$0x0] =	wrdreg $0x0  }
0xa9: {  	s6 =	sshll.u32 s28, $0x1;
	[dreg:$0x2] =	wrdreg s4  }
0xaa: {  	[dreg:$0x3] =	wrdreg s6  }
0xab: {  	[dreg:$0x4] =	wrdreg $0xC0  }
0xac: {  	_ =	task [dreg:s8], $0x5FFFF  }
0xad: {  	[dreg:$0x1] =	wrdreg $0xFFFFFFFF  }
0xae: {  	[dreg:$0x0] =	wrdreg $0x60  }
0xaf: {  	[dreg:$0x2] =	wrdreg s24  }
0xb0: {  	[dreg:$0x3] =	wrdreg s2  }
0xb1: {  	[dreg:$0x4] =	wrdreg s18  }
0xb2: {  	[dreg:$0x5] =	wrdreg $0x9  }
0xb3: {  	_ =	task.clear_ibuf [dreg:s8], $0x6FFFF;
	_ =	strace $0x90000046  }
0xb4: {  	s29 =	simm.s32 $0x9;
	_ =	strace $0x80000048  }
0xb5: {  	_ =	swait.ge [sflag:s29], $0x1  }
0xb6: {  	[sflag:s29] =	ssyncadd.s32 $0xFFFFFFFF  }
0xb7: {  	_ =	strace $0x90000048  }
0xb8: {  	_ =	sfence  }
0xb9: {  	s30 =	sld [smem:$0x0];
	_ =	sdelay $0x2  }
0xba: {  	s31 =	sshll.u32 s1, $0xD;
	s1 =	sshrl.u32 s1, $0x2  }
0xbb: {  	s3 =	sand.u32 $0x4000, s31;
	s1 =	sadd.s32 s1, s30  }
0xbc: {  	s0 =	sor.u32 s3, s0;
	s1 =	sshll.u32 s1, $0x11  }
0xbd: {  	s0 =	sor.u32 s1, s0  }
0xbe: {  	s0 =	sadd.s32 $0x8F2B, s0  }
0xbf: {  	[sflag:s0] =	ssyncadd.remote.s32 $0x1  }
0xc0: {  	_ =	sfence.sel $0xFFFF  }
0xc1: {  	[dreg:$0x0] =	wrdreg $0xFFFFFFFF;
	(pc) =	sbr.abs _section_cstart, $3  }
0xc2: {  	[dreg:$0x1] =	wrdreg $0xFFFFFFFF  }
0xc3: {  	_ =	task.clear_ibuf [dreg:s8], $0x2FFFF;
	_ =	strace $0x9FFFFFFF  }
0xc4: {  	(tm) =	ssettm $0x7FFFFFFF  }
0xc5: {  	_ =	shalt  }
tec
execute0_lowered:
.L_overlay_start_1:
0x0: {  	(tag) =	ssettag $0x1  }
0x1: {  	s1 =	rddreg [dreg:$0x0]  }
0x2: {  	s0 =	srdreg.scid;
	s3 =	stileid.u32  }
0x3: {  	s2 =	rddreg [dreg:$0x1];
	s0 =	sand.u32 $0x1, s0;
	s3 =	sshll.u32 s3, $0x1  }
0x4: {  	s4 =	rddreg [dreg:$0x2];
	s5 =	sor.u32 s0, s3  }
0x5: {  	s3 =	simm.s32 $0x0;
	s6 =	sshll.u32 s5, $0x9;
	s5 =	sshll.u32 s5, $0x10  }
0x6: {  	[smem:$0x7FF] =	sst s3;
	s1 =	sadd.s32 s6, s1;
	s8 =	sadd.s32 s4, s5  }
0x7: {  	_ =	strace $0x80000047;
	s1 =	sadd.s32 $0x400, s1;
	[smem:$0x7FC] =	sst s8  }
0x8: {  	s21 =	sadd.s32 $0x800, s8;
	[dreg:$0x4] =	wrdreg s1  }
0x9: {  	s22 =	sadd.s32 $0x1000, s8;
	[dreg:$0x5] =	wrdreg s21  }
0xa: {  	s23 =	sadd.s32 $0x1800, s8;
	[dreg:$0x6] =	wrdreg s22  }
0xb: {  	s24 =	sadd.s32 $0x2000, s8;
	[dreg:$0x7] =	wrdreg s23  }
0xc: {  	s25 =	sadd.s32 $0x2800, s8;
	[dreg:$0x8] =	wrdreg s24  }
0xd: {  	s26 =	sadd.s32 $0x3000, s8;
	[dreg:$0x9] =	wrdreg s25  }
0xe: {  	s28 =	sadd.s32 $0x3800, s8;
	[dreg:$0xa] =	wrdreg s26  }
0xf: {  	s31 =	sadd.s32 $0x4000, s8;
	[dreg:$0xb] =	wrdreg s28  }
0x10: {  	s4 =	sadd.s32 $0x4800, s8;
	[dreg:$0xc] =	wrdreg s31  }
0x11: {  	s5 =	sadd.s32 $0x5000, s8;
	[dreg:$0xd] =	wrdreg s4  }
0x12: {  	s6 =	sadd.s32 $0x5800, s8;
	[dreg:$0xe] =	wrdreg s5  }
0x13: {  	s7 =	sadd.s32 $0x6000, s8;
	[dreg:$0xf] =	wrdreg s6  }
0x14: {  	s9 =	sadd.s32 $0x6800, s8;
	[dreg:$0x10] =	wrdreg s7  }
0x15: {  	s10 =	sadd.s32 $0x7000, s8;
	[dreg:$0x11] =	wrdreg s9  }
0x16: {  	s11 =	sadd.s32 $0x7800, s8;
	[dreg:$0x12] =	wrdreg s10  }
0x17: {  	s12 =	sadd.s32 $0x8000, s8;
	[dreg:$0x13] =	wrdreg s11  }
0x18: {  	s13 =	sadd.s32 $0x8800, s8;
	[dreg:$0x14] =	wrdreg s12  }
0x19: {  	s14 =	sadd.s32 $0x9000, s8;
	[dreg:$0x15] =	wrdreg s13  }
0x1a: {  	s15 =	sadd.s32 $0x9800, s8;
	[dreg:$0x16] =	wrdreg s14  }
0x1b: {  	s16 =	sadd.s32 $0xA000, s8;
	[dreg:$0x17] =	wrdreg s15  }
0x1c: {  	s17 =	sadd.s32 $0xA800, s8;
	[dreg:$0x18] =	wrdreg s16  }
0x1d: {  	s18 =	sadd.s32 $0xB000, s8;
	[dreg:$0x19] =	wrdreg s17  }
0x1e: {  	s19 =	sadd.s32 $0xB800, s8;
	[dreg:$0x1a] =	wrdreg s18  }
0x1f: {  	s30 =	simm.s32 $0x1;
	s20 =	sadd.s32 $0xC000, s8;
	[dreg:$0x1b] =	wrdreg s19  }
0x20: {  	s29 =	simm.s32 $0x2;
	s0 =	ssub.s32 $0x2, s0;
	[dreg:$0x1c] =	wrdreg s20  }
0x21: {  	s21 =	sadd.s32 $0xC800, s8;
	s22 =	sadd.s32 $0xD000, s8;
	s23 =	sshrl.u32 s0, $0x1  }
0x22: {  	s24 =	sadd.s32 $0xD800, s8;
	s25 =	sadd.s32 $0xE000, s8;
	s5 =	sadd.s32 $0x100, s2  }
0x23: {  	s26 =	sadd.s32 $0xE800, s8;
	s6 =	sadd.s32 $0x200, s2;
	s28 =	sadd.s32 $0xF000, s8  }
0x24: {  	s7 =	sadd.s32 $0x300, s2;
	s31 =	sadd.s32 $0xF800, s8;
	[dreg:$0x1d] =	wrdreg s21  }
0x25: {  	s1 =	simm.s32 $0x7;
	s9 =	simm.s32 $0x8;
	[dreg:$0x1e] =	wrdreg s22  }
0x26: {  	s11 =	simm.s32 $0x4;
	s12 =	simm.s32 $0x9;
	[dreg:$0x1f] =	wrdreg s24  }
0x27: {  	s13 =	simm.s32 $0x5;
	s14 =	simm.s32 $0xA;
	[smem:$0x7F9] =	sst s25  }
0x28: {  	v2 =	vlaneseq.u32;
	s15 =	simm.s32 $0x6;
	s16 =	simm.s32 $0xB;
	[smem:$0x7FA] =	sst s26  }
0x29: {  	vm0 =	vmmov $0xffff;
	v1 =	vshrl.u32 v2, $0x3;
	s17 =	simm.s32 $0xC;
	s0 =	ssub.s32 s0, s23;
	[smem:$0x7FB] =	sst s28  }
0x2a: {  	v0 =	vand.u32 $0x7, v2;
	v2 =	vor.u32 $0x8, v2;
	v1 =	vmul.u32 $0x8, v1;
	[smem:$0x7FD] =	sst s31;
	s23 =	simm.s32 $0x3;
	s4 =	smax.u32 s0, $0x1  }
.LBB2_1:
0x2b: {  	[smem:$0x7F8] =	sst s4  }
0x2c: {  	s19 =	rddreg [dreg:$0x4];
	s25 =	simm.s32 $0xD  }
0x2d: {  	[tilespmem:s3], [sflag:$0xD] =	stream.linear.gather [hbm4b:s19+s3], $0x1000, $0x38;
	[tilespmem:$0x19000] =	vst v63  }
0x2e: {  	_ =	swait.ge [sflag:s25], $0x1000  }
0x2f: {  	[sflag:s25] =	ssyncset.done $0x0  }
0x30: {  	[sflag:s25] =	ssyncadd.s32 $0xFFFFF000  }
0x31: {  	v3 =	vld [tilespmem:$0x0];
	_ =	sdelay $0x4  }
0x32: {  	v4 =	vshll.u32 v3, $0x3  }
0x33: {  	v3 =	vand.u32 $0x7, v3;
	v4 =	vand.u32 $0xFFFFFFC0, v4  }
0x34: {  	v3 =	vor.u32 v3, v4  }
0x35: {  	v4 =	vperm.xlane v3, v0;
	_ =	sdelay $0x1  }
0x36: {  	v4 =	vadd.s32 v1, v4;
	_ =	sdelay $0x3  }
0x37: {  	s26 =	simm.s32 $0x1000  }
0x38: {  	[tilespmem:s26], [sflag:$0x1] =	stream.indirect_vreg.gather [hbm4b:s2+s3], $0x80, v4, vm0, $0xb8;
	[tilespmem:$0x19000] =	vst v63  }
0x39: {  	s28 =	simm.s32 $0x1800;
	v3 =	vperm.xlane v3, v2  }
0x3a: {  	[tilespmem:s28], [sflag:$0x1] =	stream.indirect_vreg.gather [hbm4b:s5+s3], $0x80, v4, vm0, $0xb8;
	[tilespmem:$0x19000] =	vst v63  }
0x3b: {  	s31 =	simm.s32 $0x2000;
	v3 =	vadd.s32 v1, v3  }
0x3c: {  	[tilespmem:s31], [sflag:$0x1] =	stream.indirect_vreg.gather [hbm4b:s6+s3], $0x80, v4, vm0, $0xb8;
	[tilespmem:$0x19000] =	vst v63  }
0x3d: {  	s0 =	simm.s32 $0x2800  }
0x3e: {  	[tilespmem:s0], [sflag:$0x1] =	stream.indirect_vreg.gather [hbm4b:s7+s3], $0x80, v4, vm0, $0xb8;
	[tilespmem:$0x19000] =	vst v63  }
0x3f: {  	s8 =	simm.s32 $0x3000  }
0x40: {  	[tilespmem:s8], [sflag:$0x1] =	stream.indirect_vreg.gather [hbm4b:s2+s3], $0x80, v3, vm0, $0xb8;
	[tilespmem:$0x19000] =	vst v63  }
0x41: {  	s10 =	simm.s32 $0x3800  }
0x42: {  	[tilespmem:s10], [sflag:$0x1] =	stream.indirect_vreg.gather [hbm4b:s5+s3], $0x80, v3, vm0, $0xb8;
	[tilespmem:$0x19000] =	vst v63  }
0x43: {  	s18 =	simm.s32 $0x4000  }
0x44: {  	[tilespmem:s18], [sflag:$0x1] =	stream.indirect_vreg.gather [hbm4b:s6+s3], $0x80, v3, vm0, $0xb8;
	[tilespmem:$0x19000] =	vst v63  }
0x45: {  	s19 =	simm.s32 $0x4800  }
0x46: {  	[tilespmem:s19], [sflag:$0x1] =	stream.indirect_vreg.gather [hbm4b:s7+s3], $0x80, v3, vm0, $0xb8;
	[tilespmem:$0x19000] =	vst v63  }
0x47: {  	v3 =	vld [tilespmem:$0x80];
	_ =	sdelay $0x4  }
0x48: {  	v33 =	vshll.u32 v3, $0x3  }
0x49: {  	v3 =	vand.u32 $0x7, v3;
	v4 =	vand.u32 $0xFFFFFFC0, v33  }
0x4a: {  	v3 =	vor.u32 v3, v4  }
0x4b: {  	v4 =	vperm.xlane v3, v0;
	_ =	sdelay $0x1  }
0x4c: {  	v4 =	vadd.s32 v1, v4;
	_ =	sdelay $0x3  }
0x4d: {  	s0 =	simm.s32 $0x5000  }
0x4e: {  	[tilespmem:s0], [sflag:$0x2] =	stream.indirect_vreg.gather [hbm4b:s2+s3], $0x80, v4, vm0, $0xb8;
	[tilespmem:$0x19000] =	vst v63  }
0x4f: {  	s20 =	simm.s32 $0x5800;
	v3 =	vperm.xlane v3, v2  }
0x50: {  	[tilespmem:s20], [sflag:$0x2] =	stream.indirect_vreg.gather [hbm4b:s5+s3], $0x80, v4, vm0, $0xb8;
	[tilespmem:$0x19000] =	vst v63  }
0x51: {  	s28 =	simm.s32 $0x6000;
	v3 =	vadd.s32 v1, v3  }
0x52: {  	[tilespmem:s28], [sflag:$0x2] =	stream.indirect_vreg.gather [hbm4b:s6+s3], $0x80, v4, vm0, $0xb8;
	[tilespmem:$0x19000] =	vst v63  }
0x53: {  	s31 =	simm.s32 $0x6800  }
0x54: {  	[tilespmem:s31], [sflag:$0x2] =	stream.indirect_vreg.gather [hbm4b:s7+s3], $0x80, v4, vm0, $0xb8;
	[tilespmem:$0x19000] =	vst v63  }
0x55: {  	s0 =	simm.s32 $0x7000  }
0x56: {  	[tilespmem:s0], [sflag:$0x2] =	stream.indirect_vreg.gather [hbm4b:s2+s3], $0x80, v3, vm0, $0xb8;
	[tilespmem:$0x19000] =	vst v63  }
0x57: {  	s4 =	simm.s32 $0x7800  }
0x58: {  	[tilespmem:s4], [sflag:$0x2] =	stream.indirect_vreg.gather [hbm4b:s5+s3], $0x80, v3, vm0, $0xb8;
	[tilespmem:$0x19000] =	vst v63  }
0x59: {  	s10 =	simm.s32 $0x8000  }
0x5a: {  	[tilespmem:s10], [sflag:$0x2] =	stream.indirect_vreg.gather [hbm4b:s6+s3], $0x80, v3, vm0, $0xb8;
	[tilespmem:$0x19000] =	vst v63  }
0x5b: {  	s18 =	simm.s32 $0x8800  }
0x5c: {  	[tilespmem:s18], [sflag:$0x2] =	stream.indirect_vreg.gather [hbm4b:s7+s3], $0x80, v3, vm0, $0xb8;
	[tilespmem:$0x19000] =	vst v63  }
0x5d: {  	v3 =	vld [tilespmem:$0x100];
	_ =	sdelay $0x4  }
0x5e: {  	v34 =	vshll.u32 v3, $0x3  }
0x5f: {  	v3 =	vand.u32 $0x7, v3;
	v4 =	vand.u32 $0xFFFFFFC0, v34  }
0x60: {  	v3 =	vor.u32 v3, v4  }
0x61: {  	v4 =	vperm.xlane v3, v0;
	_ =	sdelay $0x1  }
0x62: {  	v4 =	vadd.s32 v1, v4;
	_ =	sdelay $0x3  }
0x63: {  	s10 =	simm.s32 $0x9000  }
0x64: {  	[tilespmem:s10], [sflag:$0x3] =	stream.indirect_vreg.gather [hbm4b:s2+s3], $0x80, v4, vm0, $0xb8;
	[tilespmem:$0x19000] =	vst v63  }
0x65: {  	s20 =	simm.s32 $0x9800;
	v3 =	vperm.xlane v3, v2  }
0x66: {  	[tilespmem:s20], [sflag:$0x3] =	stream.indirect_vreg.gather [hbm4b:s5+s3], $0x80, v4, vm0, $0xb8;
	[tilespmem:$0x19000] =	vst v63  }
0x67: {  	s28 =	simm.s32 $0xA000;
	v3 =	vadd.s32 v1, v3  }
0x68: {  	[tilespmem:s28], [sflag:$0x3] =	stream.indirect_vreg.gather [hbm4b:s6+s3], $0x80, v4, vm0, $0xb8;
	[tilespmem:$0x19000] =	vst v63  }
0x69: {  	s31 =	simm.s32 $0xA800  }
0x6a: {  	[tilespmem:s31], [sflag:$0x3] =	stream.indirect_vreg.gather [hbm4b:s7+s3], $0x80, v4, vm0, $0xb8;
	[tilespmem:$0x19000] =	vst v63  }
0x6b: {  	s4 =	simm.s32 $0xB000  }
0x6c: {  	[tilespmem:s4], [sflag:$0x3] =	stream.indirect_vreg.gather [hbm4b:s2+s3], $0x80, v3, vm0, $0xb8;
	[tilespmem:$0x19000] =	vst v63  }
0x6d: {  	s10 =	simm.s32 $0xB800  }
0x6e: {  	[tilespmem:s10], [sflag:$0x3] =	stream.indirect_vreg.gather [hbm4b:s5+s3], $0x80, v3, vm0, $0xb8;
	[tilespmem:$0x19000] =	vst v63  }
0x6f: {  	s19 =	simm.s32 $0xC000  }
0x70: {  	[tilespmem:s19], [sflag:$0x3] =	stream.indirect_vreg.gather [hbm4b:s6+s3], $0x80, v3, vm0, $0xb8;
	[tilespmem:$0x19000] =	vst v63  }
0x71: {  	s20 =	simm.s32 $0xC800  }
0x72: {  	[tilespmem:s20], [sflag:$0x3] =	stream.indirect_vreg.gather [hbm4b:s7+s3], $0x80, v3, vm0, $0xb8;
	[tilespmem:$0x19000] =	vst v63  }
0x73: {  	v3 =	vld [tilespmem:$0x180];
	_ =	sdelay $0x4  }
0x74: {  	v35 =	vshll.u32 v3, $0x3  }
0x75: {  	v3 =	vand.u32 $0x7, v3;
	v4 =	vand.u32 $0xFFFFFFC0, v35  }
0x76: {  	v3 =	vor.u32 v3, v4  }
0x77: {  	v4 =	vperm.xlane v3, v0;
	_ =	sdelay $0x1  }
0x78: {  	v4 =	vadd.s32 v1, v4;
	_ =	sdelay $0x3  }
0x79: {  	s4 =	simm.s32 $0xD000  }
0x7a: {  	[tilespmem:s4], [sflag:$0x4] =	stream.indirect_vreg.gather [hbm4b:s2+s3], $0x80, v4, vm0, $0xb8;
	[tilespmem:$0x19000] =	vst v63  }
0x7b: {  	s19 =	simm.s32 $0xD800;
	v3 =	vperm.xlane v3, v2  }
0x7c: {  	[tilespmem:s19], [sflag:$0x4] =	stream.indirect_vreg.gather [hbm4b:s5+s3], $0x80, v4, vm0, $0xb8;
	[tilespmem:$0x19000] =	vst v63  }
0x7d: {  	s0 =	simm.s32 $0xE000;
	v3 =	vadd.s32 v1, v3  }
0x7e: {  	[tilespmem:s0], [sflag:$0x4] =	stream.indirect_vreg.gather [hbm4b:s6+s3], $0x80, v4, vm0, $0xb8;
	[tilespmem:$0x19000] =	vst v63  }
0x7f: {  	s4 =	simm.s32 $0xE800  }
0x80: {  	[tilespmem:s4], [sflag:$0x4] =	stream.indirect_vreg.gather [hbm4b:s7+s3], $0x80, v4, vm0, $0xb8;
	[tilespmem:$0x19000] =	vst v63  }
0x81: {  	s19 =	simm.s32 $0xF000  }
0x82: {  	[tilespmem:s19], [sflag:$0x4] =	stream.indirect_vreg.gather [hbm4b:s2+s3], $0x80, v3, vm0, $0xb8;
	[tilespmem:$0x19000] =	vst v63  }
0x83: {  	s0 =	simm.s32 $0xF800  }
0x84: {  	[tilespmem:s0], [sflag:$0x4] =	stream.indirect_vreg.gather [hbm4b:s5+s3], $0x80, v3, vm0, $0xb8;
	[tilespmem:$0x19000] =	vst v63  }
0x85: {  	s4 =	simm.s32 $0x10000  }
0x86: {  	[tilespmem:s4], [sflag:$0x4] =	stream.indirect_vreg.gather [hbm4b:s6+s3], $0x80, v3, vm0, $0xb8;
	[tilespmem:$0x19000] =	vst v63  }
0x87: {  	s19 =	simm.s32 $0x10800  }
0x88: {  	[tilespmem:s19], [sflag:$0x4] =	stream.indirect_vreg.gather [hbm4b:s7+s3], $0x80, v3, vm0, $0xb8;
	[tilespmem:$0x19000] =	vst v63  }
0x89: {  	v3 =	vld [tilespmem:$0x200];
	_ =	sdelay $0x4  }
0x8a: {  	v36 =	vshll.u32 v3, $0x3  }
0x8b: {  	v3 =	vand.u32 $0x7, v3;
	v4 =	vand.u32 $0xFFFFFFC0, v36  }
0x8c: {  	v3 =	vor.u32 v3, v4  }
0x8d: {  	v4 =	vperm.xlane v3, v0;
	_ =	sdelay $0x1  }
0x8e: {  	v4 =	vadd.s32 v1, v4;
	_ =	sdelay $0x3  }
0x8f: {  	s0 =	simm.s32 $0x11000  }
0x90: {  	[tilespmem:s0], [sflag:$0x5] =	stream.indirect_vreg.gather [hbm4b:s2+s3], $0x80, v4, vm0, $0xb8;
	[tilespmem:$0x19000] =	vst v63  }
0x91: {  	s4 =	simm.s32 $0x11800;
	v3 =	vperm.xlane v3, v2  }
0x92: {  	[tilespmem:s4], [sflag:$0x5] =	stream.indirect_vreg.gather [hbm4b:s5+s3], $0x80, v4, vm0, $0xb8;
	[tilespmem:$0x19000] =	vst v63  }
0x93: {  	s19 =	simm.s32 $0x12000;
	v3 =	vadd.s32 v1, v3  }
0x94: {  	[tilespmem:s19], [sflag:$0x5] =	stream.indirect_vreg.gather [hbm4b:s6+s3], $0x80, v4, vm0, $0xb8;
	[tilespmem:$0x19000] =	vst v63  }
0x95: {  	s0 =	simm.s32 $0x12800  }
0x96: {  	[tilespmem:s0], [sflag:$0x5] =	stream.indirect_vreg.gather [hbm4b:s7+s3], $0x80, v4, vm0, $0xb8;
	[tilespmem:$0x19000] =	vst v63  }
0x97: {  	s4 =	simm.s32 $0x13000  }
0x98: {  	[tilespmem:s4], [sflag:$0x5] =	stream.indirect_vreg.gather [hbm4b:s2+s3], $0x80, v3, vm0, $0xb8;
	[tilespmem:$0x19000] =	vst v63  }
0x99: {  	s19 =	simm.s32 $0x13800  }
0x9a: {  	[tilespmem:s19], [sflag:$0x5] =	stream.indirect_vreg.gather [hbm4b:s5+s3], $0x80, v3, vm0, $0xb8;
	[tilespmem:$0x19000] =	vst v63  }
0x9b: {  	s0 =	simm.s32 $0x14000  }
0x9c: {  	[tilespmem:s0], [sflag:$0x5] =	stream.indirect_vreg.gather [hbm4b:s6+s3], $0x80, v3, vm0, $0xb8;
	[tilespmem:$0x19000] =	vst v63  }
0x9d: {  	s4 =	simm.s32 $0x14800  }
0x9e: {  	[tilespmem:s4], [sflag:$0x5] =	stream.indirect_vreg.gather [hbm4b:s7+s3], $0x80, v3, vm0, $0xb8;
	[tilespmem:$0x19000] =	vst v63  }
0x9f: {  	_ =	swait.ge [sflag:s30], $0x4000  }
0xa0: {  	s10 =	sld [smem:$0x7FC]  }
0xa1: {  	[sflag:s30] =	ssyncset.done $0x0  }
0xa2: {  	s4 =	simm.s32 $0x1000;
	[sflag:s30] =	ssyncadd.s32 $0xFFFFC000  }
0xa3: {  	[hbm4b:s10+s3] =	stream.linear.scatter [tilespmem:s4], [sflag:$0x7], $0x4000, $0x38;
	[tilespmem:$0x19000] =	vst v63  }
0xa4: {  	v3 =	vld [tilespmem:$0x280];
	_ =	sdelay $0x4  }
0xa5: {  	v37 =	vshll.u32 v3, $0x3  }
0xa6: {  	v3 =	vand.u32 $0x7, v3;
	v4 =	vand.u32 $0xFFFFFFC0, v37  }
0xa7: {  	v3 =	vor.u32 v3, v4  }
0xa8: {  	v4 =	vperm.xlane v3, v0;
	_ =	sdelay $0x1  }
0xa9: {  	v4 =	vadd.s32 v1, v4;
	_ =	sdelay $0x3  }
0xaa: {  	s19 =	simm.s32 $0x15000  }
0xab: {  	[tilespmem:s19], [sflag:$0x6] =	stream.indirect_vreg.gather [hbm4b:s2+s3], $0x80, v4, vm0, $0xb8;
	[tilespmem:$0x19000] =	vst v63  }
0xac: {  	s0 =	simm.s32 $0x15800;
	v3 =	vperm.xlane v3, v2  }
0xad: {  	[tilespmem:s0], [sflag:$0x6] =	stream.indirect_vreg.gather [hbm4b:s5+s3], $0x80, v4, vm0, $0xb8;
	[tilespmem:$0x19000] =	vst v63  }
0xae: {  	s10 =	simm.s32 $0x16000;
	v3 =	vadd.s32 v1, v3  }
0xaf: {  	[tilespmem:s10], [sflag:$0x6] =	stream.indirect_vreg.gather [hbm4b:s6+s3], $0x80, v4, vm0, $0xb8;
	[tilespmem:$0x19000] =	vst v63  }
0xb0: {  	s0 =	simm.s32 $0x16800  }
0xb1: {  	[tilespmem:s0], [sflag:$0x6] =	stream.indirect_vreg.gather [hbm4b:s7+s3], $0x80, v4, vm0, $0xb8;
	[tilespmem:$0x19000] =	vst v63  }
0xb2: {  	s0 =	simm.s32 $0x17000  }
0xb3: {  	[tilespmem:s0], [sflag:$0x6] =	stream.indirect_vreg.gather [hbm4b:s2+s3], $0x80, v3, vm0, $0xb8;
	[tilespmem:$0x19000] =	vst v63  }
0xb4: {  	s0 =	simm.s32 $0x17800  }
0xb5: {  	[tilespmem:s0], [sflag:$0x6] =	stream.indirect_vreg.gather [hbm4b:s5+s3], $0x80, v3, vm0, $0xb8;
	[tilespmem:$0x19000] =	vst v63  }
0xb6: {  	s0 =	simm.s32 $0x18000  }
0xb7: {  	[tilespmem:s0], [sflag:$0x6] =	stream.indirect_vreg.gather [hbm4b:s6+s3], $0x80, v3, vm0, $0xb8;
	[tilespmem:$0x19000] =	vst v63  }
0xb8: {  	s0 =	simm.s32 $0x18800  }
0xb9: {  	[tilespmem:s0], [sflag:$0x6] =	stream.indirect_vreg.gather [hbm4b:s7+s3], $0x80, v3, vm0, $0xb8;
	[tilespmem:$0x19000] =	vst v63  }
0xba: {  	_ =	swait.ge [sflag:s29], $0x4000  }
0xbb: {  	[sflag:s29] =	ssyncset.done $0x0  }
0xbc: {  	s0 =	simm.s32 $0x5000;
	s19 =	rddreg [dreg:$0x5];
	[sflag:s29] =	ssyncadd.s32 $0xFFFFC000  }
0xbd: {  	[hbm4b:s19+s3] =	stream.linear.scatter [tilespmem:s0], [sflag:$0x8], $0x4000, $0x38;
	[tilespmem:$0x19000] =	vst v63  }
0xbe: {  	_ =	swait.ge [sflag:s1], $0x4000  }
0xbf: {  	[sflag:s1] =	ssyncset.done $0x0  }
0xc0: {  	[sflag:s1] =	ssyncadd.s32 $0xFFFFC000  }
0xc1: {  	v3 =	vld [tilespmem:$0x300];
	_ =	sdelay $0x4  }
0xc2: {  	v38 =	vshll.u32 v3, $0x3  }
0xc3: {  	v3 =	vand.u32 $0x7, v3;
	v4 =	vand.u32 $0xFFFFFFC0, v38  }
0xc4: {  	v3 =	vor.u32 v3, v4  }
0xc5: {  	v4 =	vperm.xlane v3, v0;
	_ =	sdelay $0x1  }
0xc6: {  	v4 =	vadd.s32 v1, v4;
	_ =	sdelay $0x4  }
0xc7: {  	[tilespmem:s4], [sflag:$0x1] =	stream.indirect_vreg.gather [hbm4b:s2+s3], $0x80, v4, vm0, $0xb8;
	[tilespmem:$0x19000] =	vst v63  }
0xc8: {  	s26 =	simm.s32 $0x1800;
	v3 =	vperm.xlane v3, v2  }
0xc9: {  	[tilespmem:s26], [sflag:$0x1] =	stream.indirect_vreg.gather [hbm4b:s5+s3], $0x80, v4, vm0, $0xb8;
	[tilespmem:$0x19000] =	vst v63  }
0xca: {  	s25 =	simm.s32 $0x2000;
	v3 =	vadd.s32 v1, v3  }
0xcb: {  	[tilespmem:s25], [sflag:$0x1] =	stream.indirect_vreg.gather [hbm4b:s6+s3], $0x80, v4, vm0, $0xb8;
	[tilespmem:$0x19000] =	vst v63  }
0xcc: {  	s19 =	simm.s32 $0x2800  }
0xcd: {  	[tilespmem:s19], [sflag:$0x1] =	stream.indirect_vreg.gather [hbm4b:s7+s3], $0x80, v4, vm0, $0xb8;
	[tilespmem:$0x19000] =	vst v63  }
0xce: {  	s8 =	simm.s32 $0x3000  }
0xcf: {  	[tilespmem:s8], [sflag:$0x1] =	stream.indirect_vreg.gather [hbm4b:s2+s3], $0x80, v3, vm0, $0xb8;
	[tilespmem:$0x19000] =	vst v63  }
0xd0: {  	s22 =	simm.s32 $0x3800  }
0xd1: {  	[tilespmem:s22], [sflag:$0x1] =	stream.indirect_vreg.gather [hbm4b:s5+s3], $0x80, v3, vm0, $0xb8;
	[tilespmem:$0x19000] =	vst v63  }
0xd2: {  	s24 =	simm.s32 $0x4000  }
0xd3: {  	[tilespmem:s24], [sflag:$0x1] =	stream.indirect_vreg.gather [hbm4b:s6+s3], $0x80, v3, vm0, $0xb8;
	[tilespmem:$0x19000] =	vst v63  }
0xd4: {  	s21 =	simm.s32 $0x4800  }
0xd5: {  	[tilespmem:s21], [sflag:$0x1] =	stream.indirect_vreg.gather [hbm4b:s7+s3], $0x80, v3, vm0, $0xb8;
	[tilespmem:$0x19000] =	vst v63  }
0xd6: {  	_ =	swait.ge [sflag:s23], $0x4000  }
0xd7: {  	[sflag:s23] =	ssyncset.done $0x0  }
0xd8: {  	s21 =	simm.s32 $0x9000;
	s22 =	rddreg [dreg:$0x6];
	[sflag:s23] =	ssyncadd.s32 $0xFFFFC000  }
0xd9: {  	[hbm4b:s22+s3] =	stream.linear.scatter [tilespmem:s21], [sflag:$0x9], $0x4000, $0x38;
	[tilespmem:$0x19000] =	vst v63  }
0xda: {  	_ =	swait.ge [sflag:s9], $0x4000  }
0xdb: {  	[sflag:s9] =	ssyncset.done $0x0  }
0xdc: {  	[sflag:s9] =	ssyncadd.s32 $0xFFFFC000  }
0xdd: {  	v3 =	vld [tilespmem:$0x380];
	_ =	sdelay $0x4  }
0xde: {  	v39 =	vshll.u32 v3, $0x3  }
0xdf: {  	v3 =	vand.u32 $0x7, v3;
	v4 =	vand.u32 $0xFFFFFFC0, v39  }
0xe0: {  	v3 =	vor.u32 v3, v4  }
0xe1: {  	v4 =	vperm.xlane v3, v0;
	_ =	sdelay $0x1  }
0xe2: {  	v4 =	vadd.s32 v1, v4;
	_ =	sdelay $0x4  }
0xe3: {  	[tilespmem:s0], [sflag:$0x2] =	stream.indirect_vreg.gather [hbm4b:s2+s3], $0x80, v4, vm0, $0xb8;
	[tilespmem:$0x19000] =	vst v63  }
0xe4: {  	s24 =	simm.s32 $0x5800;
	v3 =	vperm.xlane v3, v2  }
0xe5: {  	[tilespmem:s24], [sflag:$0x2] =	stream.indirect_vreg.gather [hbm4b:s5+s3], $0x80, v4, vm0, $0xb8;
	[tilespmem:$0x19000] =	vst v63  }
0xe6: {  	s25 =	simm.s32 $0x6000;
	v3 =	vadd.s32 v1, v3  }
0xe7: {  	[tilespmem:s25], [sflag:$0x2] =	stream.indirect_vreg.gather [hbm4b:s6+s3], $0x80, v4, vm0, $0xb8;
	[tilespmem:$0x19000] =	vst v63  }
0xe8: {  	s26 =	simm.s32 $0x6800  }
0xe9: {  	[tilespmem:s26], [sflag:$0x2] =	stream.indirect_vreg.gather [hbm4b:s7+s3], $0x80, v4, vm0, $0xb8;
	[tilespmem:$0x19000] =	vst v63  }
0xea: {  	s4 =	simm.s32 $0x7000  }
0xeb: {  	[tilespmem:s4], [sflag:$0x2] =	stream.indirect_vreg.gather [hbm4b:s2+s3], $0x80, v3, vm0, $0xb8;
	[tilespmem:$0x19000] =	vst v63  }
0xec: {  	s8 =	simm.s32 $0x7800  }
0xed: {  	[tilespmem:s8], [sflag:$0x2] =	stream.indirect_vreg.gather [hbm4b:s5+s3], $0x80, v3, vm0, $0xb8;
	[tilespmem:$0x19000] =	vst v63  }
0xee: {  	s19 =	simm.s32 $0x8000  }
0xef: {  	[tilespmem:s19], [sflag:$0x2] =	stream.indirect_vreg.gather [hbm4b:s6+s3], $0x80, v3, vm0, $0xb8;
	[tilespmem:$0x19000] =	vst v63  }
0xf0: {  	s22 =	simm.s32 $0x8800  }
0xf1: {  	[tilespmem:s22], [sflag:$0x2] =	stream.indirect_vreg.gather [hbm4b:s7+s3], $0x80, v3, vm0, $0xb8;
	[tilespmem:$0x19000] =	vst v63  }
0xf2: {  	_ =	swait.ge [sflag:s11], $0x4000  }
0xf3: {  	[sflag:s11] =	ssyncset.done $0x0  }
0xf4: {  	s25 =	simm.s32 $0xD000;
	s24 =	rddreg [dreg:$0x7];
	[sflag:s11] =	ssyncadd.s32 $0xFFFFC000  }
0xf5: {  	[hbm4b:s24+s3] =	stream.linear.scatter [tilespmem:s25], [sflag:$0xA], $0x4000, $0x38;
	[tilespmem:$0x19000] =	vst v63  }
0xf6: {  	_ =	swait.ge [sflag:s12], $0x4000  }
0xf7: {  	[sflag:s12] =	ssyncset.done $0x0  }
0xf8: {  	[sflag:s12] =	ssyncadd.s32 $0xFFFFC000  }
0xf9: {  	v3 =	vld [tilespmem:$0x400];
	_ =	sdelay $0x4  }
0xfa: {  	v40 =	vshll.u32 v3, $0x3  }
0xfb: {  	v3 =	vand.u32 $0x7, v3;
	v4 =	vand.u32 $0xFFFFFFC0, v40  }
0xfc: {  	v3 =	vor.u32 v3, v4  }
0xfd: {  	v4 =	vperm.xlane v3, v0;
	_ =	sdelay $0x1  }
0xfe: {  	v4 =	vadd.s32 v1, v4;
	_ =	sdelay $0x4  }
0xff: {  	[tilespmem:s21], [sflag:$0x3] =	stream.indirect_vreg.gather [hbm4b:s2+s3], $0x80, v4, vm0, $0xb8;
	[tilespmem:$0x19000] =	vst v63  }
0x100: {  	s18 =	simm.s32 $0x9800;
	v3 =	vperm.xlane v3, v2  }
0x101: {  	[tilespmem:s18], [sflag:$0x3] =	stream.indirect_vreg.gather [hbm4b:s5+s3], $0x80, v4, vm0, $0xb8;
	[tilespmem:$0x19000] =	vst v63  }
0x102: {  	s26 =	simm.s32 $0xA000;
	v3 =	vadd.s32 v1, v3  }
0x103: {  	[tilespmem:s26], [sflag:$0x3] =	stream.indirect_vreg.gather [hbm4b:s6+s3], $0x80, v4, vm0, $0xb8;
	[tilespmem:$0x19000] =	vst v63  }
0x104: {  	s28 =	simm.s32 $0xA800  }
0x105: {  	[tilespmem:s28], [sflag:$0x3] =	stream.indirect_vreg.gather [hbm4b:s7+s3], $0x80, v4, vm0, $0xb8;
	[tilespmem:$0x19000] =	vst v63  }
0x106: {  	s31 =	simm.s32 $0xB000  }
0x107: {  	[tilespmem:s31], [sflag:$0x3] =	stream.indirect_vreg.gather [hbm4b:s2+s3], $0x80, v3, vm0, $0xb8;
	[tilespmem:$0x19000] =	vst v63  }
0x108: {  	s31 =	simm.s32 $0xB800  }
0x109: {  	[tilespmem:s31], [sflag:$0x3] =	stream.indirect_vreg.gather [hbm4b:s5+s3], $0x80, v3, vm0, $0xb8;
	[tilespmem:$0x19000] =	vst v63  }
0x10a: {  	s4 =	simm.s32 $0xC000  }
0x10b: {  	[tilespmem:s4], [sflag:$0x3] =	stream.indirect_vreg.gather [hbm4b:s6+s3], $0x80, v3, vm0, $0xb8;
	[tilespmem:$0x19000] =	vst v63  }
0x10c: {  	s20 =	simm.s32 $0xC800  }
0x10d: {  	[tilespmem:s20], [sflag:$0x3] =	stream.indirect_vreg.gather [hbm4b:s7+s3], $0x80, v3, vm0, $0xb8;
	[tilespmem:$0x19000] =	vst v63  }
0x10e: {  	_ =	swait.ge [sflag:s13], $0x4000  }
0x10f: {  	[sflag:s13] =	ssyncset.done $0x0  }
0x110: {  	s21 =	simm.s32 $0x11000;
	s18 =	rddreg [dreg:$0x8];
	[sflag:s13] =	ssyncadd.s32 $0xFFFFC000  }
0x111: {  	[hbm4b:s18+s3] =	stream.linear.scatter [tilespmem:s21], [sflag:$0xB], $0x4000, $0x38;
	[tilespmem:$0x19000] =	vst v63  }
0x112: {  	_ =	swait.ge [sflag:s14], $0x4000  }
0x113: {  	[sflag:s14] =	ssyncset.done $0x0  }
0x114: {  	[sflag:s14] =	ssyncadd.s32 $0xFFFFC000  }
0x115: {  	v3 =	vld [tilespmem:$0x480];
	_ =	sdelay $0x4  }
0x116: {  	v41 =	vshll.u32 v3, $0x3  }
0x117: {  	v3 =	vand.u32 $0x7, v3;
	v4 =	vand.u32 $0xFFFFFFC0, v41  }
0x118: {  	v3 =	vor.u32 v3, v4  }
0x119: {  	v4 =	vperm.xlane v3, v0;
	_ =	sdelay $0x1  }
0x11a: {  	v4 =	vadd.s32 v1, v4;
	_ =	sdelay $0x4  }
0x11b: {  	[tilespmem:s25], [sflag:$0x4] =	stream.indirect_vreg.gather [hbm4b:s2+s3], $0x80, v4, vm0, $0xb8;
	[tilespmem:$0x19000] =	vst v63  }
0x11c: {  	s19 =	simm.s32 $0xD800;
	v3 =	vperm.xlane v3, v2  }
0x11d: {  	[tilespmem:s19], [sflag:$0x4] =	stream.indirect_vreg.gather [hbm4b:s5+s3], $0x80, v4, vm0, $0xb8;
	[tilespmem:$0x19000] =	vst v63  }
0x11e: {  	s20 =	simm.s32 $0xE000;
	v3 =	vadd.s32 v1, v3  }
0x11f: {  	[tilespmem:s20], [sflag:$0x4] =	stream.indirect_vreg.gather [hbm4b:s6+s3], $0x80, v4, vm0, $0xb8;
	[tilespmem:$0x19000] =	vst v63  }
0x120: {  	s28 =	simm.s32 $0xE800  }
0x121: {  	[tilespmem:s28], [sflag:$0x4] =	stream.indirect_vreg.gather [hbm4b:s7+s3], $0x80, v4, vm0, $0xb8;
	[tilespmem:$0x19000] =	vst v63  }
0x122: {  	s24 =	simm.s32 $0xF000  }
0x123: {  	[tilespmem:s24], [sflag:$0x4] =	stream.indirect_vreg.gather [hbm4b:s2+s3], $0x80, v3, vm0, $0xb8;
	[tilespmem:$0x19000] =	vst v63  }
0x124: {  	s31 =	simm.s32 $0xF800  }
0x125: {  	[tilespmem:s31], [sflag:$0x4] =	stream.indirect_vreg.gather [hbm4b:s5+s3], $0x80, v3, vm0, $0xb8;
	[tilespmem:$0x19000] =	vst v63  }
0x126: {  	s25 =	simm.s32 $0x10000  }
0x127: {  	[tilespmem:s25], [sflag:$0x4] =	stream.indirect_vreg.gather [hbm4b:s6+s3], $0x80, v3, vm0, $0xb8;
	[tilespmem:$0x19000] =	vst v63  }
0x128: {  	s26 =	simm.s32 $0x10800  }
0x129: {  	[tilespmem:s26], [sflag:$0x4] =	stream.indirect_vreg.gather [hbm4b:s7+s3], $0x80, v3, vm0, $0xb8;
	[tilespmem:$0x19000] =	vst v63  }
0x12a: {  	_ =	swait.ge [sflag:s15], $0x4000  }
0x12b: {  	[sflag:s15] =	ssyncset.done $0x0  }
0x12c: {  	s18 =	simm.s32 $0x15000;
	s4 =	rddreg [dreg:$0x9];
	[sflag:s15] =	ssyncadd.s32 $0xFFFFC000  }
0x12d: {  	[hbm4b:s4+s3] =	stream.linear.scatter [tilespmem:s18], [sflag:$0xC], $0x4000, $0x38;
	[tilespmem:$0x19000] =	vst v63  }
0x12e: {  	_ =	swait.ge [sflag:s16], $0x4000  }
0x12f: {  	[sflag:s16] =	ssyncset.done $0x0  }
0x130: {  	[sflag:s16] =	ssyncadd.s32 $0xFFFFC000  }
0x131: {  	v3 =	vld [tilespmem:$0x500];
	_ =	sdelay $0x4  }
0x132: {  	v42 =	vshll.u32 v3, $0x3  }
0x133: {  	v3 =	vand.u32 $0x7, v3;
	v4 =	vand.u32 $0xFFFFFFC0, v42  }
0x134: {  	v3 =	vor.u32 v3, v4  }
0x135: {  	v4 =	vperm.xlane v3, v0;
	_ =	sdelay $0x1  }
0x136: {  	v4 =	vadd.s32 v1, v4;
	_ =	sdelay $0x4  }
0x137: {  	[tilespmem:s21], [sflag:$0x5] =	stream.indirect_vreg.gather [hbm4b:s2+s3], $0x80, v4, vm0, $0xb8;
	[tilespmem:$0x19000] =	vst v63  }
0x138: {  	v3 =	vperm.xlane v3, v2;
	s21 =	simm.s32 $0x11800  }
0x139: {  	[tilespmem:s21], [sflag:$0x5] =	stream.indirect_vreg.gather [hbm4b:s5+s3], $0x80, v4, vm0, $0xb8;
	[tilespmem:$0x19000] =	vst v63  }
0x13a: {  	s8 =	simm.s32 $0x12000;
	v3 =	vadd.s32 v1, v3  }
0x13b: {  	[tilespmem:s8], [sflag:$0x5] =	stream.indirect_vreg.gather [hbm4b:s6+s3], $0x80, v4, vm0, $0xb8;
	[tilespmem:$0x19000] =	vst v63  }
0x13c: {  	s19 =	simm.s32 $0x12800  }
0x13d: {  	[tilespmem:s19], [sflag:$0x5] =	stream.indirect_vreg.gather [hbm4b:s7+s3], $0x80, v4, vm0, $0xb8;
	[tilespmem:$0x19000] =	vst v63  }
0x13e: {  	s24 =	simm.s32 $0x13000  }
0x13f: {  	[tilespmem:s24], [sflag:$0x5] =	stream.indirect_vreg.gather [hbm4b:s2+s3], $0x80, v3, vm0, $0xb8;
	[tilespmem:$0x19000] =	vst v63  }
0x140: {  	s25 =	simm.s32 $0x13800  }
0x141: {  	[tilespmem:s25], [sflag:$0x5] =	stream.indirect_vreg.gather [hbm4b:s5+s3], $0x80, v3, vm0, $0xb8;
	[tilespmem:$0x19000] =	vst v63  }
0x142: {  	s26 =	simm.s32 $0x14000  }
0x143: {  	[tilespmem:s26], [sflag:$0x5] =	stream.indirect_vreg.gather [hbm4b:s6+s3], $0x80, v3, vm0, $0xb8;
	[tilespmem:$0x19000] =	vst v63  }
0x144: {  	s20 =	simm.s32 $0x14800  }
0x145: {  	[tilespmem:s20], [sflag:$0x5] =	stream.indirect_vreg.gather [hbm4b:s7+s3], $0x80, v3, vm0, $0xb8;
	[tilespmem:$0x19000] =	vst v63  }
0x146: {  	_ =	swait.ge [sflag:s30], $0x4000  }
0x147: {  	[sflag:s30] =	ssyncset.done $0x0  }
0x148: {  	s0 =	simm.s32 $0x1000;
	s4 =	rddreg [dreg:$0xa];
	[sflag:s30] =	ssyncadd.s32 $0xFFFFC000  }
0x149: {  	[hbm4b:s4+s3] =	stream.linear.scatter [tilespmem:s0], [sflag:$0x7], $0x4000, $0x38;
	[tilespmem:$0x19000] =	vst v63  }
0x14a: {  	_ =	swait.ge [sflag:s17], $0x4000  }
0x14b: {  	[sflag:s17] =	ssyncset.done $0x0  }
0x14c: {  	[sflag:s17] =	ssyncadd.s32 $0xFFFFC000  }
0x14d: {  	v3 =	vld [tilespmem:$0x580];
	_ =	sdelay $0x4  }
0x14e: {  	v43 =	vshll.u32 v3, $0x3  }
0x14f: {  	v3 =	vand.u32 $0x7, v3;
	v4 =	vand.u32 $0xFFFFFFC0, v43  }
0x150: {  	v3 =	vor.u32 v3, v4  }
0x151: {  	v4 =	vperm.xlane v3, v0;
	_ =	sdelay $0x1  }
0x152: {  	v4 =	vadd.s32 v1, v4;
	_ =	sdelay $0x4  }
0x153: {  	[tilespmem:s18], [sflag:$0x6] =	stream.indirect_vreg.gather [hbm4b:s2+s3], $0x80, v4, vm0, $0xb8;
	[tilespmem:$0x19000] =	vst v63  }
0x154: {  	s8 =	simm.s32 $0x15800;
	v3 =	vperm.xlane v3, v2  }
0x155: {  	[tilespmem:s8], [sflag:$0x6] =	stream.indirect_vreg.gather [hbm4b:s5+s3], $0x80, v4, vm0, $0xb8;
	[tilespmem:$0x19000] =	vst v63  }
0x156: {  	s10 =	simm.s32 $0x16000;
	v3 =	vadd.s32 v1, v3  }
0x157: {  	[tilespmem:s10], [sflag:$0x6] =	stream.indirect_vreg.gather [hbm4b:s6+s3], $0x80, v4, vm0, $0xb8;
	[tilespmem:$0x19000] =	vst v63  }
0x158: {  	s10 =	simm.s32 $0x16800  }
0x159: {  	[tilespmem:s10], [sflag:$0x6] =	stream.indirect_vreg.gather [hbm4b:s7+s3], $0x80, v4, vm0, $0xb8;
	[tilespmem:$0x19000] =	vst v63  }
0x15a: {  	s18 =	simm.s32 $0x17000  }
0x15b: {  	[tilespmem:s18], [sflag:$0x6] =	stream.indirect_vreg.gather [hbm4b:s2+s3], $0x80, v3, vm0, $0xb8;
	[tilespmem:$0x19000] =	vst v63  }
0x15c: {  	s19 =	simm.s32 $0x17800  }
0x15d: {  	[tilespmem:s19], [sflag:$0x6] =	stream.indirect_vreg.gather [hbm4b:s5+s3], $0x80, v3, vm0, $0xb8;
	[tilespmem:$0x19000] =	vst v63  }
0x15e: {  	s20 =	simm.s32 $0x18000  }
0x15f: {  	[tilespmem:s20], [sflag:$0x6] =	stream.indirect_vreg.gather [hbm4b:s6+s3], $0x80, v3, vm0, $0xb8;
	[tilespmem:$0x19000] =	vst v63  }
0x160: {  	s8 =	simm.s32 $0x18800  }
0x161: {  	[tilespmem:s8], [sflag:$0x6] =	stream.indirect_vreg.gather [hbm4b:s7+s3], $0x80, v3, vm0, $0xb8;
	[tilespmem:$0x19000] =	vst v63  }
0x162: {  	_ =	swait.ge [sflag:s29], $0x4000  }
0x163: {  	[sflag:s29] =	ssyncset.done $0x0  }
0x164: {  	s18 =	simm.s32 $0x5000;
	s10 =	rddreg [dreg:$0xb];
	[sflag:s29] =	ssyncadd.s32 $0xFFFFC000  }
0x165: {  	[hbm4b:s10+s3] =	stream.linear.scatter [tilespmem:s18], [sflag:$0x8], $0x4000, $0x38;
	[tilespmem:$0x19000] =	vst v63  }
0x166: {  	_ =	swait.ge [sflag:s1], $0x4000  }
0x167: {  	[sflag:s1] =	ssyncset.done $0x0  }
0x168: {  	[sflag:s1] =	ssyncadd.s32 $0xFFFFC000  }
0x169: {  	v3 =	vld [tilespmem:$0x600];
	_ =	sdelay $0x4  }
0x16a: {  	v44 =	vshll.u32 v3, $0x3  }
0x16b: {  	v3 =	vand.u32 $0x7, v3;
	v4 =	vand.u32 $0xFFFFFFC0, v44  }
0x16c: {  	v3 =	vor.u32 v3, v4  }
0x16d: {  	v4 =	vperm.xlane v3, v0;
	_ =	sdelay $0x1  }
0x16e: {  	v4 =	vadd.s32 v1, v4;
	_ =	sdelay $0x4  }
0x16f: {  	[tilespmem:s0], [sflag:$0x1] =	stream.indirect_vreg.gather [hbm4b:s2+s3], $0x80, v4, vm0, $0xb8;
	[tilespmem:$0x19000] =	vst v63  }
0x170: {  	s19 =	simm.s32 $0x1800;
	v3 =	vperm.xlane v3, v2  }
0x171: {  	[tilespmem:s19], [sflag:$0x1] =	stream.indirect_vreg.gather [hbm4b:s5+s3], $0x80, v4, vm0, $0xb8;
	[tilespmem:$0x19000] =	vst v63  }
0x172: {  	s20 =	simm.s32 $0x2000;
	v3 =	vadd.s32 v1, v3  }
0x173: {  	[tilespmem:s20], [sflag:$0x1] =	stream.indirect_vreg.gather [hbm4b:s6+s3], $0x80, v4, vm0, $0xb8;
	[tilespmem:$0x19000] =	vst v63  }
0x174: {  	s4 =	simm.s32 $0x2800  }
0x175: {  	[tilespmem:s4], [sflag:$0x1] =	stream.indirect_vreg.gather [hbm4b:s7+s3], $0x80, v4, vm0, $0xb8;
	[tilespmem:$0x19000] =	vst v63  }
0x176: {  	s8 =	simm.s32 $0x3000  }
0x177: {  	[tilespmem:s8], [sflag:$0x1] =	stream.indirect_vreg.gather [hbm4b:s2+s3], $0x80, v3, vm0, $0xb8;
	[tilespmem:$0x19000] =	vst v63  }
0x178: {  	s10 =	simm.s32 $0x3800  }
0x179: {  	[tilespmem:s10], [sflag:$0x1] =	stream.indirect_vreg.gather [hbm4b:s5+s3], $0x80, v3, vm0, $0xb8;
	[tilespmem:$0x19000] =	vst v63  }
0x17a: {  	s19 =	simm.s32 $0x4000  }
0x17b: {  	[tilespmem:s19], [sflag:$0x1] =	stream.indirect_vreg.gather [hbm4b:s6+s3], $0x80, v3, vm0, $0xb8;
	[tilespmem:$0x19000] =	vst v63  }
0x17c: {  	s20 =	simm.s32 $0x4800  }
0x17d: {  	[tilespmem:s20], [sflag:$0x1] =	stream.indirect_vreg.gather [hbm4b:s7+s3], $0x80, v3, vm0, $0xb8;
	[tilespmem:$0x19000] =	vst v63  }
0x17e: {  	_ =	swait.ge [sflag:s23], $0x4000  }
0x17f: {  	[sflag:s23] =	ssyncset.done $0x0  }
0x180: {  	s20 =	simm.s32 $0x9000;
	s4 =	rddreg [dreg:$0xc];
	[sflag:s23] =	ssyncadd.s32 $0xFFFFC000  }
0x181: {  	[hbm4b:s4+s3] =	stream.linear.scatter [tilespmem:s20], [sflag:$0x9], $0x4000, $0x38;
	[tilespmem:$0x19000] =	vst v63  }
0x182: {  	_ =	swait.ge [sflag:s9], $0x4000  }
0x183: {  	[sflag:s9] =	ssyncset.done $0x0  }
0x184: {  	[sflag:s9] =	ssyncadd.s32 $0xFFFFC000  }
0x185: {  	v3 =	vld [tilespmem:$0x680];
	_ =	sdelay $0x4  }
0x186: {  	v45 =	vshll.u32 v3, $0x3  }
0x187: {  	v3 =	vand.u32 $0x7, v3;
	v4 =	vand.u32 $0xFFFFFFC0, v45  }
0x188: {  	v3 =	vor.u32 v3, v4  }
0x189: {  	v4 =	vperm.xlane v3, v0;
	_ =	sdelay $0x1  }
0x18a: {  	v4 =	vadd.s32 v1, v4;
	_ =	sdelay $0x4  }
0x18b: {  	[tilespmem:s18], [sflag:$0x2] =	stream.indirect_vreg.gather [hbm4b:s2+s3], $0x80, v4, vm0, $0xb8;
	[tilespmem:$0x19000] =	vst v63  }
0x18c: {  	s8 =	simm.s32 $0x5800;
	v3 =	vperm.xlane v3, v2  }
0x18d: {  	[tilespmem:s8], [sflag:$0x2] =	stream.indirect_vreg.gather [hbm4b:s5+s3], $0x80, v4, vm0, $0xb8;
	[tilespmem:$0x19000] =	vst v63  }
0x18e: {  	s10 =	simm.s32 $0x6000;
	v3 =	vadd.s32 v1, v3  }
0x18f: {  	[tilespmem:s10], [sflag:$0x2] =	stream.indirect_vreg.gather [hbm4b:s6+s3], $0x80, v4, vm0, $0xb8;
	[tilespmem:$0x19000] =	vst v63  }
0x190: {  	s18 =	simm.s32 $0x6800  }
0x191: {  	[tilespmem:s18], [sflag:$0x2] =	stream.indirect_vreg.gather [hbm4b:s7+s3], $0x80, v4, vm0, $0xb8;
	[tilespmem:$0x19000] =	vst v63  }
0x192: {  	s19 =	simm.s32 $0x7000  }
0x193: {  	[tilespmem:s19], [sflag:$0x2] =	stream.indirect_vreg.gather [hbm4b:s2+s3], $0x80, v3, vm0, $0xb8;
	[tilespmem:$0x19000] =	vst v63  }
0x194: {  	s4 =	simm.s32 $0x7800  }
0x195: {  	[tilespmem:s4], [sflag:$0x2] =	stream.indirect_vreg.gather [hbm4b:s5+s3], $0x80, v3, vm0, $0xb8;
	[tilespmem:$0x19000] =	vst v63  }
0x196: {  	s8 =	simm.s32 $0x8000  }
0x197: {  	[tilespmem:s8], [sflag:$0x2] =	stream.indirect_vreg.gather [hbm4b:s6+s3], $0x80, v3, vm0, $0xb8;
	[tilespmem:$0x19000] =	vst v63  }
0x198: {  	s10 =	simm.s32 $0x8800  }
0x199: {  	[tilespmem:s10], [sflag:$0x2] =	stream.indirect_vreg.gather [hbm4b:s7+s3], $0x80, v3, vm0, $0xb8;
	[tilespmem:$0x19000] =	vst v63  }
0x19a: {  	_ =	swait.ge [sflag:s11], $0x4000  }
0x19b: {  	[sflag:s11] =	ssyncset.done $0x0  }
0x19c: {  	s0 =	simm.s32 $0xD000;
	s18 =	rddreg [dreg:$0xd];
	[sflag:s11] =	ssyncadd.s32 $0xFFFFC000  }
0x19d: {  	[hbm4b:s18+s3] =	stream.linear.scatter [tilespmem:s0], [sflag:$0xA], $0x4000, $0x38;
	[tilespmem:$0x19000] =	vst v63  }
0x19e: {  	_ =	swait.ge [sflag:s12], $0x4000  }
0x19f: {  	[sflag:s12] =	ssyncset.done $0x0  }
0x1a0: {  	[sflag:s12] =	ssyncadd.s32 $0xFFFFC000  }
0x1a1: {  	v3 =	vld [tilespmem:$0x700];
	_ =	sdelay $0x4  }
0x1a2: {  	v46 =	vshll.u32 v3, $0x3  }
0x1a3: {  	v3 =	vand.u32 $0x7, v3;
	v4 =	vand.u32 $0xFFFFFFC0, v46  }
0x1a4: {  	v3 =	vor.u32 v3, v4  }
0x1a5: {  	v4 =	vperm.xlane v3, v0;
	_ =	sdelay $0x1  }
0x1a6: {  	v4 =	vadd.s32 v1, v4;
	_ =	sdelay $0x4  }
0x1a7: {  	[tilespmem:s20], [sflag:$0x3] =	stream.indirect_vreg.gather [hbm4b:s2+s3], $0x80, v4, vm0, $0xb8;
	[tilespmem:$0x19000] =	vst v63  }
0x1a8: {  	v3 =	vperm.xlane v3, v2;
	s20 =	simm.s32 $0x9800  }
0x1a9: {  	[tilespmem:s20], [sflag:$0x3] =	stream.indirect_vreg.gather [hbm4b:s5+s3], $0x80, v4, vm0, $0xb8;
	[tilespmem:$0x19000] =	vst v63  }
0x1aa: {  	s22 =	simm.s32 $0xA000;
	v3 =	vadd.s32 v1, v3  }
0x1ab: {  	[tilespmem:s22], [sflag:$0x3] =	stream.indirect_vreg.gather [hbm4b:s6+s3], $0x80, v4, vm0, $0xb8;
	[tilespmem:$0x19000] =	vst v63  }
0x1ac: {  	s10 =	simm.s32 $0xA800  }
0x1ad: {  	[tilespmem:s10], [sflag:$0x3] =	stream.indirect_vreg.gather [hbm4b:s7+s3], $0x80, v4, vm0, $0xb8;
	[tilespmem:$0x19000] =	vst v63  }
0x1ae: {  	s4 =	simm.s32 $0xB000  }
0x1af: {  	[tilespmem:s4], [sflag:$0x3] =	stream.indirect_vreg.gather [hbm4b:s2+s3], $0x80, v3, vm0, $0xb8;
	[tilespmem:$0x19000] =	vst v63  }
0x1b0: {  	s19 =	simm.s32 $0xB800  }
0x1b1: {  	[tilespmem:s19], [sflag:$0x3] =	stream.indirect_vreg.gather [hbm4b:s5+s3], $0x80, v3, vm0, $0xb8;
	[tilespmem:$0x19000] =	vst v63  }
0x1b2: {  	s20 =	simm.s32 $0xC000  }
0x1b3: {  	[tilespmem:s20], [sflag:$0x3] =	stream.indirect_vreg.gather [hbm4b:s6+s3], $0x80, v3, vm0, $0xb8;
	[tilespmem:$0x19000] =	vst v63  }
0x1b4: {  	s22 =	simm.s32 $0xC800  }
0x1b5: {  	[tilespmem:s22], [sflag:$0x3] =	stream.indirect_vreg.gather [hbm4b:s7+s3], $0x80, v3, vm0, $0xb8;
	[tilespmem:$0x19000] =	vst v63  }
0x1b6: {  	_ =	swait.ge [sflag:s13], $0x4000  }
0x1b7: {  	[sflag:s13] =	ssyncset.done $0x0  }
0x1b8: {  	s22 =	simm.s32 $0x11000;
	s18 =	rddreg [dreg:$0xe];
	[sflag:s13] =	ssyncadd.s32 $0xFFFFC000  }
0x1b9: {  	[hbm4b:s18+s3] =	stream.linear.scatter [tilespmem:s22], [sflag:$0xB], $0x4000, $0x38;
	[tilespmem:$0x19000] =	vst v63  }
0x1ba: {  	_ =	swait.ge [sflag:s14], $0x4000  }
0x1bb: {  	[sflag:s14] =	ssyncset.done $0x0  }
0x1bc: {  	[sflag:s14] =	ssyncadd.s32 $0xFFFFC000  }
0x1bd: {  	v3 =	vld [tilespmem:$0x780];
	_ =	sdelay $0x4  }
0x1be: {  	v47 =	vshll.u32 v3, $0x3  }
0x1bf: {  	v3 =	vand.u32 $0x7, v3;
	v4 =	vand.u32 $0xFFFFFFC0, v47  }
0x1c0: {  	v3 =	vor.u32 v3, v4  }
0x1c1: {  	v4 =	vperm.xlane v3, v0;
	_ =	sdelay $0x1  }
0x1c2: {  	v4 =	vadd.s32 v1, v4;
	_ =	sdelay $0x4  }
0x1c3: {  	[tilespmem:s0], [sflag:$0x4] =	stream.indirect_vreg.gather [hbm4b:s2+s3], $0x80, v4, vm0, $0xb8;
	[tilespmem:$0x19000] =	vst v63  }
0x1c4: {  	s19 =	simm.s32 $0xD800;
	v3 =	vperm.xlane v3, v2  }
0x1c5: {  	[tilespmem:s19], [sflag:$0x4] =	stream.indirect_vreg.gather [hbm4b:s5+s3], $0x80, v4, vm0, $0xb8;
	[tilespmem:$0x19000] =	vst v63  }
0x1c6: {  	s20 =	simm.s32 $0xE000;
	v3 =	vadd.s32 v1, v3  }
0x1c7: {  	[tilespmem:s20], [sflag:$0x4] =	stream.indirect_vreg.gather [hbm4b:s6+s3], $0x80, v4, vm0, $0xb8;
	[tilespmem:$0x19000] =	vst v63  }
0x1c8: {  	_ = 	snop  }
0x1c9: {  	[tilespmem:s28], [sflag:$0x4] =	stream.indirect_vreg.gather [hbm4b:s7+s3], $0x80, v4, vm0, $0xb8;
	[tilespmem:$0x19000] =	vst v63  }
0x1ca: {  	s18 =	simm.s32 $0xF000  }
0x1cb: {  	[tilespmem:s18], [sflag:$0x4] =	stream.indirect_vreg.gather [hbm4b:s2+s3], $0x80, v3, vm0, $0xb8;
	[tilespmem:$0x19000] =	vst v63  }
0x1cc: {  	_ = 	snop  }
0x1cd: {  	[tilespmem:s31], [sflag:$0x4] =	stream.indirect_vreg.gather [hbm4b:s5+s3], $0x80, v3, vm0, $0xb8;
	[tilespmem:$0x19000] =	vst v63  }
0x1ce: {  	s19 =	simm.s32 $0x10000  }
0x1cf: {  	[tilespmem:s19], [sflag:$0x4] =	stream.indirect_vreg.gather [hbm4b:s6+s3], $0x80, v3, vm0, $0xb8;
	[tilespmem:$0x19000] =	vst v63  }
0x1d0: {  	s18 =	simm.s32 $0x10800  }
0x1d1: {  	[tilespmem:s18], [sflag:$0x4] =	stream.indirect_vreg.gather [hbm4b:s7+s3], $0x80, v3, vm0, $0xb8;
	[tilespmem:$0x19000] =	vst v63  }
0x1d2: {  	_ =	swait.ge [sflag:s15], $0x4000  }
0x1d3: {  	[sflag:s15] =	ssyncset.done $0x0  }
0x1d4: {  	s0 =	simm.s32 $0x15000;
	s20 =	rddreg [dreg:$0xf];
	[sflag:s15] =	ssyncadd.s32 $0xFFFFC000  }
0x1d5: {  	[hbm4b:s20+s3] =	stream.linear.scatter [tilespmem:s0], [sflag:$0xC], $0x4000, $0x38;
	[tilespmem:$0x19000] =	vst v63  }
0x1d6: {  	_ =	swait.ge [sflag:s16], $0x4000  }
0x1d7: {  	[sflag:s16] =	ssyncset.done $0x0  }
0x1d8: {  	[sflag:s16] =	ssyncadd.s32 $0xFFFFC000  }
0x1d9: {  	v3 =	vld [tilespmem:$0x800];
	_ =	sdelay $0x4  }
0x1da: {  	v48 =	vshll.u32 v3, $0x3  }
0x1db: {  	v3 =	vand.u32 $0x7, v3;
	v4 =	vand.u32 $0xFFFFFFC0, v48  }
0x1dc: {  	v3 =	vor.u32 v3, v4  }
0x1dd: {  	v4 =	vperm.xlane v3, v0;
	_ =	sdelay $0x1  }
0x1de: {  	v4 =	vadd.s32 v1, v4;
	_ =	sdelay $0x4  }
0x1df: {  	[tilespmem:s22], [sflag:$0x5] =	stream.indirect_vreg.gather [hbm4b:s2+s3], $0x80, v4, vm0, $0xb8;
	[tilespmem:$0x19000] =	vst v63  }
0x1e0: {  	v3 =	vperm.xlane v3, v2  }
0x1e1: {  	[tilespmem:s21], [sflag:$0x5] =	stream.indirect_vreg.gather [hbm4b:s5+s3], $0x80, v4, vm0, $0xb8;
	[tilespmem:$0x19000] =	vst v63  }
0x1e2: {  	v3 =	vadd.s32 v1, v3;
	s22 =	simm.s32 $0x12000  }
0x1e3: {  	[tilespmem:s22], [sflag:$0x5] =	stream.indirect_vreg.gather [hbm4b:s6+s3], $0x80, v4, vm0, $0xb8;
	[tilespmem:$0x19000] =	vst v63  }
0x1e4: {  	s28 =	simm.s32 $0x12800  }
0x1e5: {  	[tilespmem:s28], [sflag:$0x5] =	stream.indirect_vreg.gather [hbm4b:s7+s3], $0x80, v4, vm0, $0xb8;
	[tilespmem:$0x19000] =	vst v63  }
0x1e6: {  	_ = 	snop  }
0x1e7: {  	[tilespmem:s24], [sflag:$0x5] =	stream.indirect_vreg.gather [hbm4b:s2+s3], $0x80, v3, vm0, $0xb8;
	[tilespmem:$0x19000] =	vst v63  }
0x1e8: {  	_ = 	snop  }
0x1e9: {  	[tilespmem:s25], [sflag:$0x5] =	stream.indirect_vreg.gather [hbm4b:s5+s3], $0x80, v3, vm0, $0xb8;
	[tilespmem:$0x19000] =	vst v63  }
0x1ea: {  	_ = 	snop  }
0x1eb: {  	[tilespmem:s26], [sflag:$0x5] =	stream.indirect_vreg.gather [hbm4b:s6+s3], $0x80, v3, vm0, $0xb8;
	[tilespmem:$0x19000] =	vst v63  }
0x1ec: {  	s21 =	simm.s32 $0x14800  }
0x1ed: {  	[tilespmem:s21], [sflag:$0x5] =	stream.indirect_vreg.gather [hbm4b:s7+s3], $0x80, v3, vm0, $0xb8;
	[tilespmem:$0x19000] =	vst v63  }
0x1ee: {  	_ =	swait.ge [sflag:s30], $0x4000  }
0x1ef: {  	[sflag:s30] =	ssyncset.done $0x0  }
0x1f0: {  	s20 =	simm.s32 $0x1000;
	s31 =	rddreg [dreg:$0x10];
	[sflag:s30] =	ssyncadd.s32 $0xFFFFC000  }
0x1f1: {  	[hbm4b:s31+s3] =	stream.linear.scatter [tilespmem:s20], [sflag:$0x7], $0x4000, $0x38;
	[tilespmem:$0x19000] =	vst v63  }
0x1f2: {  	_ =	swait.ge [sflag:s17], $0x4000  }
0x1f3: {  	[sflag:s17] =	ssyncset.done $0x0  }
0x1f4: {  	[sflag:s17] =	ssyncadd.s32 $0xFFFFC000  }
0x1f5: {  	v3 =	vld [tilespmem:$0x880];
	_ =	sdelay $0x4  }
0x1f6: {  	v49 =	vshll.u32 v3, $0x3  }
0x1f7: {  	v3 =	vand.u32 $0x7, v3;
	v4 =	vand.u32 $0xFFFFFFC0, v49  }
0x1f8: {  	v3 =	vor.u32 v3, v4  }
0x1f9: {  	v4 =	vperm.xlane v3, v0;
	_ =	sdelay $0x1  }
0x1fa: {  	v4 =	vadd.s32 v1, v4;
	_ =	sdelay $0x4  }
0x1fb: {  	[tilespmem:s0], [sflag:$0x6] =	stream.indirect_vreg.gather [hbm4b:s2+s3], $0x80, v4, vm0, $0xb8;
	[tilespmem:$0x19000] =	vst v63  }
0x1fc: {  	s22 =	simm.s32 $0x15800;
	v3 =	vperm.xlane v3, v2  }
0x1fd: {  	[tilespmem:s22], [sflag:$0x6] =	stream.indirect_vreg.gather [hbm4b:s5+s3], $0x80, v4, vm0, $0xb8;
	[tilespmem:$0x19000] =	vst v63  }
0x1fe: {  	s24 =	simm.s32 $0x16000;
	v3 =	vadd.s32 v1, v3  }
0x1ff: {  	[tilespmem:s24], [sflag:$0x6] =	stream.indirect_vreg.gather [hbm4b:s6+s3], $0x80, v4, vm0, $0xb8;
	[tilespmem:$0x19000] =	vst v63  }
0x200: {  	s25 =	simm.s32 $0x16800  }
0x201: {  	[tilespmem:s25], [sflag:$0x6] =	stream.indirect_vreg.gather [hbm4b:s7+s3], $0x80, v4, vm0, $0xb8;
	[tilespmem:$0x19000] =	vst v63  }
0x202: {  	s26 =	simm.s32 $0x17000  }
0x203: {  	[tilespmem:s26], [sflag:$0x6] =	stream.indirect_vreg.gather [hbm4b:s2+s3], $0x80, v3, vm0, $0xb8;
	[tilespmem:$0x19000] =	vst v63  }
0x204: {  	s22 =	simm.s32 $0x17800  }
0x205: {  	[tilespmem:s22], [sflag:$0x6] =	stream.indirect_vreg.gather [hbm4b:s5+s3], $0x80, v3, vm0, $0xb8;
	[tilespmem:$0x19000] =	vst v63  }
0x206: {  	s24 =	simm.s32 $0x18000  }
0x207: {  	[tilespmem:s24], [sflag:$0x6] =	stream.indirect_vreg.gather [hbm4b:s6+s3], $0x80, v3, vm0, $0xb8;
	[tilespmem:$0x19000] =	vst v63  }
0x208: {  	s28 =	simm.s32 $0x18800  }
0x209: {  	[tilespmem:s28], [sflag:$0x6] =	stream.indirect_vreg.gather [hbm4b:s7+s3], $0x80, v3, vm0, $0xb8;
	[tilespmem:$0x19000] =	vst v63  }
0x20a: {  	_ =	swait.ge [sflag:s29], $0x4000  }
0x20b: {  	[sflag:s29] =	ssyncset.done $0x0  }
0x20c: {  	s0 =	simm.s32 $0x5000;
	s31 =	rddreg [dreg:$0x11];
	[sflag:s29] =	ssyncadd.s32 $0xFFFFC000  }
0x20d: {  	[hbm4b:s31+s3] =	stream.linear.scatter [tilespmem:s0], [sflag:$0x8], $0x4000, $0x38;
	[tilespmem:$0x19000] =	vst v63  }
0x20e: {  	_ =	swait.ge [sflag:s1], $0x4000  }
0x20f: {  	[sflag:s1] =	ssyncset.done $0x0  }
0x210: {  	[sflag:s1] =	ssyncadd.s32 $0xFFFFC000  }
0x211: {  	v3 =	vld [tilespmem:$0x900];
	_ =	sdelay $0x4  }
0x212: {  	v50 =	vshll.u32 v3, $0x3  }
0x213: {  	v3 =	vand.u32 $0x7, v3;
	v4 =	vand.u32 $0xFFFFFFC0, v50  }
0x214: {  	v3 =	vor.u32 v3, v4  }
0x215: {  	v4 =	vperm.xlane v3, v0;
	_ =	sdelay $0x1  }
0x216: {  	v4 =	vadd.s32 v1, v4;
	_ =	sdelay $0x4  }
0x217: {  	[tilespmem:s20], [sflag:$0x1] =	stream.indirect_vreg.gather [hbm4b:s2+s3], $0x80, v4, vm0, $0xb8;
	[tilespmem:$0x19000] =	vst v63  }
0x218: {  	v3 =	vperm.xlane v3, v2;
	s20 =	simm.s32 $0x1800  }
0x219: {  	[tilespmem:s20], [sflag:$0x1] =	stream.indirect_vreg.gather [hbm4b:s5+s3], $0x80, v4, vm0, $0xb8;
	[tilespmem:$0x19000] =	vst v63  }
0x21a: {  	s25 =	simm.s32 $0x2000;
	v3 =	vadd.s32 v1, v3  }
0x21b: {  	[tilespmem:s25], [sflag:$0x1] =	stream.indirect_vreg.gather [hbm4b:s6+s3], $0x80, v4, vm0, $0xb8;
	[tilespmem:$0x19000] =	vst v63  }
0x21c: {  	s26 =	simm.s32 $0x2800  }
0x21d: {  	[tilespmem:s26], [sflag:$0x1] =	stream.indirect_vreg.gather [hbm4b:s7+s3], $0x80, v4, vm0, $0xb8;
	[tilespmem:$0x19000] =	vst v63  }
0x21e: {  	s28 =	simm.s32 $0x3000  }
0x21f: {  	[tilespmem:s28], [sflag:$0x1] =	stream.indirect_vreg.gather [hbm4b:s2+s3], $0x80, v3, vm0, $0xb8;
	[tilespmem:$0x19000] =	vst v63  }
0x220: {  	s31 =	simm.s32 $0x3800  }
0x221: {  	[tilespmem:s31], [sflag:$0x1] =	stream.indirect_vreg.gather [hbm4b:s5+s3], $0x80, v3, vm0, $0xb8;
	[tilespmem:$0x19000] =	vst v63  }
0x222: {  	s20 =	simm.s32 $0x4000  }
0x223: {  	[tilespmem:s20], [sflag:$0x1] =	stream.indirect_vreg.gather [hbm4b:s6+s3], $0x80, v3, vm0, $0xb8;
	[tilespmem:$0x19000] =	vst v63  }
0x224: {  	s25 =	simm.s32 $0x4800  }
0x225: {  	[tilespmem:s25], [sflag:$0x1] =	stream.indirect_vreg.gather [hbm4b:s7+s3], $0x80, v3, vm0, $0xb8;
	[tilespmem:$0x19000] =	vst v63  }
0x226: {  	_ =	swait.ge [sflag:s23], $0x4000  }
0x227: {  	[sflag:s23] =	ssyncset.done $0x0  }
0x228: {  	s8 =	simm.s32 $0x9000;
	s26 =	rddreg [dreg:$0x12];
	[sflag:s23] =	ssyncadd.s32 $0xFFFFC000  }
0x229: {  	[hbm4b:s26+s3] =	stream.linear.scatter [tilespmem:s8], [sflag:$0x9], $0x4000, $0x38;
	[tilespmem:$0x19000] =	vst v63  }
0x22a: {  	_ =	swait.ge [sflag:s9], $0x4000  }
0x22b: {  	[sflag:s9] =	ssyncset.done $0x0  }
0x22c: {  	[sflag:s9] =	ssyncadd.s32 $0xFFFFC000  }
0x22d: {  	v3 =	vld [tilespmem:$0x980];
	_ =	sdelay $0x4  }
0x22e: {  	v51 =	vshll.u32 v3, $0x3  }
0x22f: {  	v3 =	vand.u32 $0x7, v3;
	v4 =	vand.u32 $0xFFFFFFC0, v51  }
0x230: {  	v3 =	vor.u32 v3, v4  }
0x231: {  	v4 =	vperm.xlane v3, v0;
	_ =	sdelay $0x1  }
0x232: {  	v4 =	vadd.s32 v1, v4;
	_ =	sdelay $0x4  }
0x233: {  	[tilespmem:s0], [sflag:$0x2] =	stream.indirect_vreg.gather [hbm4b:s2+s3], $0x80, v4, vm0, $0xb8;
	[tilespmem:$0x19000] =	vst v63  }
0x234: {  	s31 =	simm.s32 $0x5800;
	v3 =	vperm.xlane v3, v2  }
0x235: {  	[tilespmem:s31], [sflag:$0x2] =	stream.indirect_vreg.gather [hbm4b:s5+s3], $0x80, v4, vm0, $0xb8;
	[tilespmem:$0x19000] =	vst v63  }
0x236: {  	s28 =	simm.s32 $0x6000;
	v3 =	vadd.s32 v1, v3  }
0x237: {  	[tilespmem:s28], [sflag:$0x2] =	stream.indirect_vreg.gather [hbm4b:s6+s3], $0x80, v4, vm0, $0xb8;
	[tilespmem:$0x19000] =	vst v63  }
0x238: {  	s20 =	simm.s32 $0x6800  }
0x239: {  	[tilespmem:s20], [sflag:$0x2] =	stream.indirect_vreg.gather [hbm4b:s7+s3], $0x80, v4, vm0, $0xb8;
	[tilespmem:$0x19000] =	vst v63  }
0x23a: {  	s25 =	simm.s32 $0x7000  }
0x23b: {  	[tilespmem:s25], [sflag:$0x2] =	stream.indirect_vreg.gather [hbm4b:s2+s3], $0x80, v3, vm0, $0xb8;
	[tilespmem:$0x19000] =	vst v63  }
0x23c: {  	s26 =	simm.s32 $0x7800  }
0x23d: {  	[tilespmem:s26], [sflag:$0x2] =	stream.indirect_vreg.gather [hbm4b:s5+s3], $0x80, v3, vm0, $0xb8;
	[tilespmem:$0x19000] =	vst v63  }
0x23e: {  	s28 =	simm.s32 $0x8000  }
0x23f: {  	[tilespmem:s28], [sflag:$0x2] =	stream.indirect_vreg.gather [hbm4b:s6+s3], $0x80, v3, vm0, $0xb8;
	[tilespmem:$0x19000] =	vst v63  }
0x240: {  	s0 =	simm.s32 $0x8800  }
0x241: {  	[tilespmem:s0], [sflag:$0x2] =	stream.indirect_vreg.gather [hbm4b:s7+s3], $0x80, v3, vm0, $0xb8;
	[tilespmem:$0x19000] =	vst v63  }
0x242: {  	_ =	swait.ge [sflag:s11], $0x4000  }
0x243: {  	[sflag:s11] =	ssyncset.done $0x0  }
0x244: {  	s4 =	simm.s32 $0xD000;
	s0 =	rddreg [dreg:$0x13];
	[sflag:s11] =	ssyncadd.s32 $0xFFFFC000  }
0x245: {  	[hbm4b:s0+s3] =	stream.linear.scatter [tilespmem:s4], [sflag:$0xA], $0x4000, $0x38;
	[tilespmem:$0x19000] =	vst v63  }
0x246: {  	_ =	swait.ge [sflag:s12], $0x4000  }
0x247: {  	[sflag:s12] =	ssyncset.done $0x0  }
0x248: {  	[sflag:s12] =	ssyncadd.s32 $0xFFFFC000  }
0x249: {  	v3 =	vld [tilespmem:$0xA00];
	_ =	sdelay $0x4  }
0x24a: {  	v52 =	vshll.u32 v3, $0x3  }
0x24b: {  	v3 =	vand.u32 $0x7, v3;
	v4 =	vand.u32 $0xFFFFFFC0, v52  }
0x24c: {  	v3 =	vor.u32 v3, v4  }
0x24d: {  	v4 =	vperm.xlane v3, v0;
	_ =	sdelay $0x1  }
0x24e: {  	v4 =	vadd.s32 v1, v4;
	_ =	sdelay $0x4  }
0x24f: {  	[tilespmem:s8], [sflag:$0x3] =	stream.indirect_vreg.gather [hbm4b:s2+s3], $0x80, v4, vm0, $0xb8;
	[tilespmem:$0x19000] =	vst v63  }
0x250: {  	v3 =	vperm.xlane v3, v2;
	s8 =	simm.s32 $0x9800  }
0x251: {  	[tilespmem:s8], [sflag:$0x3] =	stream.indirect_vreg.gather [hbm4b:s5+s3], $0x80, v4, vm0, $0xb8;
	[tilespmem:$0x19000] =	vst v63  }
0x252: {  	s19 =	simm.s32 $0xA000;
	v3 =	vadd.s32 v1, v3  }
0x253: {  	[tilespmem:s19], [sflag:$0x3] =	stream.indirect_vreg.gather [hbm4b:s6+s3], $0x80, v4, vm0, $0xb8;
	[tilespmem:$0x19000] =	vst v63  }
0x254: {  	_ = 	snop  }
0x255: {  	[tilespmem:s10], [sflag:$0x3] =	stream.indirect_vreg.gather [hbm4b:s7+s3], $0x80, v4, vm0, $0xb8;
	[tilespmem:$0x19000] =	vst v63  }
0x256: {  	s0 =	simm.s32 $0xB000  }
0x257: {  	[tilespmem:s0], [sflag:$0x3] =	stream.indirect_vreg.gather [hbm4b:s2+s3], $0x80, v3, vm0, $0xb8;
	[tilespmem:$0x19000] =	vst v63  }
0x258: {  	s8 =	simm.s32 $0xB800  }
0x259: {  	[tilespmem:s8], [sflag:$0x3] =	stream.indirect_vreg.gather [hbm4b:s5+s3], $0x80, v3, vm0, $0xb8;
	[tilespmem:$0x19000] =	vst v63  }
0x25a: {  	s10 =	simm.s32 $0xC000  }
0x25b: {  	[tilespmem:s10], [sflag:$0x3] =	stream.indirect_vreg.gather [hbm4b:s6+s3], $0x80, v3, vm0, $0xb8;
	[tilespmem:$0x19000] =	vst v63  }
0x25c: {  	s19 =	simm.s32 $0xC800  }
0x25d: {  	[tilespmem:s19], [sflag:$0x3] =	stream.indirect_vreg.gather [hbm4b:s7+s3], $0x80, v3, vm0, $0xb8;
	[tilespmem:$0x19000] =	vst v63  }
0x25e: {  	_ =	swait.ge [sflag:s13], $0x4000  }
0x25f: {  	[sflag:s13] =	ssyncset.done $0x0  }
0x260: {  	s0 =	simm.s32 $0x11000;
	s8 =	rddreg [dreg:$0x14];
	[sflag:s13] =	ssyncadd.s32 $0xFFFFC000  }
0x261: {  	[hbm4b:s8+s3] =	stream.linear.scatter [tilespmem:s0], [sflag:$0xB], $0x4000, $0x38;
	[tilespmem:$0x19000] =	vst v63  }
0x262: {  	_ =	swait.ge [sflag:s14], $0x4000  }
0x263: {  	[sflag:s14] =	ssyncset.done $0x0  }
0x264: {  	[sflag:s14] =	ssyncadd.s32 $0xFFFFC000  }
0x265: {  	v3 =	vld [tilespmem:$0xA80];
	_ =	sdelay $0x4  }
0x266: {  	v53 =	vshll.u32 v3, $0x3  }
0x267: {  	v3 =	vand.u32 $0x7, v3;
	v4 =	vand.u32 $0xFFFFFFC0, v53  }
0x268: {  	v3 =	vor.u32 v3, v4  }
0x269: {  	v4 =	vperm.xlane v3, v0;
	_ =	sdelay $0x1  }
0x26a: {  	v4 =	vadd.s32 v1, v4;
	_ =	sdelay $0x4  }
0x26b: {  	[tilespmem:s4], [sflag:$0x4] =	stream.indirect_vreg.gather [hbm4b:s2+s3], $0x80, v4, vm0, $0xb8;
	[tilespmem:$0x19000] =	vst v63  }
0x26c: {  	s10 =	simm.s32 $0xD800;
	v3 =	vperm.xlane v3, v2  }
0x26d: {  	[tilespmem:s10], [sflag:$0x4] =	stream.indirect_vreg.gather [hbm4b:s5+s3], $0x80, v4, vm0, $0xb8;
	[tilespmem:$0x19000] =	vst v63  }
0x26e: {  	s19 =	simm.s32 $0xE000;
	v3 =	vadd.s32 v1, v3  }
0x26f: {  	[tilespmem:s19], [sflag:$0x4] =	stream.indirect_vreg.gather [hbm4b:s6+s3], $0x80, v4, vm0, $0xb8;
	[tilespmem:$0x19000] =	vst v63  }
0x270: {  	s8 =	simm.s32 $0xE800  }
0x271: {  	[tilespmem:s8], [sflag:$0x4] =	stream.indirect_vreg.gather [hbm4b:s7+s3], $0x80, v4, vm0, $0xb8;
	[tilespmem:$0x19000] =	vst v63  }
0x272: {  	s10 =	simm.s32 $0xF000  }
0x273: {  	[tilespmem:s10], [sflag:$0x4] =	stream.indirect_vreg.gather [hbm4b:s2+s3], $0x80, v3, vm0, $0xb8;
	[tilespmem:$0x19000] =	vst v63  }
0x274: {  	s19 =	simm.s32 $0xF800  }
0x275: {  	[tilespmem:s19], [sflag:$0x4] =	stream.indirect_vreg.gather [hbm4b:s5+s3], $0x80, v3, vm0, $0xb8;
	[tilespmem:$0x19000] =	vst v63  }
0x276: {  	s8 =	simm.s32 $0x10000  }
0x277: {  	[tilespmem:s8], [sflag:$0x4] =	stream.indirect_vreg.gather [hbm4b:s6+s3], $0x80, v3, vm0, $0xb8;
	[tilespmem:$0x19000] =	vst v63  }
0x278: {  	_ = 	snop  }
0x279: {  	[tilespmem:s18], [sflag:$0x4] =	stream.indirect_vreg.gather [hbm4b:s7+s3], $0x80, v3, vm0, $0xb8;
	[tilespmem:$0x19000] =	vst v63  }
0x27a: {  	_ =	swait.ge [sflag:s15], $0x4000  }
0x27b: {  	[sflag:s15] =	ssyncset.done $0x0  }
0x27c: {  	s4 =	simm.s32 $0x15000;
	s10 =	rddreg [dreg:$0x15];
	[sflag:s15] =	ssyncadd.s32 $0xFFFFC000  }
0x27d: {  	[hbm4b:s10+s3] =	stream.linear.scatter [tilespmem:s4], [sflag:$0xC], $0x4000, $0x38;
	[tilespmem:$0x19000] =	vst v63  }
0x27e: {  	_ =	swait.ge [sflag:s16], $0x4000  }
0x27f: {  	[sflag:s16] =	ssyncset.done $0x0  }
0x280: {  	[sflag:s16] =	ssyncadd.s32 $0xFFFFC000  }
0x281: {  	v3 =	vld [tilespmem:$0xB00];
	_ =	sdelay $0x4  }
0x282: {  	v54 =	vshll.u32 v3, $0x3  }
0x283: {  	v3 =	vand.u32 $0x7, v3;
	v4 =	vand.u32 $0xFFFFFFC0, v54  }
0x284: {  	v3 =	vor.u32 v3, v4  }
0x285: {  	v4 =	vperm.xlane v3, v0;
	_ =	sdelay $0x1  }
0x286: {  	v4 =	vadd.s32 v1, v4;
	_ =	sdelay $0x4  }
0x287: {  	[tilespmem:s0], [sflag:$0x5] =	stream.indirect_vreg.gather [hbm4b:s2+s3], $0x80, v4, vm0, $0xb8;
	[tilespmem:$0x19000] =	vst v63  }
0x288: {  	s18 =	simm.s32 $0x11800;
	v3 =	vperm.xlane v3, v2  }
0x289: {  	[tilespmem:s18], [sflag:$0x5] =	stream.indirect_vreg.gather [hbm4b:s5+s3], $0x80, v4, vm0, $0xb8;
	[tilespmem:$0x19000] =	vst v63  }
0x28a: {  	s19 =	simm.s32 $0x12000;
	v3 =	vadd.s32 v1, v3  }
0x28b: {  	[tilespmem:s19], [sflag:$0x5] =	stream.indirect_vreg.gather [hbm4b:s6+s3], $0x80, v4, vm0, $0xb8;
	[tilespmem:$0x19000] =	vst v63  }
0x28c: {  	s8 =	simm.s32 $0x12800  }
0x28d: {  	[tilespmem:s8], [sflag:$0x5] =	stream.indirect_vreg.gather [hbm4b:s7+s3], $0x80, v4, vm0, $0xb8;
	[tilespmem:$0x19000] =	vst v63  }
0x28e: {  	s10 =	simm.s32 $0x13000  }
0x28f: {  	[tilespmem:s10], [sflag:$0x5] =	stream.indirect_vreg.gather [hbm4b:s2+s3], $0x80, v3, vm0, $0xb8;
	[tilespmem:$0x19000] =	vst v63  }
0x290: {  	s18 =	simm.s32 $0x13800  }
0x291: {  	[tilespmem:s18], [sflag:$0x5] =	stream.indirect_vreg.gather [hbm4b:s5+s3], $0x80, v3, vm0, $0xb8;
	[tilespmem:$0x19000] =	vst v63  }
0x292: {  	s19 =	simm.s32 $0x14000  }
0x293: {  	[tilespmem:s19], [sflag:$0x5] =	stream.indirect_vreg.gather [hbm4b:s6+s3], $0x80, v3, vm0, $0xb8;
	[tilespmem:$0x19000] =	vst v63  }
0x294: {  	_ = 	snop  }
0x295: {  	[tilespmem:s21], [sflag:$0x5] =	stream.indirect_vreg.gather [hbm4b:s7+s3], $0x80, v3, vm0, $0xb8;
	[tilespmem:$0x19000] =	vst v63  }
0x296: {  	_ =	swait.ge [sflag:s30], $0x4000  }
0x297: {  	[sflag:s30] =	ssyncset.done $0x0  }
0x298: {  	s0 =	simm.s32 $0x1000;
	s21 =	rddreg [dreg:$0x16];
	[sflag:s30] =	ssyncadd.s32 $0xFFFFC000  }
0x299: {  	[hbm4b:s21+s3] =	stream.linear.scatter [tilespmem:s0], [sflag:$0x7], $0x4000, $0x38;
	[tilespmem:$0x19000] =	vst v63  }
0x29a: {  	_ =	swait.ge [sflag:s17], $0x4000  }
0x29b: {  	[sflag:s17] =	ssyncset.done $0x0  }
0x29c: {  	[sflag:s17] =	ssyncadd.s32 $0xFFFFC000  }
0x29d: {  	v3 =	vld [tilespmem:$0xB80];
	_ =	sdelay $0x4  }
0x29e: {  	v55 =	vshll.u32 v3, $0x3  }
0x29f: {  	v3 =	vand.u32 $0x7, v3;
	v4 =	vand.u32 $0xFFFFFFC0, v55  }
0x2a0: {  	v3 =	vor.u32 v3, v4  }
0x2a1: {  	v4 =	vperm.xlane v3, v0;
	_ =	sdelay $0x1  }
0x2a2: {  	v4 =	vadd.s32 v1, v4;
	_ =	sdelay $0x4  }
0x2a3: {  	[tilespmem:s4], [sflag:$0x6] =	stream.indirect_vreg.gather [hbm4b:s2+s3], $0x80, v4, vm0, $0xb8;
	[tilespmem:$0x19000] =	vst v63  }
0x2a4: {  	s8 =	simm.s32 $0x15800;
	v3 =	vperm.xlane v3, v2  }
0x2a5: {  	[tilespmem:s8], [sflag:$0x6] =	stream.indirect_vreg.gather [hbm4b:s5+s3], $0x80, v4, vm0, $0xb8;
	[tilespmem:$0x19000] =	vst v63  }
0x2a6: {  	s10 =	simm.s32 $0x16000;
	v3 =	vadd.s32 v1, v3  }
0x2a7: {  	[tilespmem:s10], [sflag:$0x6] =	stream.indirect_vreg.gather [hbm4b:s6+s3], $0x80, v4, vm0, $0xb8;
	[tilespmem:$0x19000] =	vst v63  }
0x2a8: {  	s18 =	simm.s32 $0x16800  }
0x2a9: {  	[tilespmem:s18], [sflag:$0x6] =	stream.indirect_vreg.gather [hbm4b:s7+s3], $0x80, v4, vm0, $0xb8;
	[tilespmem:$0x19000] =	vst v63  }
0x2aa: {  	s19 =	simm.s32 $0x17000  }
0x2ab: {  	[tilespmem:s19], [sflag:$0x6] =	stream.indirect_vreg.gather [hbm4b:s2+s3], $0x80, v3, vm0, $0xb8;
	[tilespmem:$0x19000] =	vst v63  }
0x2ac: {  	_ = 	snop  }
0x2ad: {  	[tilespmem:s22], [sflag:$0x6] =	stream.indirect_vreg.gather [hbm4b:s5+s3], $0x80, v3, vm0, $0xb8;
	[tilespmem:$0x19000] =	vst v63  }
0x2ae: {  	_ = 	snop  }
0x2af: {  	[tilespmem:s24], [sflag:$0x6] =	stream.indirect_vreg.gather [hbm4b:s6+s3], $0x80, v3, vm0, $0xb8;
	[tilespmem:$0x19000] =	vst v63  }
0x2b0: {  	s4 =	simm.s32 $0x18800  }
0x2b1: {  	[tilespmem:s4], [sflag:$0x6] =	stream.indirect_vreg.gather [hbm4b:s7+s3], $0x80, v3, vm0, $0xb8;
	[tilespmem:$0x19000] =	vst v63  }
0x2b2: {  	_ =	swait.ge [sflag:s29], $0x4000  }
0x2b3: {  	[sflag:s29] =	ssyncset.done $0x0  }
0x2b4: {  	s4 =	simm.s32 $0x5000;
	s8 =	rddreg [dreg:$0x17];
	[sflag:s29] =	ssyncadd.s32 $0xFFFFC000  }
0x2b5: {  	[hbm4b:s8+s3] =	stream.linear.scatter [tilespmem:s4], [sflag:$0x8], $0x4000, $0x38;
	[tilespmem:$0x19000] =	vst v63  }
0x2b6: {  	_ =	swait.ge [sflag:s1], $0x4000  }
0x2b7: {  	[sflag:s1] =	ssyncset.done $0x0  }
0x2b8: {  	[sflag:s1] =	ssyncadd.s32 $0xFFFFC000  }
0x2b9: {  	v3 =	vld [tilespmem:$0xC00];
	_ =	sdelay $0x4  }
0x2ba: {  	v56 =	vshll.u32 v3, $0x3  }
0x2bb: {  	v3 =	vand.u32 $0x7, v3;
	v4 =	vand.u32 $0xFFFFFFC0, v56  }
0x2bc: {  	v3 =	vor.u32 v3, v4  }
0x2bd: {  	v4 =	vperm.xlane v3, v0;
	_ =	sdelay $0x1  }
0x2be: {  	v4 =	vadd.s32 v1, v4;
	_ =	sdelay $0x4  }
0x2bf: {  	[tilespmem:s0], [sflag:$0x1] =	stream.indirect_vreg.gather [hbm4b:s2+s3], $0x80, v4, vm0, $0xb8;
	[tilespmem:$0x19000] =	vst v63  }
0x2c0: {  	s10 =	simm.s32 $0x1800;
	v3 =	vperm.xlane v3, v2  }
0x2c1: {  	[tilespmem:s10], [sflag:$0x1] =	stream.indirect_vreg.gather [hbm4b:s5+s3], $0x80, v4, vm0, $0xb8;
	[tilespmem:$0x19000] =	vst v63  }
0x2c2: {  	s18 =	simm.s32 $0x2000;
	v3 =	vadd.s32 v1, v3  }
0x2c3: {  	[tilespmem:s18], [sflag:$0x1] =	stream.indirect_vreg.gather [hbm4b:s6+s3], $0x80, v4, vm0, $0xb8;
	[tilespmem:$0x19000] =	vst v63  }
0x2c4: {  	s0 =	simm.s32 $0x2800  }
0x2c5: {  	[tilespmem:s0], [sflag:$0x1] =	stream.indirect_vreg.gather [hbm4b:s7+s3], $0x80, v4, vm0, $0xb8;
	[tilespmem:$0x19000] =	vst v63  }
0x2c6: {  	s10 =	simm.s32 $0x3000  }
0x2c7: {  	[tilespmem:s10], [sflag:$0x1] =	stream.indirect_vreg.gather [hbm4b:s2+s3], $0x80, v3, vm0, $0xb8;
	[tilespmem:$0x19000] =	vst v63  }
0x2c8: {  	s18 =	simm.s32 $0x3800  }
0x2c9: {  	[tilespmem:s18], [sflag:$0x1] =	stream.indirect_vreg.gather [hbm4b:s5+s3], $0x80, v3, vm0, $0xb8;
	[tilespmem:$0x19000] =	vst v63  }
0x2ca: {  	s0 =	simm.s32 $0x4000  }
0x2cb: {  	[tilespmem:s0], [sflag:$0x1] =	stream.indirect_vreg.gather [hbm4b:s6+s3], $0x80, v3, vm0, $0xb8;
	[tilespmem:$0x19000] =	vst v63  }
0x2cc: {  	s10 =	simm.s32 $0x4800  }
0x2cd: {  	[tilespmem:s10], [sflag:$0x1] =	stream.indirect_vreg.gather [hbm4b:s7+s3], $0x80, v3, vm0, $0xb8;
	[tilespmem:$0x19000] =	vst v63  }
0x2ce: {  	_ =	swait.ge [sflag:s23], $0x4000  }
0x2cf: {  	[sflag:s23] =	ssyncset.done $0x0  }
0x2d0: {  	s0 =	simm.s32 $0x9000;
	s18 =	rddreg [dreg:$0x18];
	[sflag:s23] =	ssyncadd.s32 $0xFFFFC000  }
0x2d1: {  	[hbm4b:s18+s3] =	stream.linear.scatter [tilespmem:s0], [sflag:$0x9], $0x4000, $0x38;
	[tilespmem:$0x19000] =	vst v63  }
0x2d2: {  	_ =	swait.ge [sflag:s9], $0x4000  }
0x2d3: {  	[sflag:s9] =	ssyncset.done $0x0  }
0x2d4: {  	[sflag:s9] =	ssyncadd.s32 $0xFFFFC000  }
0x2d5: {  	v3 =	vld [tilespmem:$0xC80];
	_ =	sdelay $0x4  }
0x2d6: {  	v57 =	vshll.u32 v3, $0x3  }
0x2d7: {  	v3 =	vand.u32 $0x7, v3;
	v4 =	vand.u32 $0xFFFFFFC0, v57  }
0x2d8: {  	v3 =	vor.u32 v3, v4  }
0x2d9: {  	v4 =	vperm.xlane v3, v0;
	_ =	sdelay $0x1  }
0x2da: {  	v4 =	vadd.s32 v1, v4;
	_ =	sdelay $0x4  }
0x2db: {  	[tilespmem:s4], [sflag:$0x2] =	stream.indirect_vreg.gather [hbm4b:s2+s3], $0x80, v4, vm0, $0xb8;
	[tilespmem:$0x19000] =	vst v63  }
0x2dc: {  	v3 =	vperm.xlane v3, v2  }
0x2dd: {  	[tilespmem:s31], [sflag:$0x2] =	stream.indirect_vreg.gather [hbm4b:s5+s3], $0x80, v4, vm0, $0xb8;
	[tilespmem:$0x19000] =	vst v63  }
0x2de: {  	s10 =	simm.s32 $0x6000;
	v3 =	vadd.s32 v1, v3  }
0x2df: {  	[tilespmem:s10], [sflag:$0x2] =	stream.indirect_vreg.gather [hbm4b:s6+s3], $0x80, v4, vm0, $0xb8;
	[tilespmem:$0x19000] =	vst v63  }
0x2e0: {  	_ = 	snop  }
0x2e1: {  	[tilespmem:s20], [sflag:$0x2] =	stream.indirect_vreg.gather [hbm4b:s7+s3], $0x80, v4, vm0, $0xb8;
	[tilespmem:$0x19000] =	vst v63  }
0x2e2: {  	_ = 	snop  }
0x2e3: {  	[tilespmem:s25], [sflag:$0x2] =	stream.indirect_vreg.gather [hbm4b:s2+s3], $0x80, v3, vm0, $0xb8;
	[tilespmem:$0x19000] =	vst v63  }
0x2e4: {  	_ = 	snop  }
0x2e5: {  	[tilespmem:s26], [sflag:$0x2] =	stream.indirect_vreg.gather [hbm4b:s5+s3], $0x80, v3, vm0, $0xb8;
	[tilespmem:$0x19000] =	vst v63  }
0x2e6: {  	_ = 	snop  }
0x2e7: {  	[tilespmem:s28], [sflag:$0x2] =	stream.indirect_vreg.gather [hbm4b:s6+s3], $0x80, v3, vm0, $0xb8;
	[tilespmem:$0x19000] =	vst v63  }
0x2e8: {  	s18 =	simm.s32 $0x8800  }
0x2e9: {  	[tilespmem:s18], [sflag:$0x2] =	stream.indirect_vreg.gather [hbm4b:s7+s3], $0x80, v3, vm0, $0xb8;
	[tilespmem:$0x19000] =	vst v63  }
0x2ea: {  	_ =	swait.ge [sflag:s11], $0x4000  }
0x2eb: {  	[sflag:s11] =	ssyncset.done $0x0  }
0x2ec: {  	s18 =	simm.s32 $0xD000;
	s10 =	rddreg [dreg:$0x19];
	[sflag:s11] =	ssyncadd.s32 $0xFFFFC000  }
0x2ed: {  	[hbm4b:s10+s3] =	stream.linear.scatter [tilespmem:s18], [sflag:$0xA], $0x4000, $0x38;
	[tilespmem:$0x19000] =	vst v63  }
0x2ee: {  	_ =	swait.ge [sflag:s12], $0x4000  }
0x2ef: {  	[sflag:s12] =	ssyncset.done $0x0  }
0x2f0: {  	[sflag:s12] =	ssyncadd.s32 $0xFFFFC000  }
0x2f1: {  	v3 =	vld [tilespmem:$0xD00];
	_ =	sdelay $0x4  }
0x2f2: {  	v58 =	vshll.u32 v3, $0x3  }
0x2f3: {  	v3 =	vand.u32 $0x7, v3;
	v4 =	vand.u32 $0xFFFFFFC0, v58  }
0x2f4: {  	v3 =	vor.u32 v3, v4  }
0x2f5: {  	v4 =	vperm.xlane v3, v0;
	_ =	sdelay $0x1  }
0x2f6: {  	v4 =	vadd.s32 v1, v4;
	_ =	sdelay $0x4  }
0x2f7: {  	[tilespmem:s0], [sflag:$0x3] =	stream.indirect_vreg.gather [hbm4b:s2+s3], $0x80, v4, vm0, $0xb8;
	[tilespmem:$0x19000] =	vst v63  }
0x2f8: {  	s19 =	simm.s32 $0x9800;
	v3 =	vperm.xlane v3, v2  }
0x2f9: {  	[tilespmem:s19], [sflag:$0x3] =	stream.indirect_vreg.gather [hbm4b:s5+s3], $0x80, v4, vm0, $0xb8;
	[tilespmem:$0x19000] =	vst v63  }
0x2fa: {  	v3 =	vadd.s32 v1, v3;
	s19 =	simm.s32 $0xA000  }
0x2fb: {  	[tilespmem:s19], [sflag:$0x3] =	stream.indirect_vreg.gather [hbm4b:s6+s3], $0x80, v4, vm0, $0xb8;
	[tilespmem:$0x19000] =	vst v63  }
0x2fc: {  	s19 =	simm.s32 $0xA800  }
0x2fd: {  	[tilespmem:s19], [sflag:$0x3] =	stream.indirect_vreg.gather [hbm4b:s7+s3], $0x80, v4, vm0, $0xb8;
	[tilespmem:$0x19000] =	vst v63  }
0x2fe: {  	s19 =	simm.s32 $0xB000  }
0x2ff: {  	[tilespmem:s19], [sflag:$0x3] =	stream.indirect_vreg.gather [hbm4b:s2+s3], $0x80, v3, vm0, $0xb8;
	[tilespmem:$0x19000] =	vst v63  }
0x300: {  	s19 =	simm.s32 $0xB800  }
0x301: {  	[tilespmem:s19], [sflag:$0x3] =	stream.indirect_vreg.gather [hbm4b:s5+s3], $0x80, v3, vm0, $0xb8;
	[tilespmem:$0x19000] =	vst v63  }
0x302: {  	s19 =	simm.s32 $0xC000  }
0x303: {  	[tilespmem:s19], [sflag:$0x3] =	stream.indirect_vreg.gather [hbm4b:s6+s3], $0x80, v3, vm0, $0xb8;
	[tilespmem:$0x19000] =	vst v63  }
0x304: {  	s19 =	simm.s32 $0xC800  }
0x305: {  	[tilespmem:s19], [sflag:$0x3] =	stream.indirect_vreg.gather [hbm4b:s7+s3], $0x80, v3, vm0, $0xb8;
	[tilespmem:$0x19000] =	vst v63  }
0x306: {  	_ =	swait.ge [sflag:s13], $0x4000  }
0x307: {  	[sflag:s13] =	ssyncset.done $0x0  }
0x308: {  	s0 =	simm.s32 $0x11000;
	s19 =	rddreg [dreg:$0x1a];
	[sflag:s13] =	ssyncadd.s32 $0xFFFFC000  }
0x309: {  	[hbm4b:s19+s3] =	stream.linear.scatter [tilespmem:s0], [sflag:$0xB], $0x4000, $0x38;
	[tilespmem:$0x19000] =	vst v63  }
0x30a: {  	_ =	swait.ge [sflag:s14], $0x4000  }
0x30b: {  	[sflag:s14] =	ssyncset.done $0x0  }
0x30c: {  	[sflag:s14] =	ssyncadd.s32 $0xFFFFC000  }
0x30d: {  	v3 =	vld [tilespmem:$0xD80];
	_ =	sdelay $0x4  }
0x30e: {  	v59 =	vshll.u32 v3, $0x3  }
0x30f: {  	v3 =	vand.u32 $0x7, v3;
	v4 =	vand.u32 $0xFFFFFFC0, v59  }
0x310: {  	v3 =	vor.u32 v3, v4  }
0x311: {  	v4 =	vperm.xlane v3, v0;
	_ =	sdelay $0x1  }
0x312: {  	v4 =	vadd.s32 v1, v4;
	_ =	sdelay $0x4  }
0x313: {  	[tilespmem:s18], [sflag:$0x4] =	stream.indirect_vreg.gather [hbm4b:s2+s3], $0x80, v4, vm0, $0xb8;
	[tilespmem:$0x19000] =	vst v63  }
0x314: {  	s19 =	simm.s32 $0xD800;
	v3 =	vperm.xlane v3, v2  }
0x315: {  	[tilespmem:s19], [sflag:$0x4] =	stream.indirect_vreg.gather [hbm4b:s5+s3], $0x80, v4, vm0, $0xb8;
	[tilespmem:$0x19000] =	vst v63  }
0x316: {  	v3 =	vadd.s32 v1, v3;
	s19 =	simm.s32 $0xE000  }
0x317: {  	[tilespmem:s19], [sflag:$0x4] =	stream.indirect_vreg.gather [hbm4b:s6+s3], $0x80, v4, vm0, $0xb8;
	[tilespmem:$0x19000] =	vst v63  }
0x318: {  	s19 =	simm.s32 $0xE800  }
0x319: {  	[tilespmem:s19], [sflag:$0x4] =	stream.indirect_vreg.gather [hbm4b:s7+s3], $0x80, v4, vm0, $0xb8;
	[tilespmem:$0x19000] =	vst v63  }
0x31a: {  	s19 =	simm.s32 $0xF000  }
0x31b: {  	[tilespmem:s19], [sflag:$0x4] =	stream.indirect_vreg.gather [hbm4b:s2+s3], $0x80, v3, vm0, $0xb8;
	[tilespmem:$0x19000] =	vst v63  }
0x31c: {  	s19 =	simm.s32 $0xF800  }
0x31d: {  	[tilespmem:s19], [sflag:$0x4] =	stream.indirect_vreg.gather [hbm4b:s5+s3], $0x80, v3, vm0, $0xb8;
	[tilespmem:$0x19000] =	vst v63  }
0x31e: {  	s19 =	simm.s32 $0x10000  }
0x31f: {  	[tilespmem:s19], [sflag:$0x4] =	stream.indirect_vreg.gather [hbm4b:s6+s3], $0x80, v3, vm0, $0xb8;
	[tilespmem:$0x19000] =	vst v63  }
0x320: {  	s19 =	simm.s32 $0x10800  }
0x321: {  	[tilespmem:s19], [sflag:$0x4] =	stream.indirect_vreg.gather [hbm4b:s7+s3], $0x80, v3, vm0, $0xb8;
	[tilespmem:$0x19000] =	vst v63  }
0x322: {  	_ =	swait.ge [sflag:s15], $0x4000  }
0x323: {  	[sflag:s15] =	ssyncset.done $0x0  }
0x324: {  	s21 =	simm.s32 $0x15000;
	s19 =	rddreg [dreg:$0x1b];
	[sflag:s15] =	ssyncadd.s32 $0xFFFFC000  }
0x325: {  	[hbm4b:s19+s3] =	stream.linear.scatter [tilespmem:s21], [sflag:$0xC], $0x4000, $0x38;
	[tilespmem:$0x19000] =	vst v63  }
0x326: {  	_ =	swait.ge [sflag:s16], $0x4000  }
0x327: {  	[sflag:s16] =	ssyncset.done $0x0  }
0x328: {  	[sflag:s16] =	ssyncadd.s32 $0xFFFFC000  }
0x329: {  	v3 =	vld [tilespmem:$0xE00];
	_ =	sdelay $0x4  }
0x32a: {  	v60 =	vshll.u32 v3, $0x3  }
0x32b: {  	v3 =	vand.u32 $0x7, v3;
	v4 =	vand.u32 $0xFFFFFFC0, v60  }
0x32c: {  	v3 =	vor.u32 v3, v4  }
0x32d: {  	v4 =	vperm.xlane v3, v0;
	_ =	sdelay $0x1  }
0x32e: {  	v4 =	vadd.s32 v1, v4;
	_ =	sdelay $0x4  }
0x32f: {  	[tilespmem:s0], [sflag:$0x5] =	stream.indirect_vreg.gather [hbm4b:s2+s3], $0x80, v4, vm0, $0xb8;
	[tilespmem:$0x19000] =	vst v63  }
0x330: {  	s19 =	simm.s32 $0x11800;
	v3 =	vperm.xlane v3, v2  }
0x331: {  	[tilespmem:s19], [sflag:$0x5] =	stream.indirect_vreg.gather [hbm4b:s5+s3], $0x80, v4, vm0, $0xb8;
	[tilespmem:$0x19000] =	vst v63  }
0x332: {  	v3 =	vadd.s32 v1, v3;
	s19 =	simm.s32 $0x12000  }
0x333: {  	[tilespmem:s19], [sflag:$0x5] =	stream.indirect_vreg.gather [hbm4b:s6+s3], $0x80, v4, vm0, $0xb8;
	[tilespmem:$0x19000] =	vst v63  }
0x334: {  	s19 =	simm.s32 $0x12800  }
0x335: {  	[tilespmem:s19], [sflag:$0x5] =	stream.indirect_vreg.gather [hbm4b:s7+s3], $0x80, v4, vm0, $0xb8;
	[tilespmem:$0x19000] =	vst v63  }
0x336: {  	s19 =	simm.s32 $0x13000  }
0x337: {  	[tilespmem:s19], [sflag:$0x5] =	stream.indirect_vreg.gather [hbm4b:s2+s3], $0x80, v3, vm0, $0xb8;
	[tilespmem:$0x19000] =	vst v63  }
0x338: {  	s19 =	simm.s32 $0x13800  }
0x339: {  	[tilespmem:s19], [sflag:$0x5] =	stream.indirect_vreg.gather [hbm4b:s5+s3], $0x80, v3, vm0, $0xb8;
	[tilespmem:$0x19000] =	vst v63  }
0x33a: {  	s19 =	simm.s32 $0x14000  }
0x33b: {  	[tilespmem:s19], [sflag:$0x5] =	stream.indirect_vreg.gather [hbm4b:s6+s3], $0x80, v3, vm0, $0xb8;
	[tilespmem:$0x19000] =	vst v63  }
0x33c: {  	s19 =	simm.s32 $0x14800  }
0x33d: {  	[tilespmem:s19], [sflag:$0x5] =	stream.indirect_vreg.gather [hbm4b:s7+s3], $0x80, v3, vm0, $0xb8;
	[tilespmem:$0x19000] =	vst v63  }
0x33e: {  	_ =	swait.ge [sflag:s30], $0x4000  }
0x33f: {  	[sflag:s30] =	ssyncset.done $0x0  }
0x340: {  	s8 =	simm.s32 $0x1000;
	s19 =	rddreg [dreg:$0x1c];
	[sflag:s30] =	ssyncadd.s32 $0xFFFFC000  }
0x341: {  	[hbm4b:s19+s3] =	stream.linear.scatter [tilespmem:s8], [sflag:$0x7], $0x4000, $0x38;
	[tilespmem:$0x19000] =	vst v63  }
0x342: {  	_ =	swait.ge [sflag:s17], $0x4000  }
0x343: {  	[sflag:s17] =	ssyncset.done $0x0  }
0x344: {  	[sflag:s17] =	ssyncadd.s32 $0xFFFFC000  }
0x345: {  	v3 =	vld [tilespmem:$0xE80];
	_ =	sdelay $0x4  }
0x346: {  	v61 =	vshll.u32 v3, $0x3  }
0x347: {  	v3 =	vand.u32 $0x7, v3;
	v4 =	vand.u32 $0xFFFFFFC0, v61  }
0x348: {  	v3 =	vor.u32 v3, v4  }
0x349: {  	v4 =	vperm.xlane v3, v0;
	_ =	sdelay $0x1  }
0x34a: {  	v4 =	vadd.s32 v1, v4;
	_ =	sdelay $0x4  }
0x34b: {  	[tilespmem:s21], [sflag:$0x6] =	stream.indirect_vreg.gather [hbm4b:s2+s3], $0x80, v4, vm0, $0xb8;
	[tilespmem:$0x19000] =	vst v63  }
0x34c: {  	s19 =	simm.s32 $0x15800;
	v3 =	vperm.xlane v3, v2  }
0x34d: {  	[tilespmem:s19], [sflag:$0x6] =	stream.indirect_vreg.gather [hbm4b:s5+s3], $0x80, v4, vm0, $0xb8;
	[tilespmem:$0x19000] =	vst v63  }
0x34e: {  	v3 =	vadd.s32 v1, v3;
	s19 =	simm.s32 $0x16000  }
0x34f: {  	[tilespmem:s19], [sflag:$0x6] =	stream.indirect_vreg.gather [hbm4b:s6+s3], $0x80, v4, vm0, $0xb8;
	[tilespmem:$0x19000] =	vst v63  }
0x350: {  	s19 =	simm.s32 $0x16800  }
0x351: {  	[tilespmem:s19], [sflag:$0x6] =	stream.indirect_vreg.gather [hbm4b:s7+s3], $0x80, v4, vm0, $0xb8;
	[tilespmem:$0x19000] =	vst v63  }
0x352: {  	s19 =	simm.s32 $0x17000  }
0x353: {  	[tilespmem:s19], [sflag:$0x6] =	stream.indirect_vreg.gather [hbm4b:s2+s3], $0x80, v3, vm0, $0xb8;
	[tilespmem:$0x19000] =	vst v63  }
0x354: {  	s22 =	simm.s32 $0x17800  }
0x355: {  	[tilespmem:s22], [sflag:$0x6] =	stream.indirect_vreg.gather [hbm4b:s5+s3], $0x80, v3, vm0, $0xb8;
	[tilespmem:$0x19000] =	vst v63  }
0x356: {  	s24 =	simm.s32 $0x18000  }
0x357: {  	[tilespmem:s24], [sflag:$0x6] =	stream.indirect_vreg.gather [hbm4b:s6+s3], $0x80, v3, vm0, $0xb8;
	[tilespmem:$0x19000] =	vst v63  }
0x358: {  	s22 =	simm.s32 $0x18800  }
0x359: {  	[tilespmem:s22], [sflag:$0x6] =	stream.indirect_vreg.gather [hbm4b:s7+s3], $0x80, v3, vm0, $0xb8;
	[tilespmem:$0x19000] =	vst v63  }
0x35a: {  	_ =	swait.ge [sflag:s29], $0x4000  }
0x35b: {  	[sflag:s29] =	ssyncset.done $0x0  }
0x35c: {  	s4 =	simm.s32 $0x5000;
	s24 =	rddreg [dreg:$0x1d];
	[sflag:s29] =	ssyncadd.s32 $0xFFFFC000  }
0x35d: {  	[hbm4b:s24+s3] =	stream.linear.scatter [tilespmem:s4], [sflag:$0x8], $0x4000, $0x38;
	[tilespmem:$0x19000] =	vst v63  }
0x35e: {  	_ =	swait.ge [sflag:s1], $0x4000  }
0x35f: {  	[sflag:s1] =	ssyncset.done $0x0  }
0x360: {  	[sflag:s1] =	ssyncadd.s32 $0xFFFFC000  }
0x361: {  	v3 =	vld [tilespmem:$0xF00];
	_ =	sdelay $0x4  }
0x362: {  	v62 =	vshll.u32 v3, $0x3  }
0x363: {  	v3 =	vand.u32 $0x7, v3;
	v4 =	vand.u32 $0xFFFFFFC0, v62  }
0x364: {  	v3 =	vor.u32 v3, v4  }
0x365: {  	v4 =	vperm.xlane v3, v0;
	_ =	sdelay $0x1  }
0x366: {  	v4 =	vadd.s32 v1, v4;
	_ =	sdelay $0x4  }
0x367: {  	[tilespmem:s8], [sflag:$0x1] =	stream.indirect_vreg.gather [hbm4b:s2+s3], $0x80, v4, vm0, $0xb8;
	[tilespmem:$0x19000] =	vst v63  }
0x368: {  	s22 =	simm.s32 $0x1800;
	v3 =	vperm.xlane v3, v2  }
0x369: {  	[tilespmem:s22], [sflag:$0x1] =	stream.indirect_vreg.gather [hbm4b:s5+s3], $0x80, v4, vm0, $0xb8;
	[tilespmem:$0x19000] =	vst v63  }
0x36a: {  	s24 =	simm.s32 $0x2000;
	v3 =	vadd.s32 v1, v3  }
0x36b: {  	[tilespmem:s24], [sflag:$0x1] =	stream.indirect_vreg.gather [hbm4b:s6+s3], $0x80, v4, vm0, $0xb8;
	[tilespmem:$0x19000] =	vst v63  }
0x36c: {  	s22 =	simm.s32 $0x2800  }
0x36d: {  	[tilespmem:s22], [sflag:$0x1] =	stream.indirect_vreg.gather [hbm4b:s7+s3], $0x80, v4, vm0, $0xb8;
	[tilespmem:$0x19000] =	vst v63  }
0x36e: {  	s24 =	simm.s32 $0x3000  }
0x36f: {  	[tilespmem:s24], [sflag:$0x1] =	stream.indirect_vreg.gather [hbm4b:s2+s3], $0x80, v3, vm0, $0xb8;
	[tilespmem:$0x19000] =	vst v63  }
0x370: {  	s22 =	simm.s32 $0x3800  }
0x371: {  	[tilespmem:s22], [sflag:$0x1] =	stream.indirect_vreg.gather [hbm4b:s5+s3], $0x80, v3, vm0, $0xb8;
	[tilespmem:$0x19000] =	vst v63  }
0x372: {  	s24 =	simm.s32 $0x4000  }
0x373: {  	[tilespmem:s24], [sflag:$0x1] =	stream.indirect_vreg.gather [hbm4b:s6+s3], $0x80, v3, vm0, $0xb8;
	[tilespmem:$0x19000] =	vst v63  }
0x374: {  	s22 =	simm.s32 $0x4800  }
0x375: {  	[tilespmem:s22], [sflag:$0x1] =	stream.indirect_vreg.gather [hbm4b:s7+s3], $0x80, v3, vm0, $0xb8;
	[tilespmem:$0x19000] =	vst v63  }
0x376: {  	_ =	swait.ge [sflag:s23], $0x4000  }
0x377: {  	[sflag:s23] =	ssyncset.done $0x0  }
0x378: {  	s10 =	simm.s32 $0x9000;
	s24 =	rddreg [dreg:$0x1e];
	[sflag:s23] =	ssyncadd.s32 $0xFFFFC000  }
0x379: {  	[hbm4b:s24+s3] =	stream.linear.scatter [tilespmem:s10], [sflag:$0x9], $0x4000, $0x38;
	[tilespmem:$0x19000] =	vst v63  }
0x37a: {  	_ =	swait.ge [sflag:s9], $0x4000  }
0x37b: {  	[sflag:s9] =	ssyncset.done $0x0  }
0x37c: {  	[sflag:s9] =	ssyncadd.s32 $0xFFFFC000  }
0x37d: {  	v3 =	vld [tilespmem:$0xF80];
	_ =	sdelay $0x4  }
0x37e: {  	v63 =	vshll.u32 v3, $0x3  }
0x37f: {  	v3 =	vand.u32 $0x7, v3;
	v4 =	vand.u32 $0xFFFFFFC0, v63  }
0x380: {  	v3 =	vor.u32 v3, v4  }
0x381: {  	v4 =	vperm.xlane v3, v0;
	_ =	sdelay $0x1  }
0x382: {  	v4 =	vadd.s32 v1, v4;
	_ =	sdelay $0x4  }
0x383: {  	[tilespmem:s4], [sflag:$0x2] =	stream.indirect_vreg.gather [hbm4b:s2+s3], $0x80, v4, vm0, $0xb8;
	[tilespmem:$0x19000] =	vst v63  }
0x384: {  	s31 =	simm.s32 $0x5800;
	v3 =	vperm.xlane v3, v2  }
0x385: {  	[tilespmem:s31], [sflag:$0x2] =	stream.indirect_vreg.gather [hbm4b:s5+s3], $0x80, v4, vm0, $0xb8;
	[tilespmem:$0x19000] =	vst v63  }
0x386: {  	s19 =	simm.s32 $0x6000;
	v3 =	vadd.s32 v1, v3  }
0x387: {  	[tilespmem:s19], [sflag:$0x2] =	stream.indirect_vreg.gather [hbm4b:s6+s3], $0x80, v4, vm0, $0xb8;
	[tilespmem:$0x19000] =	vst v63  }
0x388: {  	s20 =	simm.s32 $0x6800  }
0x389: {  	[tilespmem:s20], [sflag:$0x2] =	stream.indirect_vreg.gather [hbm4b:s7+s3], $0x80, v4, vm0, $0xb8;
	[tilespmem:$0x19000] =	vst v63  }
0x38a: {  	s25 =	simm.s32 $0x7000  }
0x38b: {  	[tilespmem:s25], [sflag:$0x2] =	stream.indirect_vreg.gather [hbm4b:s2+s3], $0x80, v3, vm0, $0xb8;
	[tilespmem:$0x19000] =	vst v63  }
0x38c: {  	s26 =	simm.s32 $0x7800  }
0x38d: {  	[tilespmem:s26], [sflag:$0x2] =	stream.indirect_vreg.gather [hbm4b:s5+s3], $0x80, v3, vm0, $0xb8;
	[tilespmem:$0x19000] =	vst v63  }
0x38e: {  	s28 =	simm.s32 $0x8000  }
0x38f: {  	[tilespmem:s28], [sflag:$0x2] =	stream.indirect_vreg.gather [hbm4b:s6+s3], $0x80, v3, vm0, $0xb8;
	[tilespmem:$0x19000] =	vst v63  }
0x390: {  	s20 =	simm.s32 $0x8800  }
0x391: {  	[tilespmem:s20], [sflag:$0x2] =	stream.indirect_vreg.gather [hbm4b:s7+s3], $0x80, v3, vm0, $0xb8;
	[tilespmem:$0x19000] =	vst v63  }
0x392: {  	_ =	swait.ge [sflag:s11], $0x4000  }
0x393: {  	[sflag:s11] =	ssyncset.done $0x0  }
0x394: {  	s18 =	simm.s32 $0xD000;
	s22 =	rddreg [dreg:$0x1f];
	[sflag:s11] =	ssyncadd.s32 $0xFFFFC000  }
0x395: {  	[hbm4b:s22+s3] =	stream.linear.scatter [tilespmem:s18], [sflag:$0xA], $0x4000, $0x38;
	[tilespmem:$0x19000] =	vst v63  }
0x396: {  	_ =	swait.ge [sflag:s13], $0x4000  }
0x397: {  	s24 =	sld [smem:$0x7F9]  }
0x398: {  	[sflag:s13] =	ssyncset.done $0x0  }
0x399: {  	s0 =	simm.s32 $0x11000;
	[sflag:s13] =	ssyncadd.s32 $0xFFFFC000  }
0x39a: {  	[hbm4b:s24+s3] =	stream.linear.scatter [tilespmem:s0], [sflag:$0xB], $0x4000, $0x38;
	[tilespmem:$0x19000] =	vst v63  }
0x39b: {  	_ =	swait.ge [sflag:s15], $0x4000  }
0x39c: {  	s25 =	sld [smem:$0x7FA]  }
0x39d: {  	[sflag:s15] =	ssyncset.done $0x0  }
0x39e: {  	[sflag:s15] =	ssyncadd.s32 $0xFFFFC000  }
0x39f: {  	[hbm4b:s25+s3] =	stream.linear.scatter [tilespmem:s21], [sflag:$0xC], $0x4000, $0x38;
	[tilespmem:$0x19000] =	vst v63  }
0x3a0: {  	_ =	swait.ge [sflag:s30], $0x4000  }
0x3a1: {  	s26 =	sld [smem:$0x7FB]  }
0x3a2: {  	[sflag:s30] =	ssyncset.done $0x0  }
0x3a3: {  	[sflag:s30] =	ssyncadd.s32 $0xFFFFC000  }
0x3a4: {  	[hbm4b:s26+s3] =	stream.linear.scatter [tilespmem:s8], [sflag:$0x7], $0x4000, $0x38;
	[tilespmem:$0x19000] =	vst v63  }
0x3a5: {  	_ =	swait.ge [sflag:s29], $0x4000  }
0x3a6: {  	s28 =	sld [smem:$0x7FD]  }
0x3a7: {  	[sflag:s29] =	ssyncset.done $0x0  }
0x3a8: {  	[sflag:s29] =	ssyncadd.s32 $0xFFFFC000  }
0x3a9: {  	[hbm4b:s28+s3] =	stream.linear.scatter [tilespmem:s4], [sflag:$0x8], $0x4000, $0x38;
	[tilespmem:$0x19000] =	vst v63  }
0x3aa: {  	s31 =	sld [smem:$0x7F8];
	_ =	swait.ge [sflag:s12], $0x4000  }
0x3ab: {  	[sflag:s12] =	ssyncset.done $0x0  }
0x3ac: {  	[sflag:s12] =	ssyncadd.s32 $0xFFFFC000  }
0x3ad: {  	_ =	swait.ge [sflag:s14], $0x4000  }
0x3ae: {  	[sflag:s14] =	ssyncset.done $0x0  }
0x3af: {  	[sflag:s14] =	ssyncadd.s32 $0xFFFFC000  }
0x3b0: {  	_ =	swait.ge [sflag:s16], $0x4000  }
0x3b1: {  	[sflag:s16] =	ssyncset.done $0x0  }
0x3b2: {  	[sflag:s16] =	ssyncadd.s32 $0xFFFFC000  }
0x3b3: {  	_ =	swait.ge [sflag:s17], $0x4000  }
0x3b4: {  	[sflag:s17] =	ssyncset.done $0x0  }
0x3b5: {  	[sflag:s17] =	ssyncadd.s32 $0xFFFFC000  }
0x3b6: {  	p0 =	sne.s32 s31, $0x1;
	_ =	swait.ge [sflag:s1], $0x4000  }
.Ltmp0:
0x3b7: {  	[sflag:s1] =	ssyncset.done $0x0;
	(pc) =	sbr.rel @p0 .LBB2_1-.Ltmp0, $4  }
0x3b8: {  	[sflag:s1] =	ssyncadd.s32 $0xFFFFC000  }
0x3b9: {  	_ =	swait.ge [sflag:s9], $0x4000  }
0x3ba: {  	[sflag:s9] =	ssyncset.done $0x0  }
0x3bb: {  	s4 =	sadd.s32 $0xFFFFFFFF, s31;
	[sflag:s9] =	ssyncadd.s32 $0xFFFFC000  }
0x3bc: {  	_ =	sfence.sel $0x180000  }
0x3bd: {  	[bflag:$0x0] =	sbarrier.arrive $0xFFFF  }
0x3be: {  	_ =	strace $0x90000047  }
0x3bf: {  	s0 =	stileid.u32;
	[bflag:$0x2] =	sbarrier.arrive $0xFFFF  }
0x3c0: {  	p0 =	sne.s32 s0, $0x0;
	s0 =	rddreg [dreg:$0x3]  }
0x3c1: {  	s0 =	sadd.s32 @!p0 $0x100000, s0  }
0x3c2: {  	[sflag:s0] =	ssyncadd.tile.s32 @!p0 $0x1;
	_ =	shalt  }
.Lfunc_end2:
_tile_overlayer_lowered:
.L_overlay_start_2:
0x3c3: {  	(tag) =	ssettag $0x2  }
0x3c4: {  	s0 =	rddreg [dreg:$0x0];
	s2 =	stileid.u32  }
0x3c5: {  	s1 =	rddreg [dreg:$0x1];
	p0 =	sne.s32 s2, $0x0  }
0x3c6: {  	s3 =	rddreg [dreg:$0x2];
	[bflag:$0x3] =	sbarrier.arrive $0xFFFF;
	s2 =	simm.s32 @!p0 $0x1C0D  }
0x3c7: {  	[timem:s3], [sflag:s2] =	dma.local @!p0 [hbm:s0], s1  }
0x3c8: {  	s0 =	simm.s32 @!p0 $0xD  }
0x3c9: {  	_ =	swait.ge @!p0 [sflag:s0], s1  }
0x3ca: {  	s1 =	ssub.s32 @!p0 $0x0, s1;
	[sflag:s0] =	ssyncset.done @!p0 $0x0  }
0x3cb: {  	[sflag:s0] =	ssyncadd.s32 @!p0 s1  }
0x3cc: {  	[bflag:$0x3] =	sbarrier.arrive $0xFFFF  }
0x3cd: {  	_ =	shalt  }

</sc_bundles>
